<compile_context>
chip_gen: v7x
topology: tpu7x:2x2x1
jax: 0.10.2.dev20260603
libtpu: 0.0.44.dev20260713+nightly
codegen_flags: <defaults>
</compile_context>

<pallas_src>
import functools

import jax
import jax.numpy as jnp
from jax import lax
from jax.experimental import pallas as pl
from jax.experimental.pallas import tpu as pltpu
from jax.experimental.pallas import tpu_sc as plsc

_N = 10000
_IN_F = 128
_OUT_F = 128
_C = 64
_RADIUS = 0.1
_MAX_NB = 64
_NUM_KP = 16
_KP_EXTENT = _RADIUS / 1.5
_M = 2500
_LANES = 128
_ROWS = 80
_NPAD = _ROWS * _LANES
_TPAD = _NPAD + 16

_NW = 32
_QPT = 80
_MPAD = _NW * _QPT
_CAP = 256
_CLAMP = 224
_NCHUNK = _NPAD // 16

_R2 = _RADIUS * _RADIUS
_EXT2 = _KP_EXTENT ** 2



def _fps_body(posx, posy, posz, d0, psx, psy, psz, out_ref, dists):
    dists[...] = d0[...]
    row = jax.lax.broadcasted_iota(jnp.int32, (_ROWS, _LANES), 0)
    col = jax.lax.broadcasted_iota(jnp.int32, (_ROWS, _LANES), 1)
    flat = row * _LANES + col
    out_ref[0] = 0

    def body(i, carry):
        lx, ly, lz = carry
        dx = posx[...] - lx
        dy = posy[...] - ly
        dz = posz[...] - lz
        d = (dx * dx + dy * dy) + dz * dz
        nd = jnp.minimum(dists[...], d)
        dists[...] = nd
        m = jnp.max(nd)
        sel = nd == m
        j = jnp.min(jnp.where(sel, flat, _NPAD))
        out_ref[i] = j
        return (psx[j], psy[j], psz[j])

    jax.lax.fori_loop(1, _M, body, (psx[0], psy[0], psz[0]))


def _fps(posx, posy, posz, d0, p1x, p1y, p1z):
    return pl.pallas_call(
        _fps_body,
        out_shape=jax.ShapeDtypeStruct((_M,), jnp.int32),
        in_specs=[pl.BlockSpec(memory_space=pltpu.VMEM)] * 4
        + [pl.BlockSpec(memory_space=pltpu.SMEM)] * 3,
        out_specs=pl.BlockSpec(memory_space=pltpu.SMEM),
        scratch_shapes=[pltpu.VMEM((_ROWS, _LANES), jnp.float32)],
    )(posx, posy, posz, d0, p1x, p1y, p1z)


def _fps_idx(pos):
    pad = _NPAD - _N
    p1x = jnp.pad(pos[:, 0], (0, pad))
    p1y = jnp.pad(pos[:, 1], (0, pad))
    p1z = jnp.pad(pos[:, 2], (0, pad))
    px = p1x.reshape(_ROWS, _LANES)
    py = p1y.reshape(_ROWS, _LANES)
    pz = p1z.reshape(_ROWS, _LANES)
    valid = (jnp.arange(_NPAD) < _N).reshape(_ROWS, _LANES)
    d0 = jnp.where(valid, jnp.inf, -jnp.inf).astype(jnp.float32)
    return _fps(px, py, pz, d0, p1x, p1y, p1z)



def _pre_body(x_ref, w_ref, b_ref, o_ref):
    o_ref[...] = (jnp.dot(x_ref[...], w_ref[...],
                          preferred_element_type=jnp.float32)
                  + b_ref[...]).astype(jnp.bfloat16)


_PERM = [h * 32 + (i // 2) + 16 * (i % 2) for h in range(_C // 32)
         for i in range(32)]


def _pre_matmul(x, W_pre, b_pre):
    blk = 1000
    perm = jnp.asarray(_PERM, dtype=jnp.int32)
    Wp = W_pre[:, perm]
    bp = b_pre[perm].reshape(1, _C)
    return pl.pallas_call(
        _pre_body,
        grid=(_N // blk,),
        in_specs=[
            pl.BlockSpec((blk, _IN_F), lambda i: (i, 0)),
            pl.BlockSpec((_IN_F, _C), lambda i: (0, 0)),
            pl.BlockSpec((1, _C), lambda i: (0, 0)),
        ],
        out_specs=pl.BlockSpec((blk, _C), lambda i: (i, 0)),
        out_shape=jax.ShapeDtypeStruct((_N, _C), jnp.bfloat16),
    )(x, Wp, bp)



def _sc_stage(posx, posy, posz, batch_pad, idx_pad, x_side, x, kpx, kpy, kpz):
    mesh = plsc.VectorSubcoreMesh(core_axis_name="c", subcore_axis_name="s")

    @functools.partial(
        pl.kernel,
        out_type=(
            jax.ShapeDtypeStruct((_MPAD, _NUM_KP * _C), jnp.float32),
            jax.ShapeDtypeStruct((_MPAD, _IN_F), jnp.float32),
            jax.ShapeDtypeStruct((_MPAD,), jnp.float32),
            jax.ShapeDtypeStruct((_MPAD,), jnp.float32),
            jax.ShapeDtypeStruct((_MPAD,), jnp.float32),
            jax.ShapeDtypeStruct((_MPAD,), jnp.int32),
        ),
        mesh=mesh,
        compiler_params=pltpu.CompilerParams(needs_layout_passes=False, use_tc_tiling_on_sc=False),
        scratch_types=[
            pltpu.VMEM((_TPAD,), jnp.float32),
            pltpu.VMEM((_TPAD,), jnp.float32),
            pltpu.VMEM((_TPAD,), jnp.float32),
            pltpu.VMEM((_NPAD,), jnp.int32),
            pltpu.VMEM((_QPT,), jnp.int32),
            pltpu.VMEM((_QPT + 16,), jnp.float32),
            pltpu.VMEM((_QPT + 16,), jnp.float32),
            pltpu.VMEM((_QPT + 16,), jnp.float32),
            pltpu.VMEM((_QPT,), jnp.int32),
            pltpu.VMEM((_QPT, _IN_F), jnp.float32),
            pltpu.VMEM((_NCHUNK,), jnp.int32),
            pltpu.VMEM((_CAP,), jnp.int32),
            pltpu.VMEM((_CAP,), jnp.int32),
            pltpu.VMEM((_CAP,), jnp.float32),
            pltpu.VMEM((_QPT,), jnp.int32),
            pltpu.VMEM((_QPT * _MAX_NB + 16,), jnp.int32),
            pltpu.VMEM((_QPT + 16,), jnp.int32),
            pltpu.VMEM((8 * _MAX_NB, _C), jnp.bfloat16),
            pltpu.VMEM((_NUM_KP * _C,), jnp.float32),
            pltpu.VMEM((16,), jnp.float32),
            pltpu.VMEM((16,), jnp.float32),
            pltpu.VMEM((16,), jnp.float32),
            pltpu.SemaphoreType.DMA,
            pltpu.SemaphoreType.DMA,
        ],
    )
    def sc_kernel(posx_h, posy_h, posz_h, batch_h, idx_h, xside_h, x_h,
                  kpx_h, kpy_h, kpz_h,
                  S_h, xg_h, pox_h, poy_h, poz_h, pob_h,
                  posx_v, posy_v, posz_v, batch_v, idx_v,
                  qx_v, qy_v, qz_v, qb_v, xg_v,
                  actflg_v, act_v, cand_v, d2s_v, cand64_v,
                  cand_all_v, cnt_all_v, xrb, Sq_v,
                  kpx_v, kpy_v, kpz_v, dsem, s0):
        wid = lax.axis_index("s") * 2 + lax.axis_index("c")
        base = wid * _QPT

        pltpu.sync_copy(posx_h, posx_v)
        pltpu.sync_copy(posy_h, posy_v)
        pltpu.sync_copy(posz_h, posz_v)
        pltpu.sync_copy(batch_h, batch_v)
        pltpu.sync_copy(idx_h.at[pl.ds(base, _QPT)], idx_v)
        pltpu.sync_copy(kpx_h, kpx_v)
        pltpu.sync_copy(kpy_h, kpy_v)
        pltpu.sync_copy(kpz_h, kpz_v)

        iota16 = lax.iota(jnp.int32, 16)
        zero16f = jnp.zeros((16,), jnp.float32)
        zero16i = jnp.zeros((16,), jnp.int32)
        lane0 = iota16 == 0
        r2 = jnp.float32(_R2)
        rext2 = jnp.float32(1.0 / _EXT2)

        for g in range(_QPT // 16):
            iv = idx_v[pl.ds(g * 16, 16)]
            qx_v[pl.ds(g * 16, 16)] = plsc.load_gather(posx_v, [iv])
            qy_v[pl.ds(g * 16, 16)] = plsc.load_gather(posy_v, [iv])
            qz_v[pl.ds(g * 16, 16)] = plsc.load_gather(posz_v, [iv])
            qb_v[pl.ds(g * 16, 16)] = plsc.load_gather(batch_v, [iv])
        pltpu.sync_copy(qx_v.at[pl.ds(0, _QPT)], pox_h.at[pl.ds(base, _QPT)])
        pltpu.sync_copy(qy_v.at[pl.ds(0, _QPT)], poy_h.at[pl.ds(base, _QPT)])
        pltpu.sync_copy(qz_v.at[pl.ds(0, _QPT)], poz_h.at[pl.ds(base, _QPT)])
        pltpu.sync_copy(qb_v, pob_h.at[pl.ds(base, _QPT)])

        pltpu.async_copy(x_h.at[idx_v], xg_v, dsem).wait()
        pltpu.sync_copy(xg_v, xg_h.at[pl.ds(base, _QPT)])

        kpx16 = kpx_v[...]
        kpy16 = kpy_v[...]
        kpz16 = kpz_v[...]

        def select_query(ql, _):
            qx = qx_v[pl.ds(ql, 16)][0]
            qy = qy_v[pl.ds(ql, 16)][0]
            qz = qz_v[pl.ds(ql, 16)][0]

            for t in range(_MAX_NB // 16):
                cand_v[pl.ds(t * 16, 16)] = zero16i
            for t in range(_QPT // 16):
                cand64_v[pl.ds(t * 16, 16)] = zero16i

            @plsc.parallel_loop(0, _NCHUNK // 16, step=1)
            def _p1(g):
                flg = zero16i
                for k in range(16):
                    of = g * 256 + k * 16
                    px = posx_v[pl.ds(of, 16)]
                    py = posy_v[pl.ds(of, 16)]
                    pz = posz_v[pl.ds(of, 16)]
                    dx = px - qx
                    dy = py - qy
                    dz = pz - qz
                    d2 = (dx * dx + dy * dy) + dz * dz
                    msk = d2 <= r2
                    pc = plsc.all_reduce_population_count(msk)
                    flg = flg + jnp.where(iota16 == k, pc, 0)
                actflg_v[pl.ds(g * 16, 16)] = flg

            def p2a(v, na):
                fv = actflg_v[pl.ds(v * 16, 16)]
                am = fv > 0
                plsc.store_compressed(act_v.at[pl.ds(na, 16)],
                                      iota16 + v * 16, mask=am)
                return jnp.minimum(na + jnp.sum(am.astype(jnp.int32)), _CLAMP)

            na = lax.fori_loop(0, _NCHUNK // 16, p2a, jnp.int32(0))

            def p2b(a, cnt):
                c = act_v[pl.ds(a, 16)][0]
                of = c * 16
                px = posx_v[pl.ds(of, 16)]
                py = posy_v[pl.ds(of, 16)]
                pz = posz_v[pl.ds(of, 16)]
                dx = px - qx
                dy = py - qy
                dz = pz - qz
                d2 = (dx * dx + dy * dy) + dz * dz
                msk = d2 <= r2
                plsc.store_compressed(cand_v.at[pl.ds(cnt, 16)],
                                      iota16 + of, mask=msk)
                plsc.store_compressed(d2s_v.at[pl.ds(cnt, 16)], d2, mask=msk)
                pc = jnp.sum(msk.astype(jnp.int32))
                return jnp.minimum(cnt + pc, _CLAMP)

            cnt = lax.fori_loop(0, na, p2b, jnp.int32(0))

            @pl.when(cnt > _MAX_NB)
            def _rare():
                nch = (_CLAMP + 15) // 16

                def extract(k, _):
                    def mn(b, m):
                        db = d2s_v[pl.ds(b * 16, 16)]
                        valid = (iota16 + b * 16) < cnt
                        return jnp.minimum(
                            m, jnp.min(jnp.where(valid, db, jnp.inf)))
                    m = lax.fori_loop(0, nch, mn, jnp.float32(jnp.inf))

                    def fpos(b, p):
                        db = d2s_v[pl.ds(b * 16, 16)]
                        valid = (iota16 + b * 16) < cnt
                        cp = jnp.min(jnp.where((db == m) & valid,
                                               iota16 + b * 16,
                                               jnp.int32(10 ** 6)))
                        return jnp.minimum(p, cp)
                    p = lax.fori_loop(0, nch, fpos, jnp.int32(10 ** 6))
                    val = cand_v[pl.ds(p, 16)][0]
                    plsc.store_scatter(cand64_v, [zero16i + k],
                                       zero16i + val, mask=lane0)
                    plsc.store_scatter(d2s_v, [zero16i + p],
                                       zero16f + jnp.inf, mask=lane0)
                    return 0

                lax.fori_loop(0, _MAX_NB, extract, 0)

            @pl.when(cnt <= _MAX_NB)
            def _common():
                for t in range(_MAX_NB // 16):
                    cand64_v[pl.ds(t * 16, 16)] = cand_v[pl.ds(t * 16, 16)]

            cnt64 = jnp.minimum(cnt, _MAX_NB)
            plsc.store_scatter(cnt_all_v, [zero16i + ql],
                               zero16i + cnt64, mask=lane0)
            for t in range(_MAX_NB // 16):
                cand_all_v[pl.ds(ql * _MAX_NB + t * 16, 16)] = (
                    cand64_v[pl.ds(t * 16, 16)])
            return 0

        lax.fori_loop(0, _QPT, select_query, 0)

        def process(q, _):
            qx = qx_v[pl.ds(q, 16)][0]
            qy = qy_v[pl.ds(q, 16)][0]
            qz = qz_v[pl.ds(q, 16)][0]
            cnt64 = cnt_all_v[pl.ds(q, 16)][0]
            ro = (q % 8) * _MAX_NB

            def zloop(t, _2):
                Sq_v[pl.ds(t * 16, 16)] = zero16f
                return 0
            lax.fori_loop(0, _NUM_KP * _C // 16, zloop, 0)

            def slot(s, _2):
                j = cand_all_v[pl.ds(q * _MAX_NB + s, 16)][0]
                valid = s < cnt64
                dxe = posx_v[pl.ds(j, 16)][0] - qx
                dye = posy_v[pl.ds(j, 16)][0] - qy
                dze = posz_v[pl.ds(j, 16)][0] - qz
                dvx = dxe - kpx16
                dvy = dye - kpy16
                dvz = dze - kpz16
                sq = (dvx * dvx + dvy * dvy) + dvz * dvz
                minv = jnp.min(sq)
                nn = jnp.min(jnp.where(sq == minv, iota16, jnp.int32(16)))
                w = jnp.maximum(1.0 - minv * rext2, 0.0)
                w = jnp.where(valid, w, jnp.float32(0.0))
                off = nn * _C
                for t in range(_C // 32):
                    seg = xrb[ro + s, pl.ds(t * 32, 32)]
                    xa, xb2 = plsc.unpack(seg, format=plsc.PackFormat.INTERLEAVED)
                    plsc.addupdate(Sq_v.at[pl.ds(off + t * 32, 16)], w * xa)
                    plsc.addupdate(Sq_v.at[pl.ds(off + t * 32 + 16, 16)],
                                   w * xb2)
                return 0

            lax.fori_loop(0, _MAX_NB, slot, 0)
            pltpu.sync_copy(Sq_v, S_h.at[base + q])
            return 0

        def batch8(g, _):
            q0 = g * 8
            pltpu.async_copy(
                xside_h.at[cand_all_v.at[pl.ds(q0 * _MAX_NB, 8 * _MAX_NB)]],
                xrb, s0).wait()
            lax.fori_loop(q0, q0 + 8, process, 0)
            return 0

        lax.fori_loop(0, _QPT // 8, batch8, 0)

    return sc_kernel(posx, posy, posz, batch_pad, idx_pad, x_side, x,
                     kpx, kpy, kpz)



def _tail_body(S_ref, kw_ref, wp_ref, xg_ref, wsc_ref, b_ref, o_ref):
    aggr = jnp.dot(S_ref[...], kw_ref[...], preferred_element_type=jnp.float32)
    o = jnp.dot(aggr, wp_ref[...], preferred_element_type=jnp.float32)
    o = o + jnp.dot(xg_ref[...], wsc_ref[...],
                    preferred_element_type=jnp.float32)
    o_ref[...] = o + b_ref[...]


def _tail(S, KWf, W_post, xg, W_sc, bsum):
    blk = 512
    return pl.pallas_call(
        _tail_body,
        grid=(_MPAD // blk,),
        in_specs=[
            pl.BlockSpec((blk, _NUM_KP * _C), lambda i: (i, 0)),
            pl.BlockSpec((_NUM_KP * _C, _C), lambda i: (0, 0)),
            pl.BlockSpec((_C, _OUT_F), lambda i: (0, 0)),
            pl.BlockSpec((blk, _IN_F), lambda i: (i, 0)),
            pl.BlockSpec((_IN_F, _OUT_F), lambda i: (0, 0)),
            pl.BlockSpec((1, _OUT_F), lambda i: (0, 0)),
        ],
        out_specs=pl.BlockSpec((blk, _OUT_F), lambda i: (i, 0)),
        out_shape=jax.ShapeDtypeStruct((_MPAD, _OUT_F), jnp.float32),
    )(S, KWf, W_post, xg, W_sc, bsum)



def kernel(x, pos, batch, W_pre, b_pre, kernel, kernel_weight, W_post,
           b_post, W_sc, b_sc):
    idx = _fps_idx(pos)
    idx_pad = jnp.pad(idx, (0, _MPAD - _M))

    x_side = _pre_matmul(x, W_pre, b_pre)

    big = jnp.full((_TPAD - _N,), 1e9, dtype=jnp.float32)
    posx = jnp.concatenate([pos[:, 0], big])
    posy = jnp.concatenate([pos[:, 1], big])
    posz = jnp.concatenate([pos[:, 2], big])
    batch_pad = jnp.pad(batch, (0, _NPAD - _N))
    kpx = kernel[0, :, 0]
    kpy = kernel[0, :, 1]
    kpz = kernel[0, :, 2]

    S, xg, pox, poy, poz, pob = _sc_stage(
        posx, posy, posz, batch_pad, idx_pad, x_side, x, kpx, kpy, kpz)

    KWf = kernel_weight.reshape(_NUM_KP * _C, _C)
    bsum = (b_post + b_sc).reshape(1, _OUT_F)
    out = _tail(S, KWf, W_post, xg, W_sc, bsum)[:_M]

    pos_out = jnp.stack([pox[:_M], poy[:_M], poz[:_M]], axis=1)
    batch_out = pob[:_M]
    return out, pos_out, batch_out

# --- scband reference (transcript-rebuilt; emitter-appended) ---
"""Pipeline reference for scband-residual-bkpconv-14568529068256 (READ-ONLY COPY).

The authoritative reference and input builder live on the scoring server;
editing this copy changes nothing except your own understanding.
"""

import jax, jax.numpy as jnp
import numpy as np

N = 10000
IN_F = 128
OUT_F = 128
C = IN_F // 2
RATIO = 0.25
RADIUS = 0.1
MAX_NB = 64
NUM_KP = 16
KP_EXTENT = RADIUS / 1.5


def fps(pos, n_samples):
    n = pos.shape[0]
    def body(i, state):
        idx, dists = state
        last = idx[i - 1]
        d = jnp.sum((pos - pos[last]) ** 2, axis=-1)
        dists = jnp.minimum(dists, d)
        nxt = jnp.argmax(dists).astype(jnp.int32)
        idx = idx.at[i].set(nxt)
        return idx, dists
    idx0 = jnp.zeros((n_samples,), dtype=jnp.int32)
    dists0 = jnp.full((n,), jnp.inf, dtype=jnp.float32)
    idx, _ = jax.lax.fori_loop(1, n_samples, body, (idx0, dists0))
    return idx


def radius_neighbors(pos, qpos, r, k):
    d2 = jnp.sum((qpos[:, None, :] - pos[None, :, :]) ** 2, axis=-1)
    negd, cols = jax.lax.top_k(-d2, k)
    mask = (-negd) <= r * r
    rows = jnp.broadcast_to(jnp.arange(qpos.shape[0], dtype=jnp.int32)[:, None], cols.shape)
    return rows.reshape(-1), cols.reshape(-1).astype(jnp.int32), mask.reshape(-1)


def setup_inputs(seed: int = 0):
    key = jax.random.key(seed)
    ks = jax.random.split(key, 12)
    x = jax.random.normal(ks[0], (N, IN_F), dtype=jnp.float32)
    pos = jax.random.uniform(ks[1], (N, 3), dtype=jnp.float32)
    batch = jnp.zeros((N,), dtype=jnp.int32)
    W_pre = jax.random.normal(ks[2], (IN_F, C), dtype=jnp.float32) / jnp.sqrt(IN_F)
    b_pre = jnp.zeros((C,), dtype=jnp.float32)
    kernel = jax.random.uniform(ks[3], (1, NUM_KP, 3), minval=-RADIUS, maxval=RADIUS, dtype=jnp.float32)
    kernel_weight = jax.random.normal(ks[4], (NUM_KP, C, C), dtype=jnp.float32) / jnp.sqrt(C)
    W_post = jax.random.normal(ks[5], (C, OUT_F), dtype=jnp.float32) / jnp.sqrt(C)
    b_post = jnp.zeros((OUT_F,), dtype=jnp.float32)
    W_sc = jax.random.normal(ks[6], (IN_F, OUT_F), dtype=jnp.float32) / jnp.sqrt(IN_F)
    b_sc = jnp.zeros((OUT_F,), dtype=jnp.float32)
    return dict(x=x, pos=pos, batch=batch, W_pre=W_pre, b_pre=b_pre, kernel=kernel, kernel_weight=kernel_weight, W_post=W_post, b_post=b_post, W_sc=W_sc, b_sc=b_sc)


def reference(x, pos, batch, W_pre, b_pre, kernel, kernel_weight, W_post, b_post, W_sc, b_sc):
    n = pos.shape[0]
    m = int(round(n * RATIO))
    idx = fps(pos, m)
    row, col, mask = radius_neighbors(pos, pos[idx], RADIUS, MAX_NB)
    x_side = x @ W_pre + b_pre
    pos_i = pos[idx][row]
    pos_j = pos[col]
    x_j = x_side[col]
    neighbors = pos_j - pos_i
    kp = kernel.reshape(-1, 3)
    differences = neighbors[:, None, :] - kp[None, :, :]
    sq_distances = jnp.sum(differences ** 2, axis=-1)
    all_weights = jnp.maximum(1.0 - sq_distances / (KP_EXTENT ** 2), 0.0)
    nn1 = jnp.argmin(sq_distances, axis=-1)
    w = jnp.take_along_axis(all_weights, nn1[:, None], axis=1)
    Kw = jnp.take(kernel_weight, nn1, axis=0)
    weighted_features = w * x_j
    msg = jnp.einsum('na,nac->nc', weighted_features, Kw)
    msg = msg * mask[:, None].astype(msg.dtype)
    aggr = jax.ops.segment_sum(msg, row, num_segments=m)
    x_side_out = aggr @ W_post + b_post
    x_shortcut = jnp.take(x, idx, axis=0) @ W_sc + b_sc
    out = x_side_out + x_shortcut
    return out, jnp.take(pos, idx, axis=0), jnp.take(batch, idx, axis=0)

if __name__ == "__main__":
    import jax
    _d = setup_inputs()
    print(jax.jit(kernel)(*tuple(_d.values())))

</pallas_src>

<mosaic_0001>
#map = affine_map<(d0, d1) -> (0)>
#map1 = affine_map<(d0, d1) -> (0, 0)>
module attributes {stable_mosaic.version = 14 : i64} {
  func.func @sc_kernel(%arg0: i32, %arg1: i32, %arg2: memref<10256xf32, #tpu.memory_space<hbm>>, %arg3: memref<10256xf32, #tpu.memory_space<hbm>>, %arg4: memref<10256xf32, #tpu.memory_space<hbm>>, %arg5: memref<10240xi32, #tpu.memory_space<hbm>>, %arg6: memref<2560xi32, #tpu.memory_space<hbm>>, %arg7: memref<10000x64xbf16, #tpu.memory_space<hbm>>, %arg8: memref<10000x128xf32, #tpu.memory_space<hbm>>, %arg9: memref<16xf32, #tpu.memory_space<hbm>>, %arg10: memref<16xf32, #tpu.memory_space<hbm>>, %arg11: memref<16xf32, #tpu.memory_space<hbm>>, %arg12: memref<2560x1024xf32, #tpu.memory_space<hbm>>, %arg13: memref<2560x128xf32, #tpu.memory_space<hbm>>, %arg14: memref<2560xf32, #tpu.memory_space<hbm>>, %arg15: memref<2560xf32, #tpu.memory_space<hbm>>, %arg16: memref<2560xf32, #tpu.memory_space<hbm>>, %arg17: memref<2560xi32, #tpu.memory_space<hbm>>, %arg18: memref<10256xf32, #tpu.memory_space<vmem>>, %arg19: memref<10256xf32, #tpu.memory_space<vmem>>, %arg20: memref<10256xf32, #tpu.memory_space<vmem>>, %arg21: memref<10240xi32, #tpu.memory_space<vmem>>, %arg22: memref<80xi32, #tpu.memory_space<vmem>>, %arg23: memref<96xf32, #tpu.memory_space<vmem>>, %arg24: memref<96xf32, #tpu.memory_space<vmem>>, %arg25: memref<96xf32, #tpu.memory_space<vmem>>, %arg26: memref<80xi32, #tpu.memory_space<vmem>>, %arg27: memref<80x128xf32, #tpu.memory_space<vmem>>, %arg28: memref<640xi32, #tpu.memory_space<vmem>>, %arg29: memref<256xi32, #tpu.memory_space<vmem>>, %arg30: memref<256xi32, #tpu.memory_space<vmem>>, %arg31: memref<256xf32, #tpu.memory_space<vmem>>, %arg32: memref<80xi32, #tpu.memory_space<vmem>>, %arg33: memref<5136xi32, #tpu.memory_space<vmem>>, %arg34: memref<96xi32, #tpu.memory_space<vmem>>, %arg35: memref<512x64xbf16, #tpu.memory_space<vmem>>, %arg36: memref<1024xf32, #tpu.memory_space<vmem>>, %arg37: memref<16xf32, #tpu.memory_space<vmem>>, %arg38: memref<16xf32, #tpu.memory_space<vmem>>, %arg39: memref<16xf32, #tpu.memory_space<vmem>>, %arg40: memref<!tpu.dma_semaphore, #tpu.memory_space<semaphore_mem>>, %arg41: memref<!tpu.dma_semaphore, #tpu.memory_space<semaphore_mem>>) attributes {dimension_semantics = [#tpu.dimension_semantics<core_parallel>, #tpu.dimension_semantics<subcore_parallel>], iteration_bounds = array<i64: 2, 16>, scalar_prefetch = 0 : i64, scratch_operands = 24 : i64, tpu.core_type = #tpu.core_type<sc_vector_subcore>, window_params = [{transform_indices = #map}, {transform_indices = #map}, {transform_indices = #map}, {transform_indices = #map}, {transform_indices = #map}, {transform_indices = #map1}, {transform_indices = #map1}, {transform_indices = #map}, {transform_indices = #map}, {transform_indices = #map}, {transform_indices = #map1}, {transform_indices = #map1}, {transform_indices = #map}, {transform_indices = #map}, {transform_indices = #map}, {transform_indices = #map}]} {
    %mul3A = arith.constant 2 : i32
    %mul3A_0 = arith.muli %arg1, %mul3A : i32
    %add3A = arith.addi %mul3A_0, %arg0 : i32
    %mul3A_1 = arith.constant 80 : i32
    %mul3A_2 = arith.muli %add3A, %mul3A_1 : i32
    "tpu.region"() ({
      %run_scoped3A = tpu.sem_alloc : memref<!tpu.dma_semaphore, #tpu.memory_space<semaphore_mem>>
      tpu.enqueue_dma source(%arg2 : memref<10256xf32, #tpu.memory_space<hbm>>) target(%arg18 : memref<10256xf32, #tpu.memory_space<vmem>>) target_semaphore(%run_scoped3A : memref<!tpu.dma_semaphore, #tpu.memory_space<semaphore_mem>>)
      tpu.wait_dma2 semaphore(%run_scoped3A : memref<!tpu.dma_semaphore, #tpu.memory_space<semaphore_mem>>) src(%arg2 : memref<10256xf32, #tpu.memory_space<hbm>>) dst(%arg18 : memref<10256xf32, #tpu.memory_space<vmem>>)
      tpu.yield
    }) : () -> ()
    "tpu.region"() ({
      %run_scoped3A = tpu.sem_alloc : memref<!tpu.dma_semaphore, #tpu.memory_space<semaphore_mem>>
      tpu.enqueue_dma source(%arg3 : memref<10256xf32, #tpu.memory_space<hbm>>) target(%arg19 : memref<10256xf32, #tpu.memory_space<vmem>>) target_semaphore(%run_scoped3A : memref<!tpu.dma_semaphore, #tpu.memory_space<semaphore_mem>>)
      tpu.wait_dma2 semaphore(%run_scoped3A : memref<!tpu.dma_semaphore, #tpu.memory_space<semaphore_mem>>) src(%arg3 : memref<10256xf32, #tpu.memory_space<hbm>>) dst(%arg19 : memref<10256xf32, #tpu.memory_space<vmem>>)
      tpu.yield
    }) : () -> ()
    "tpu.region"() ({
      %run_scoped3A = tpu.sem_alloc : memref<!tpu.dma_semaphore, #tpu.memory_space<semaphore_mem>>
      tpu.enqueue_dma source(%arg4 : memref<10256xf32, #tpu.memory_space<hbm>>) target(%arg20 : memref<10256xf32, #tpu.memory_space<vmem>>) target_semaphore(%run_scoped3A : memref<!tpu.dma_semaphore, #tpu.memory_space<semaphore_mem>>)
      tpu.wait_dma2 semaphore(%run_scoped3A : memref<!tpu.dma_semaphore, #tpu.memory_space<semaphore_mem>>) src(%arg4 : memref<10256xf32, #tpu.memory_space<hbm>>) dst(%arg20 : memref<10256xf32, #tpu.memory_space<vmem>>)
      tpu.yield
    }) : () -> ()
    "tpu.region"() ({
      %run_scoped3A = tpu.sem_alloc : memref<!tpu.dma_semaphore, #tpu.memory_space<semaphore_mem>>
      tpu.enqueue_dma source(%arg5 : memref<10240xi32, #tpu.memory_space<hbm>>) target(%arg21 : memref<10240xi32, #tpu.memory_space<vmem>>) target_semaphore(%run_scoped3A : memref<!tpu.dma_semaphore, #tpu.memory_space<semaphore_mem>>)
      tpu.wait_dma2 semaphore(%run_scoped3A : memref<!tpu.dma_semaphore, #tpu.memory_space<semaphore_mem>>) src(%arg5 : memref<10240xi32, #tpu.memory_space<hbm>>) dst(%arg21 : memref<10240xi32, #tpu.memory_space<vmem>>)
      tpu.yield
    }) : () -> ()
    "tpu.region"() ({
      %run_scoped3A = tpu.sem_alloc : memref<!tpu.dma_semaphore, #tpu.memory_space<semaphore_mem>>
      %dma_start3A_100 = tpu.memref_slice %arg6[%mul3A_2] : memref<2560xi32, #tpu.memory_space<hbm>> -> memref<80xi32, #tpu.memory_space<hbm>>
      %dma_start3A_101 = tpu.memref_slice %arg6[%mul3A_2] : memref<2560xi32, #tpu.memory_space<hbm>> -> memref<80xi32, #tpu.memory_space<hbm>>
      tpu.enqueue_dma source(%dma_start3A_101 : memref<80xi32, #tpu.memory_space<hbm>>) target(%arg22 : memref<80xi32, #tpu.memory_space<vmem>>) target_semaphore(%run_scoped3A : memref<!tpu.dma_semaphore, #tpu.memory_space<semaphore_mem>>)
      %dma_wait3A_102 = tpu.memref_slice %arg6[%mul3A_2] : memref<2560xi32, #tpu.memory_space<hbm>> -> memref<80xi32, #tpu.memory_space<hbm>>
      %dma_wait3A_103 = tpu.memref_slice %arg6[%mul3A_2] : memref<2560xi32, #tpu.memory_space<hbm>> -> memref<80xi32, #tpu.memory_space<hbm>>
      tpu.wait_dma2 semaphore(%run_scoped3A : memref<!tpu.dma_semaphore, #tpu.memory_space<semaphore_mem>>) src(%dma_wait3A_103 : memref<80xi32, #tpu.memory_space<hbm>>) dst(%arg22 : memref<80xi32, #tpu.memory_space<vmem>>)
      tpu.yield
    }) : () -> ()
    "tpu.region"() ({
      %run_scoped3A = tpu.sem_alloc : memref<!tpu.dma_semaphore, #tpu.memory_space<semaphore_mem>>
      tpu.enqueue_dma source(%arg9 : memref<16xf32, #tpu.memory_space<hbm>>) target(%arg37 : memref<16xf32, #tpu.memory_space<vmem>>) target_semaphore(%run_scoped3A : memref<!tpu.dma_semaphore, #tpu.memory_space<semaphore_mem>>)
      tpu.wait_dma2 semaphore(%run_scoped3A : memref<!tpu.dma_semaphore, #tpu.memory_space<semaphore_mem>>) src(%arg9 : memref<16xf32, #tpu.memory_space<hbm>>) dst(%arg37 : memref<16xf32, #tpu.memory_space<vmem>>)
      tpu.yield
    }) : () -> ()
    "tpu.region"() ({
      %run_scoped3A = tpu.sem_alloc : memref<!tpu.dma_semaphore, #tpu.memory_space<semaphore_mem>>
      tpu.enqueue_dma source(%arg10 : memref<16xf32, #tpu.memory_space<hbm>>) target(%arg38 : memref<16xf32, #tpu.memory_space<vmem>>) target_semaphore(%run_scoped3A : memref<!tpu.dma_semaphore, #tpu.memory_space<semaphore_mem>>)
      tpu.wait_dma2 semaphore(%run_scoped3A : memref<!tpu.dma_semaphore, #tpu.memory_space<semaphore_mem>>) src(%arg10 : memref<16xf32, #tpu.memory_space<hbm>>) dst(%arg38 : memref<16xf32, #tpu.memory_space<vmem>>)
      tpu.yield
    }) : () -> ()
    "tpu.region"() ({
      %run_scoped3A = tpu.sem_alloc : memref<!tpu.dma_semaphore, #tpu.memory_space<semaphore_mem>>
      tpu.enqueue_dma source(%arg11 : memref<16xf32, #tpu.memory_space<hbm>>) target(%arg39 : memref<16xf32, #tpu.memory_space<vmem>>) target_semaphore(%run_scoped3A : memref<!tpu.dma_semaphore, #tpu.memory_space<semaphore_mem>>)
      tpu.wait_dma2 semaphore(%run_scoped3A : memref<!tpu.dma_semaphore, #tpu.memory_space<semaphore_mem>>) src(%arg11 : memref<16xf32, #tpu.memory_space<hbm>>) dst(%arg39 : memref<16xf32, #tpu.memory_space<vmem>>)
      tpu.yield
    }) : () -> ()
    %iota3A = tpu.iota {dimensions = array<i32: 0>} : vector<16xi32>
    %broadcast_in_dim3A = arith.constant 0.000000e+00 : f32
    %broadcast_in_dim3A_3 = vector.broadcast %broadcast_in_dim3A : f32 to vector<16xf32>
    %broadcast_in_dim3A_4 = arith.constant 0 : i32
    %broadcast_in_dim3A_5 = vector.broadcast %broadcast_in_dim3A_4 : i32 to vector<16xi32>
    %eq3A = arith.constant 0 : i32
    %eq3A_6 = vector.broadcast %eq3A : i32 to vector<16xi32>
    %eq3A_7 = arith.cmpi eq, %iota3A, %eq3A_6 : vector<16xi32>
    %get3A = arith.constant 0 : index
    %get3A_8 = tpu.vector_load %arg22[%get3A] {strides = array<i32>} : memref<80xi32, #tpu.memory_space<vmem>>, vector<16xi32>,
    %gather3A = tpu.vector_load_idx %arg18[%get3A_8] : memref<10256xf32, #tpu.memory_space<vmem>>[vector<16xi32>], vector<16xf32>,
    %swap3A = arith.constant 0 : index
    %swap3A_9 = tpu.vector_load %arg23[%swap3A] {strides = array<i32>} : memref<96xf32, #tpu.memory_space<vmem>>, vector<16xf32>,
    tpu.vector_store %arg23[%swap3A], %gather3A {strides = array<i32>} : memref<96xf32, #tpu.memory_space<vmem>>, vector<16xf32>,
    %gather3A_10 = tpu.vector_load_idx %arg19[%get3A_8] : memref<10256xf32, #tpu.memory_space<vmem>>[vector<16xi32>], vector<16xf32>,
    %swap3A_11 = arith.constant 0 : index
    %swap3A_12 = tpu.vector_load %arg24[%swap3A_11] {strides = array<i32>} : memref<96xf32, #tpu.memory_space<vmem>>, vector<16xf32>,
    tpu.vector_store %arg24[%swap3A_11], %gather3A_10 {strides = array<i32>} : memref<96xf32, #tpu.memory_space<vmem>>, vector<16xf32>,
    %gather3A_13 = tpu.vector_load_idx %arg20[%get3A_8] : memref<10256xf32, #tpu.memory_space<vmem>>[vector<16xi32>], vector<16xf32>,
    %swap3A_14 = arith.constant 0 : index
    %swap3A_15 = tpu.vector_load %arg25[%swap3A_14] {strides = array<i32>} : memref<96xf32, #tpu.memory_space<vmem>>, vector<16xf32>,
    tpu.vector_store %arg25[%swap3A_14], %gather3A_13 {strides = array<i32>} : memref<96xf32, #tpu.memory_space<vmem>>, vector<16xf32>,
    %gather3A_16 = tpu.vector_load_idx %arg21[%get3A_8] : memref<10240xi32, #tpu.memory_space<vmem>>[vector<16xi32>], vector<16xi32>,
    %swap3A_17 = arith.constant 0 : index
    %swap3A_18 = tpu.vector_load %arg26[%swap3A_17] {strides = array<i32>} : memref<80xi32, #tpu.memory_space<vmem>>, vector<16xi32>,
    tpu.vector_store %arg26[%swap3A_17], %gather3A_16 {strides = array<i32>} : memref<80xi32, #tpu.memory_space<vmem>>, vector<16xi32>,
    %get3A_19 = arith.constant 16 : index
    %get3A_20 = tpu.vector_load %arg22[%get3A_19] {strides = array<i32>} : memref<80xi32, #tpu.memory_space<vmem>>, vector<16xi32>,
    %gather3A_21 = tpu.vector_load_idx %arg18[%get3A_20] : memref<10256xf32, #tpu.memory_space<vmem>>[vector<16xi32>], vector<16xf32>,
    %swap3A_22 = arith.constant 16 : index
    %swap3A_23 = tpu.vector_load %arg23[%swap3A_22] {strides = array<i32>} : memref<96xf32, #tpu.memory_space<vmem>>, vector<16xf32>,
    tpu.vector_store %arg23[%swap3A_22], %gather3A_21 {strides = array<i32>} : memref<96xf32, #tpu.memory_space<vmem>>, vector<16xf32>,
    %gather3A_24 = tpu.vector_load_idx %arg19[%get3A_20] : memref<10256xf32, #tpu.memory_space<vmem>>[vector<16xi32>], vector<16xf32>,
    %swap3A_25 = arith.constant 16 : index
    %swap3A_26 = tpu.vector_load %arg24[%swap3A_25] {strides = array<i32>} : memref<96xf32, #tpu.memory_space<vmem>>, vector<16xf32>,
    tpu.vector_store %arg24[%swap3A_25], %gather3A_24 {strides = array<i32>} : memref<96xf32, #tpu.memory_space<vmem>>, vector<16xf32>,
    %gather3A_27 = tpu.vector_load_idx %arg20[%get3A_20] : memref<10256xf32, #tpu.memory_space<vmem>>[vector<16xi32>], vector<16xf32>,
    %swap3A_28 = arith.constant 16 : index
    %swap3A_29 = tpu.vector_load %arg25[%swap3A_28] {strides = array<i32>} : memref<96xf32, #tpu.memory_space<vmem>>, vector<16xf32>,
    tpu.vector_store %arg25[%swap3A_28], %gather3A_27 {strides = array<i32>} : memref<96xf32, #tpu.memory_space<vmem>>, vector<16xf32>,
    %gather3A_30 = tpu.vector_load_idx %arg21[%get3A_20] : memref<10240xi32, #tpu.memory_space<vmem>>[vector<16xi32>], vector<16xi32>,
    %swap3A_31 = arith.constant 16 : index
    %swap3A_32 = tpu.vector_load %arg26[%swap3A_31] {strides = array<i32>} : memref<80xi32, #tpu.memory_space<vmem>>, vector<16xi32>,
    tpu.vector_store %arg26[%swap3A_31], %gather3A_30 {strides = array<i32>} : memref<80xi32, #tpu.memory_space<vmem>>, vector<16xi32>,
    %get3A_33 = arith.constant 32 : index
    %get3A_34 = tpu.vector_load %arg22[%get3A_33] {strides = array<i32>} : memref<80xi32, #tpu.memory_space<vmem>>, vector<16xi32>,
    %gather3A_35 = tpu.vector_load_idx %arg18[%get3A_34] : memref<10256xf32, #tpu.memory_space<vmem>>[vector<16xi32>], vector<16xf32>,
    %swap3A_36 = arith.constant 32 : index
    %swap3A_37 = tpu.vector_load %arg23[%swap3A_36] {strides = array<i32>} : memref<96xf32, #tpu.memory_space<vmem>>, vector<16xf32>,
    tpu.vector_store %arg23[%swap3A_36], %gather3A_35 {strides = array<i32>} : memref<96xf32, #tpu.memory_space<vmem>>, vector<16xf32>,
    %gather3A_38 = tpu.vector_load_idx %arg19[%get3A_34] : memref<10256xf32, #tpu.memory_space<vmem>>[vector<16xi32>], vector<16xf32>,
    %swap3A_39 = arith.constant 32 : index
    %swap3A_40 = tpu.vector_load %arg24[%swap3A_39] {strides = array<i32>} : memref<96xf32, #tpu.memory_space<vmem>>, vector<16xf32>,
    tpu.vector_store %arg24[%swap3A_39], %gather3A_38 {strides = array<i32>} : memref<96xf32, #tpu.memory_space<vmem>>, vector<16xf32>,
    %gather3A_41 = tpu.vector_load_idx %arg20[%get3A_34] : memref<10256xf32, #tpu.memory_space<vmem>>[vector<16xi32>], vector<16xf32>,
    %swap3A_42 = arith.constant 32 : index
    %swap3A_43 = tpu.vector_load %arg25[%swap3A_42] {strides = array<i32>} : memref<96xf32, #tpu.memory_space<vmem>>, vector<16xf32>,
    tpu.vector_store %arg25[%swap3A_42], %gather3A_41 {strides = array<i32>} : memref<96xf32, #tpu.memory_space<vmem>>, vector<16xf32>,
    %gather3A_44 = tpu.vector_load_idx %arg21[%get3A_34] : memref<10240xi32, #tpu.memory_space<vmem>>[vector<16xi32>], vector<16xi32>,
    %swap3A_45 = arith.constant 32 : index
    %swap3A_46 = tpu.vector_load %arg26[%swap3A_45] {strides = array<i32>} : memref<80xi32, #tpu.memory_space<vmem>>, vector<16xi32>,
    tpu.vector_store %arg26[%swap3A_45], %gather3A_44 {strides = array<i32>} : memref<80xi32, #tpu.memory_space<vmem>>, vector<16xi32>,
    %get3A_47 = arith.constant 48 : index
    %get3A_48 = tpu.vector_load %arg22[%get3A_47] {strides = array<i32>} : memref<80xi32, #tpu.memory_space<vmem>>, vector<16xi32>,
    %gather3A_49 = tpu.vector_load_idx %arg18[%get3A_48] : memref<10256xf32, #tpu.memory_space<vmem>>[vector<16xi32>], vector<16xf32>,
    %swap3A_50 = arith.constant 48 : index
    %swap3A_51 = tpu.vector_load %arg23[%swap3A_50] {strides = array<i32>} : memref<96xf32, #tpu.memory_space<vmem>>, vector<16xf32>,
    tpu.vector_store %arg23[%swap3A_50], %gather3A_49 {strides = array<i32>} : memref<96xf32, #tpu.memory_space<vmem>>, vector<16xf32>,
    %gather3A_52 = tpu.vector_load_idx %arg19[%get3A_48] : memref<10256xf32, #tpu.memory_space<vmem>>[vector<16xi32>], vector<16xf32>,
    %swap3A_53 = arith.constant 48 : index
    %swap3A_54 = tpu.vector_load %arg24[%swap3A_53] {strides = array<i32>} : memref<96xf32, #tpu.memory_space<vmem>>, vector<16xf32>,
    tpu.vector_store %arg24[%swap3A_53], %gather3A_52 {strides = array<i32>} : memref<96xf32, #tpu.memory_space<vmem>>, vector<16xf32>,
    %gather3A_55 = tpu.vector_load_idx %arg20[%get3A_48] : memref<10256xf32, #tpu.memory_space<vmem>>[vector<16xi32>], vector<16xf32>,
    %swap3A_56 = arith.constant 48 : index
    %swap3A_57 = tpu.vector_load %arg25[%swap3A_56] {strides = array<i32>} : memref<96xf32, #tpu.memory_space<vmem>>, vector<16xf32>,
    tpu.vector_store %arg25[%swap3A_56], %gather3A_55 {strides = array<i32>} : memref<96xf32, #tpu.memory_space<vmem>>, vector<16xf32>,
    %gather3A_58 = tpu.vector_load_idx %arg21[%get3A_48] : memref<10240xi32, #tpu.memory_space<vmem>>[vector<16xi32>], vector<16xi32>,
    %swap3A_59 = arith.constant 48 : index
    %swap3A_60 = tpu.vector_load %arg26[%swap3A_59] {strides = array<i32>} : memref<80xi32, #tpu.memory_space<vmem>>, vector<16xi32>,
    tpu.vector_store %arg26[%swap3A_59], %gather3A_58 {strides = array<i32>} : memref<80xi32, #tpu.memory_space<vmem>>, vector<16xi32>,
    %get3A_61 = arith.constant 64 : index
    %get3A_62 = tpu.vector_load %arg22[%get3A_61] {strides = array<i32>} : memref<80xi32, #tpu.memory_space<vmem>>, vector<16xi32>,
    %gather3A_63 = tpu.vector_load_idx %arg18[%get3A_62] : memref<10256xf32, #tpu.memory_space<vmem>>[vector<16xi32>], vector<16xf32>,
    %swap3A_64 = arith.constant 64 : index
    %swap3A_65 = tpu.vector_load %arg23[%swap3A_64] {strides = array<i32>} : memref<96xf32, #tpu.memory_space<vmem>>, vector<16xf32>,
    tpu.vector_store %arg23[%swap3A_64], %gather3A_63 {strides = array<i32>} : memref<96xf32, #tpu.memory_space<vmem>>, vector<16xf32>,
    %gather3A_66 = tpu.vector_load_idx %arg19[%get3A_62] : memref<10256xf32, #tpu.memory_space<vmem>>[vector<16xi32>], vector<16xf32>,
    %swap3A_67 = arith.constant 64 : index
    %swap3A_68 = tpu.vector_load %arg24[%swap3A_67] {strides = array<i32>} : memref<96xf32, #tpu.memory_space<vmem>>, vector<16xf32>,
    tpu.vector_store %arg24[%swap3A_67], %gather3A_66 {strides = array<i32>} : memref<96xf32, #tpu.memory_space<vmem>>, vector<16xf32>,
    %gather3A_69 = tpu.vector_load_idx %arg20[%get3A_62] : memref<10256xf32, #tpu.memory_space<vmem>>[vector<16xi32>], vector<16xf32>,
    %swap3A_70 = arith.constant 64 : index
    %swap3A_71 = tpu.vector_load %arg25[%swap3A_70] {strides = array<i32>} : memref<96xf32, #tpu.memory_space<vmem>>, vector<16xf32>,
    tpu.vector_store %arg25[%swap3A_70], %gather3A_69 {strides = array<i32>} : memref<96xf32, #tpu.memory_space<vmem>>, vector<16xf32>,
    %gather3A_72 = tpu.vector_load_idx %arg21[%get3A_62] : memref<10240xi32, #tpu.memory_space<vmem>>[vector<16xi32>], vector<16xi32>,
    %swap3A_73 = arith.constant 64 : index
    %swap3A_74 = tpu.vector_load %arg26[%swap3A_73] {strides = array<i32>} : memref<80xi32, #tpu.memory_space<vmem>>, vector<16xi32>,
    tpu.vector_store %arg26[%swap3A_73], %gather3A_72 {strides = array<i32>} : memref<80xi32, #tpu.memory_space<vmem>>, vector<16xi32>,
    "tpu.region"() ({
      %run_scoped3A = tpu.sem_alloc : memref<!tpu.dma_semaphore, #tpu.memory_space<semaphore_mem>>
      %dma_start3A_100 = arith.constant 0 : i32
      %dma_start3A_101 = tpu.memref_slice %arg23[%dma_start3A_100] : memref<96xf32, #tpu.memory_space<vmem>> -> memref<80xf32, #tpu.memory_space<vmem>>
      %dma_start3A_102 = tpu.memref_slice %arg14[%mul3A_2] : memref<2560xf32, #tpu.memory_space<hbm>> -> memref<80xf32, #tpu.memory_space<hbm>>
      %dma_start3A_103 = tpu.memref_slice %arg14[%mul3A_2] : memref<2560xf32, #tpu.memory_space<hbm>> -> memref<80xf32, #tpu.memory_space<hbm>>
      %dma_start3A_104 = arith.constant 0 : i32
      %dma_start3A_105 = tpu.memref_slice %arg23[%dma_start3A_104] : memref<96xf32, #tpu.memory_space<vmem>> -> memref<80xf32, #tpu.memory_space<vmem>>
      tpu.enqueue_dma source(%dma_start3A_105 : memref<80xf32, #tpu.memory_space<vmem>>) target(%dma_start3A_103 : memref<80xf32, #tpu.memory_space<hbm>>) target_semaphore(%run_scoped3A : memref<!tpu.dma_semaphore, #tpu.memory_space<semaphore_mem>>)
      %dma_wait3A_106 = arith.constant 0 : i32
      %dma_wait3A_107 = tpu.memref_slice %arg23[%dma_wait3A_106] : memref<96xf32, #tpu.memory_space<vmem>> -> memref<80xf32, #tpu.memory_space<vmem>>
      %dma_wait3A_108 = tpu.memref_slice %arg14[%mul3A_2] : memref<2560xf32, #tpu.memory_space<hbm>> -> memref<80xf32, #tpu.memory_space<hbm>>
      %dma_wait3A_109 = tpu.memref_slice %arg14[%mul3A_2] : memref<2560xf32, #tpu.memory_space<hbm>> -> memref<80xf32, #tpu.memory_space<hbm>>
      %dma_wait3A_110 = arith.constant 0 : i32
      %dma_wait3A_111 = tpu.memref_slice %arg23[%dma_wait3A_110] : memref<96xf32, #tpu.memory_space<vmem>> -> memref<80xf32, #tpu.memory_space<vmem>>
      tpu.wait_dma2 semaphore(%run_scoped3A : memref<!tpu.dma_semaphore, #tpu.memory_space<semaphore_mem>>) src(%dma_wait3A_111 : memref<80xf32, #tpu.memory_space<vmem>>) dst(%dma_wait3A_109 : memref<80xf32, #tpu.memory_space<hbm>>)
      tpu.yield
    }) : () -> ()
    "tpu.region"() ({
      %run_scoped3A = tpu.sem_alloc : memref<!tpu.dma_semaphore, #tpu.memory_space<semaphore_mem>>
      %dma_start3A_100 = arith.constant 0 : i32
      %dma_start3A_101 = tpu.memref_slice %arg24[%dma_start3A_100] : memref<96xf32, #tpu.memory_space<vmem>> -> memref<80xf32, #tpu.memory_space<vmem>>
      %dma_start3A_102 = tpu.memref_slice %arg15[%mul3A_2] : memref<2560xf32, #tpu.memory_space<hbm>> -> memref<80xf32, #tpu.memory_space<hbm>>
      %dma_start3A_103 = tpu.memref_slice %arg15[%mul3A_2] : memref<2560xf32, #tpu.memory_space<hbm>> -> memref<80xf32, #tpu.memory_space<hbm>>
      %dma_start3A_104 = arith.constant 0 : i32
      %dma_start3A_105 = tpu.memref_slice %arg24[%dma_start3A_104] : memref<96xf32, #tpu.memory_space<vmem>> -> memref<80xf32, #tpu.memory_space<vmem>>
      tpu.enqueue_dma source(%dma_start3A_105 : memref<80xf32, #tpu.memory_space<vmem>>) target(%dma_start3A_103 : memref<80xf32, #tpu.memory_space<hbm>>) target_semaphore(%run_scoped3A : memref<!tpu.dma_semaphore, #tpu.memory_space<semaphore_mem>>)
      %dma_wait3A_106 = arith.constant 0 : i32
      %dma_wait3A_107 = tpu.memref_slice %arg24[%dma_wait3A_106] : memref<96xf32, #tpu.memory_space<vmem>> -> memref<80xf32, #tpu.memory_space<vmem>>
      %dma_wait3A_108 = tpu.memref_slice %arg15[%mul3A_2] : memref<2560xf32, #tpu.memory_space<hbm>> -> memref<80xf32, #tpu.memory_space<hbm>>
      %dma_wait3A_109 = tpu.memref_slice %arg15[%mul3A_2] : memref<2560xf32, #tpu.memory_space<hbm>> -> memref<80xf32, #tpu.memory_space<hbm>>
      %dma_wait3A_110 = arith.constant 0 : i32
      %dma_wait3A_111 = tpu.memref_slice %arg24[%dma_wait3A_110] : memref<96xf32, #tpu.memory_space<vmem>> -> memref<80xf32, #tpu.memory_space<vmem>>
      tpu.wait_dma2 semaphore(%run_scoped3A : memref<!tpu.dma_semaphore, #tpu.memory_space<semaphore_mem>>) src(%dma_wait3A_111 : memref<80xf32, #tpu.memory_space<vmem>>) dst(%dma_wait3A_109 : memref<80xf32, #tpu.memory_space<hbm>>)
      tpu.yield
    }) : () -> ()
    "tpu.region"() ({
      %run_scoped3A = tpu.sem_alloc : memref<!tpu.dma_semaphore, #tpu.memory_space<semaphore_mem>>
      %dma_start3A_100 = arith.constant 0 : i32
      %dma_start3A_101 = tpu.memref_slice %arg25[%dma_start3A_100] : memref<96xf32, #tpu.memory_space<vmem>> -> memref<80xf32, #tpu.memory_space<vmem>>
      %dma_start3A_102 = tpu.memref_slice %arg16[%mul3A_2] : memref<2560xf32, #tpu.memory_space<hbm>> -> memref<80xf32, #tpu.memory_space<hbm>>
      %dma_start3A_103 = tpu.memref_slice %arg16[%mul3A_2] : memref<2560xf32, #tpu.memory_space<hbm>> -> memref<80xf32, #tpu.memory_space<hbm>>
      %dma_start3A_104 = arith.constant 0 : i32
      %dma_start3A_105 = tpu.memref_slice %arg25[%dma_start3A_104] : memref<96xf32, #tpu.memory_space<vmem>> -> memref<80xf32, #tpu.memory_space<vmem>>
      tpu.enqueue_dma source(%dma_start3A_105 : memref<80xf32, #tpu.memory_space<vmem>>) target(%dma_start3A_103 : memref<80xf32, #tpu.memory_space<hbm>>) target_semaphore(%run_scoped3A : memref<!tpu.dma_semaphore, #tpu.memory_space<semaphore_mem>>)
      %dma_wait3A_106 = arith.constant 0 : i32
      %dma_wait3A_107 = tpu.memref_slice %arg25[%dma_wait3A_106] : memref<96xf32, #tpu.memory_space<vmem>> -> memref<80xf32, #tpu.memory_space<vmem>>
      %dma_wait3A_108 = tpu.memref_slice %arg16[%mul3A_2] : memref<2560xf32, #tpu.memory_space<hbm>> -> memref<80xf32, #tpu.memory_space<hbm>>
      %dma_wait3A_109 = tpu.memref_slice %arg16[%mul3A_2] : memref<2560xf32, #tpu.memory_space<hbm>> -> memref<80xf32, #tpu.memory_space<hbm>>
      %dma_wait3A_110 = arith.constant 0 : i32
      %dma_wait3A_111 = tpu.memref_slice %arg25[%dma_wait3A_110] : memref<96xf32, #tpu.memory_space<vmem>> -> memref<80xf32, #tpu.memory_space<vmem>>
      tpu.wait_dma2 semaphore(%run_scoped3A : memref<!tpu.dma_semaphore, #tpu.memory_space<semaphore_mem>>) src(%dma_wait3A_111 : memref<80xf32, #tpu.memory_space<vmem>>) dst(%dma_wait3A_109 : memref<80xf32, #tpu.memory_space<hbm>>)
      tpu.yield
    }) : () -> ()
    "tpu.region"() ({
      %run_scoped3A = tpu.sem_alloc : memref<!tpu.dma_semaphore, #tpu.memory_space<semaphore_mem>>
      %dma_start3A_100 = tpu.memref_slice %arg17[%mul3A_2] : memref<2560xi32, #tpu.memory_space<hbm>> -> memref<80xi32, #tpu.memory_space<hbm>>
      %dma_start3A_101 = tpu.memref_slice %arg17[%mul3A_2] : memref<2560xi32, #tpu.memory_space<hbm>> -> memref<80xi32, #tpu.memory_space<hbm>>
      tpu.enqueue_dma source(%arg26 : memref<80xi32, #tpu.memory_space<vmem>>) target(%dma_start3A_101 : memref<80xi32, #tpu.memory_space<hbm>>) target_semaphore(%run_scoped3A : memref<!tpu.dma_semaphore, #tpu.memory_space<semaphore_mem>>)
      %dma_wait3A_102 = tpu.memref_slice %arg17[%mul3A_2] : memref<2560xi32, #tpu.memory_space<hbm>> -> memref<80xi32, #tpu.memory_space<hbm>>
      %dma_wait3A_103 = tpu.memref_slice %arg17[%mul3A_2] : memref<2560xi32, #tpu.memory_space<hbm>> -> memref<80xi32, #tpu.memory_space<hbm>>
      tpu.wait_dma2 semaphore(%run_scoped3A : memref<!tpu.dma_semaphore, #tpu.memory_space<semaphore_mem>>) src(%arg26 : memref<80xi32, #tpu.memory_space<vmem>>) dst(%dma_wait3A_103 : memref<80xi32, #tpu.memory_space<hbm>>)
      tpu.yield
    }) : () -> ()
    %dma_start3A = arith.constant 0 : i32
    %dma_start3A_75 = arith.constant 0 : i32
    %dma_start3A_76 = tpu.memref_slice %arg8[%dma_start3A, %dma_start3A_75] : memref<10000x128xf32, #tpu.memory_space<hbm>> -> memref<10000x128xf32, #tpu.memory_space<hbm>>
    tpu.enqueue_indirect_dma source(%dma_start3A_76 : memref<10000x128xf32, #tpu.memory_space<hbm>>) target(%arg27 : memref<80x128xf32, #tpu.memory_space<vmem>>) offsets(%arg22 : memref<80xi32, #tpu.memory_space<vmem>>) semaphore(%arg40 : memref<!tpu.dma_semaphore, #tpu.memory_space<semaphore_mem>>)
    %dma_wait3A = arith.constant 0 : i32
    %dma_wait3A_77 = arith.constant 0 : i32
    %dma_wait3A_78 = tpu.memref_slice %arg8[%dma_wait3A, %dma_wait3A_77] : memref<10000x128xf32, #tpu.memory_space<hbm>> -> memref<10000x128xf32, #tpu.memory_space<hbm>>
    tpu.wait_indirect_dma semaphore(%arg40 : memref<!tpu.dma_semaphore, #tpu.memory_space<semaphore_mem>>) src(%dma_wait3A_78 : memref<10000x128xf32, #tpu.memory_space<hbm>>) dst(%arg27 : memref<80x128xf32, #tpu.memory_space<vmem>>)
    "tpu.region"() ({
      %run_scoped3A = tpu.sem_alloc : memref<!tpu.dma_semaphore, #tpu.memory_space<semaphore_mem>>
      %dma_start3A_100 = arith.constant 0 : i32
      %dma_start3A_101 = tpu.memref_slice %arg13[%mul3A_2, %dma_start3A_100] : memref<2560x128xf32, #tpu.memory_space<hbm>> -> memref<80x128xf32, #tpu.memory_space<hbm>>
      %dma_start3A_102 = arith.constant 0 : i32
      %dma_start3A_103 = tpu.memref_slice %arg13[%mul3A_2, %dma_start3A_102] : memref<2560x128xf32, #tpu.memory_space<hbm>> -> memref<80x128xf32, #tpu.memory_space<hbm>>
      tpu.enqueue_dma source(%arg27 : memref<80x128xf32, #tpu.memory_space<vmem>>) target(%dma_start3A_103 : memref<80x128xf32, #tpu.memory_space<hbm>>) target_semaphore(%run_scoped3A : memref<!tpu.dma_semaphore, #tpu.memory_space<semaphore_mem>>)
      %dma_wait3A_104 = arith.constant 0 : i32
      %dma_wait3A_105 = tpu.memref_slice %arg13[%mul3A_2, %dma_wait3A_104] : memref<2560x128xf32, #tpu.memory_space<hbm>> -> memref<80x128xf32, #tpu.memory_space<hbm>>
      %dma_wait3A_106 = arith.constant 0 : i32
      %dma_wait3A_107 = tpu.memref_slice %arg13[%mul3A_2, %dma_wait3A_106] : memref<2560x128xf32, #tpu.memory_space<hbm>> -> memref<80x128xf32, #tpu.memory_space<hbm>>
      tpu.wait_dma2 semaphore(%run_scoped3A : memref<!tpu.dma_semaphore, #tpu.memory_space<semaphore_mem>>) src(%arg27 : memref<80x128xf32, #tpu.memory_space<vmem>>) dst(%dma_wait3A_107 : memref<80x128xf32, #tpu.memory_space<hbm>>)
      tpu.yield
    }) : () -> ()
    %get3A_79 = arith.constant 0 : index
    %get3A_80 = tpu.vector_load %arg37[%get3A_79] {strides = array<i32>} : memref<16xf32, #tpu.memory_space<vmem>>, vector<16xf32>,
    %get3A_81 = arith.constant 0 : index
    %get3A_82 = tpu.vector_load %arg38[%get3A_81] {strides = array<i32>} : memref<16xf32, #tpu.memory_space<vmem>>, vector<16xf32>,
    %get3A_83 = arith.constant 0 : index
    %get3A_84 = tpu.vector_load %arg39[%get3A_83] {strides = array<i32>} : memref<16xf32, #tpu.memory_space<vmem>>, vector<16xf32>,
    %scan3A = arith.constant 0.00999999977 : f32
    %scan3A_85 = arith.constant 0 : i32
    %scan3A_86 = arith.constant 0 : i32
    %scan3A_87 = arith.constant 80 : i32
    %scan3A_88 = arith.addi %scan3A_86, %scan3A_87 : i32
    %scan3A_89 = arith.constant 1 : i32
    %scan3A_90 = scf.for %scan3A_100 = %scan3A_86 to %scan3A_88 step %scan3A_89 iter_args(%scan3A_101 = %scan3A_85) -> (i32)  : i32 {
      %get3A_102 = arith.index_cast %scan3A_100 : i32 to index
      %get3A_103 = tpu.vector_load %arg23[%get3A_102] {strides = array<i32>} : memref<96xf32, #tpu.memory_space<vmem>>, vector<16xf32>,
      %slice3A = vector.extract_strided_slice %get3A_103 {offsets = [0], sizes = [1], strides = [1]} : vector<16xf32> to vector<1xf32>
      %squeeze3A = vector.extract %slice3A[0] : f32 from vector<1xf32>
      %get3A_104 = arith.index_cast %scan3A_100 : i32 to index
      %get3A_105 = tpu.vector_load %arg24[%get3A_104] {strides = array<i32>} : memref<96xf32, #tpu.memory_space<vmem>>, vector<16xf32>,
      %slice3A_106 = vector.extract_strided_slice %get3A_105 {offsets = [0], sizes = [1], strides = [1]} : vector<16xf32> to vector<1xf32>
      %squeeze3A_107 = vector.extract %slice3A_106[0] : f32 from vector<1xf32>
      %get3A_108 = arith.index_cast %scan3A_100 : i32 to index
      %get3A_109 = tpu.vector_load %arg25[%get3A_108] {strides = array<i32>} : memref<96xf32, #tpu.memory_space<vmem>>, vector<16xf32>,
      %slice3A_110 = vector.extract_strided_slice %get3A_109 {offsets = [0], sizes = [1], strides = [1]} : vector<16xf32> to vector<1xf32>
      %squeeze3A_111 = vector.extract %slice3A_110[0] : f32 from vector<1xf32>
      %swap3A_112 = arith.constant 0 : index
      %swap3A_113 = tpu.vector_load %arg30[%swap3A_112] {strides = array<i32>} : memref<256xi32, #tpu.memory_space<vmem>>, vector<16xi32>,
      tpu.vector_store %arg30[%swap3A_112], %broadcast_in_dim3A_5 {strides = array<i32>} : memref<256xi32, #tpu.memory_space<vmem>>, vector<16xi32>,
      %swap3A_114 = arith.constant 16 : index
      %swap3A_115 = tpu.vector_load %arg30[%swap3A_114] {strides = array<i32>} : memref<256xi32, #tpu.memory_space<vmem>>, vector<16xi32>,
      tpu.vector_store %arg30[%swap3A_114], %broadcast_in_dim3A_5 {strides = array<i32>} : memref<256xi32, #tpu.memory_space<vmem>>, vector<16xi32>,
      %swap3A_116 = arith.constant 32 : index
      %swap3A_117 = tpu.vector_load %arg30[%swap3A_116] {strides = array<i32>} : memref<256xi32, #tpu.memory_space<vmem>>, vector<16xi32>,
      tpu.vector_store %arg30[%swap3A_116], %broadcast_in_dim3A_5 {strides = array<i32>} : memref<256xi32, #tpu.memory_space<vmem>>, vector<16xi32>,
      %swap3A_118 = arith.constant 48 : index
      %swap3A_119 = tpu.vector_load %arg30[%swap3A_118] {strides = array<i32>} : memref<256xi32, #tpu.memory_space<vmem>>, vector<16xi32>,
      tpu.vector_store %arg30[%swap3A_118], %broadcast_in_dim3A_5 {strides = array<i32>} : memref<256xi32, #tpu.memory_space<vmem>>, vector<16xi32>,
      %swap3A_120 = arith.constant 0 : index
      %swap3A_121 = tpu.vector_load %arg32[%swap3A_120] {strides = array<i32>} : memref<80xi32, #tpu.memory_space<vmem>>, vector<16xi32>,
      tpu.vector_store %arg32[%swap3A_120], %broadcast_in_dim3A_5 {strides = array<i32>} : memref<80xi32, #tpu.memory_space<vmem>>, vector<16xi32>,
      %swap3A_122 = arith.constant 16 : index
      %swap3A_123 = tpu.vector_load %arg32[%swap3A_122] {strides = array<i32>} : memref<80xi32, #tpu.memory_space<vmem>>, vector<16xi32>,
      tpu.vector_store %arg32[%swap3A_122], %broadcast_in_dim3A_5 {strides = array<i32>} : memref<80xi32, #tpu.memory_space<vmem>>, vector<16xi32>,
      %swap3A_124 = arith.constant 32 : index
      %swap3A_125 = tpu.vector_load %arg32[%swap3A_124] {strides = array<i32>} : memref<80xi32, #tpu.memory_space<vmem>>, vector<16xi32>,
      tpu.vector_store %arg32[%swap3A_124], %broadcast_in_dim3A_5 {strides = array<i32>} : memref<80xi32, #tpu.memory_space<vmem>>, vector<16xi32>,
      %swap3A_126 = arith.constant 48 : index
      %swap3A_127 = tpu.vector_load %arg32[%swap3A_126] {strides = array<i32>} : memref<80xi32, #tpu.memory_space<vmem>>, vector<16xi32>,
      tpu.vector_store %arg32[%swap3A_126], %broadcast_in_dim3A_5 {strides = array<i32>} : memref<80xi32, #tpu.memory_space<vmem>>, vector<16xi32>,
      %swap3A_128 = arith.constant 64 : index
      %swap3A_129 = tpu.vector_load %arg32[%swap3A_128] {strides = array<i32>} : memref<80xi32, #tpu.memory_space<vmem>>, vector<16xi32>,
      tpu.vector_store %arg32[%swap3A_128], %broadcast_in_dim3A_5 {strides = array<i32>} : memref<80xi32, #tpu.memory_space<vmem>>, vector<16xi32>,
      %parallel_loop3A = arith.constant 0 : i32
      %parallel_loop3A_130 = arith.constant 40 : i32
      %parallel_loop3A_131 = arith.constant 1 : i32
      scf.for %parallel_loop3A_194 = %parallel_loop3A to %parallel_loop3A_130 step %parallel_loop3A_131  : i32 {
        %parallel_loop3A_195 = arith.constant 256 : i32
        %parallel_loop3A_196 = arith.muli %parallel_loop3A_194, %parallel_loop3A_195 : i32
        %parallel_loop3A_197 = arith.constant 0 : i32
        %parallel_loop3A_198 = arith.addi %parallel_loop3A_196, %parallel_loop3A_197 : i32
        %parallel_loop3A_199 = arith.index_cast %parallel_loop3A_198 : i32 to index
        %parallel_loop3A_200 = tpu.vector_load %arg18[%parallel_loop3A_199] {strides = array<i32>} : memref<10256xf32, #tpu.memory_space<vmem>>, vector<16xf32>,
        %parallel_loop3A_201 = arith.index_cast %parallel_loop3A_198 : i32 to index
        %parallel_loop3A_202 = tpu.vector_load %arg19[%parallel_loop3A_201] {strides = array<i32>} : memref<10256xf32, #tpu.memory_space<vmem>>, vector<16xf32>,
        %parallel_loop3A_203 = arith.index_cast %parallel_loop3A_198 : i32 to index
        %parallel_loop3A_204 = tpu.vector_load %arg20[%parallel_loop3A_203] {strides = array<i32>} : memref<10256xf32, #tpu.memory_space<vmem>>, vector<16xf32>,
        %parallel_loop3A_205 = vector.broadcast %squeeze3A : f32 to vector<16xf32>
        %parallel_loop3A_206 = arith.subf %parallel_loop3A_200, %parallel_loop3A_205 : vector<16xf32>
        %parallel_loop3A_207 = vector.broadcast %squeeze3A_107 : f32 to vector<16xf32>
        %parallel_loop3A_208 = arith.subf %parallel_loop3A_202, %parallel_loop3A_207 : vector<16xf32>
        %parallel_loop3A_209 = vector.broadcast %squeeze3A_111 : f32 to vector<16xf32>
        %parallel_loop3A_210 = arith.subf %parallel_loop3A_204, %parallel_loop3A_209 : vector<16xf32>
        %parallel_loop3A_211 = arith.mulf %parallel_loop3A_206, %parallel_loop3A_206 : vector<16xf32>
        %parallel_loop3A_212 = arith.mulf %parallel_loop3A_208, %parallel_loop3A_208 : vector<16xf32>
        %parallel_loop3A_213 = arith.addf %parallel_loop3A_211, %parallel_loop3A_212 : vector<16xf32>
        %parallel_loop3A_214 = arith.mulf %parallel_loop3A_210, %parallel_loop3A_210 : vector<16xf32>
        %parallel_loop3A_215 = arith.addf %parallel_loop3A_213, %parallel_loop3A_214 : vector<16xf32>
        %parallel_loop3A_216 = vector.broadcast %scan3A : f32 to vector<16xf32>
        %parallel_loop3A_217 = arith.cmpf ole, %parallel_loop3A_215, %parallel_loop3A_216 : vector<16xf32>
        %parallel_loop3A_218 = tpu.all_reduce %parallel_loop3A_217 {dim = 0 : i64, kind = #tpu.reduction_kind<sum>} : vector<16xi1> -> vector<16xi32>
        %parallel_loop3A_219 = arith.constant 0 : i32
        %parallel_loop3A_220 = vector.broadcast %parallel_loop3A_219 : i32 to vector<16xi32>
        %parallel_loop3A_221 = arith.cmpi eq, %iota3A, %parallel_loop3A_220 : vector<16xi32>
        %parallel_loop3A_222 = arith.constant 0 : i32
        %parallel_loop3A_223 = vector.broadcast %parallel_loop3A_222 : i32 to vector<16xi32>
        %parallel_loop3A_224 = arith.select %parallel_loop3A_221, %parallel_loop3A_218, %parallel_loop3A_223 : vector<16xi1>, vector<16xi32>
        %parallel_loop3A_225 = arith.addi %broadcast_in_dim3A_5, %parallel_loop3A_224 : vector<16xi32>
        %parallel_loop3A_226 = arith.constant 256 : i32
        %parallel_loop3A_227 = arith.muli %parallel_loop3A_194, %parallel_loop3A_226 : i32
        %parallel_loop3A_228 = arith.constant 16 : i32
        %parallel_loop3A_229 = arith.addi %parallel_loop3A_227, %parallel_loop3A_228 : i32
        %parallel_loop3A_230 = arith.index_cast %parallel_loop3A_229 : i32 to index
        %parallel_loop3A_231 = tpu.vector_load %arg18[%parallel_loop3A_230] {strides = array<i32>} : memref<10256xf32, #tpu.memory_space<vmem>>, vector<16xf32>,
        %parallel_loop3A_232 = arith.index_cast %parallel_loop3A_229 : i32 to index
        %parallel_loop3A_233 = tpu.vector_load %arg19[%parallel_loop3A_232] {strides = array<i32>} : memref<10256xf32, #tpu.memory_space<vmem>>, vector<16xf32>,
        %parallel_loop3A_234 = arith.index_cast %parallel_loop3A_229 : i32 to index
        %parallel_loop3A_235 = tpu.vector_load %arg20[%parallel_loop3A_234] {strides = array<i32>} : memref<10256xf32, #tpu.memory_space<vmem>>, vector<16xf32>,
        %parallel_loop3A_236 = vector.broadcast %squeeze3A : f32 to vector<16xf32>
        %parallel_loop3A_237 = arith.subf %parallel_loop3A_231, %parallel_loop3A_236 : vector<16xf32>
        %parallel_loop3A_238 = vector.broadcast %squeeze3A_107 : f32 to vector<16xf32>
        %parallel_loop3A_239 = arith.subf %parallel_loop3A_233, %parallel_loop3A_238 : vector<16xf32>
        %parallel_loop3A_240 = vector.broadcast %squeeze3A_111 : f32 to vector<16xf32>
        %parallel_loop3A_241 = arith.subf %parallel_loop3A_235, %parallel_loop3A_240 : vector<16xf32>
        %parallel_loop3A_242 = arith.mulf %parallel_loop3A_237, %parallel_loop3A_237 : vector<16xf32>
        %parallel_loop3A_243 = arith.mulf %parallel_loop3A_239, %parallel_loop3A_239 : vector<16xf32>
        %parallel_loop3A_244 = arith.addf %parallel_loop3A_242, %parallel_loop3A_243 : vector<16xf32>
        %parallel_loop3A_245 = arith.mulf %parallel_loop3A_241, %parallel_loop3A_241 : vector<16xf32>
        %parallel_loop3A_246 = arith.addf %parallel_loop3A_244, %parallel_loop3A_245 : vector<16xf32>
        %parallel_loop3A_247 = vector.broadcast %scan3A : f32 to vector<16xf32>
        %parallel_loop3A_248 = arith.cmpf ole, %parallel_loop3A_246, %parallel_loop3A_247 : vector<16xf32>
        %parallel_loop3A_249 = tpu.all_reduce %parallel_loop3A_248 {dim = 0 : i64, kind = #tpu.reduction_kind<sum>} : vector<16xi1> -> vector<16xi32>
        %parallel_loop3A_250 = arith.constant 1 : i32
        %parallel_loop3A_251 = vector.broadcast %parallel_loop3A_250 : i32 to vector<16xi32>
        %parallel_loop3A_252 = arith.cmpi eq, %iota3A, %parallel_loop3A_251 : vector<16xi32>
        %parallel_loop3A_253 = arith.constant 0 : i32
        %parallel_loop3A_254 = vector.broadcast %parallel_loop3A_253 : i32 to vector<16xi32>
        %parallel_loop3A_255 = arith.select %parallel_loop3A_252, %parallel_loop3A_249, %parallel_loop3A_254 : vector<16xi1>, vector<16xi32>
        %parallel_loop3A_256 = arith.addi %parallel_loop3A_225, %parallel_loop3A_255 : vector<16xi32>
        %parallel_loop3A_257 = arith.constant 256 : i32
        %parallel_loop3A_258 = arith.muli %parallel_loop3A_194, %parallel_loop3A_257 : i32
        %parallel_loop3A_259 = arith.constant 32 : i32
        %parallel_loop3A_260 = arith.addi %parallel_loop3A_258, %parallel_loop3A_259 : i32
        %parallel_loop3A_261 = arith.index_cast %parallel_loop3A_260 : i32 to index
        %parallel_loop3A_262 = tpu.vector_load %arg18[%parallel_loop3A_261] {strides = array<i32>} : memref<10256xf32, #tpu.memory_space<vmem>>, vector<16xf32>,
        %parallel_loop3A_263 = arith.index_cast %parallel_loop3A_260 : i32 to index
        %parallel_loop3A_264 = tpu.vector_load %arg19[%parallel_loop3A_263] {strides = array<i32>} : memref<10256xf32, #tpu.memory_space<vmem>>, vector<16xf32>,
        %parallel_loop3A_265 = arith.index_cast %parallel_loop3A_260 : i32 to index
        %parallel_loop3A_266 = tpu.vector_load %arg20[%parallel_loop3A_265] {strides = array<i32>} : memref<10256xf32, #tpu.memory_space<vmem>>, vector<16xf32>,
        %parallel_loop3A_267 = vector.broadcast %squeeze3A : f32 to vector<16xf32>
        %parallel_loop3A_268 = arith.subf %parallel_loop3A_262, %parallel_loop3A_267 : vector<16xf32>
        %parallel_loop3A_269 = vector.broadcast %squeeze3A_107 : f32 to vector<16xf32>
        %parallel_loop3A_270 = arith.subf %parallel_loop3A_264, %parallel_loop3A_269 : vector<16xf32>
        %parallel_loop3A_271 = vector.broadcast %squeeze3A_111 : f32 to vector<16xf32>
        %parallel_loop3A_272 = arith.subf %parallel_loop3A_266, %parallel_loop3A_271 : vector<16xf32>
        %parallel_loop3A_273 = arith.mulf %parallel_loop3A_268, %parallel_loop3A_268 : vector<16xf32>
        %parallel_loop3A_274 = arith.mulf %parallel_loop3A_270, %parallel_loop3A_270 : vector<16xf32>
        %parallel_loop3A_275 = arith.addf %parallel_loop3A_273, %parallel_loop3A_274 : vector<16xf32>
        %parallel_loop3A_276 = arith.mulf %parallel_loop3A_272, %parallel_loop3A_272 : vector<16xf32>
        %parallel_loop3A_277 = arith.addf %parallel_loop3A_275, %parallel_loop3A_276 : vector<16xf32>
        %parallel_loop3A_278 = vector.broadcast %scan3A : f32 to vector<16xf32>
        %parallel_loop3A_279 = arith.cmpf ole, %parallel_loop3A_277, %parallel_loop3A_278 : vector<16xf32>
        %parallel_loop3A_280 = tpu.all_reduce %parallel_loop3A_279 {dim = 0 : i64, kind = #tpu.reduction_kind<sum>} : vector<16xi1> -> vector<16xi32>
        %parallel_loop3A_281 = arith.constant 2 : i32
        %parallel_loop3A_282 = vector.broadcast %parallel_loop3A_281 : i32 to vector<16xi32>
        %parallel_loop3A_283 = arith.cmpi eq, %iota3A, %parallel_loop3A_282 : vector<16xi32>
        %parallel_loop3A_284 = arith.constant 0 : i32
        %parallel_loop3A_285 = vector.broadcast %parallel_loop3A_284 : i32 to vector<16xi32>
        %parallel_loop3A_286 = arith.select %parallel_loop3A_283, %parallel_loop3A_280, %parallel_loop3A_285 : vector<16xi1>, vector<16xi32>
        %parallel_loop3A_287 = arith.addi %parallel_loop3A_256, %parallel_loop3A_286 : vector<16xi32>
        %parallel_loop3A_288 = arith.constant 256 : i32
        %parallel_loop3A_289 = arith.muli %parallel_loop3A_194, %parallel_loop3A_288 : i32
        %parallel_loop3A_290 = arith.constant 48 : i32
        %parallel_loop3A_291 = arith.addi %parallel_loop3A_289, %parallel_loop3A_290 : i32
        %parallel_loop3A_292 = arith.index_cast %parallel_loop3A_291 : i32 to index
        %parallel_loop3A_293 = tpu.vector_load %arg18[%parallel_loop3A_292] {strides = array<i32>} : memref<10256xf32, #tpu.memory_space<vmem>>, vector<16xf32>,
        %parallel_loop3A_294 = arith.index_cast %parallel_loop3A_291 : i32 to index
        %parallel_loop3A_295 = tpu.vector_load %arg19[%parallel_loop3A_294] {strides = array<i32>} : memref<10256xf32, #tpu.memory_space<vmem>>, vector<16xf32>,
        %parallel_loop3A_296 = arith.index_cast %parallel_loop3A_291 : i32 to index
        %parallel_loop3A_297 = tpu.vector_load %arg20[%parallel_loop3A_296] {strides = array<i32>} : memref<10256xf32, #tpu.memory_space<vmem>>, vector<16xf32>,
        %parallel_loop3A_298 = vector.broadcast %squeeze3A : f32 to vector<16xf32>
        %parallel_loop3A_299 = arith.subf %parallel_loop3A_293, %parallel_loop3A_298 : vector<16xf32>
        %parallel_loop3A_300 = vector.broadcast %squeeze3A_107 : f32 to vector<16xf32>
        %parallel_loop3A_301 = arith.subf %parallel_loop3A_295, %parallel_loop3A_300 : vector<16xf32>
        %parallel_loop3A_302 = vector.broadcast %squeeze3A_111 : f32 to vector<16xf32>
        %parallel_loop3A_303 = arith.subf %parallel_loop3A_297, %parallel_loop3A_302 : vector<16xf32>
        %parallel_loop3A_304 = arith.mulf %parallel_loop3A_299, %parallel_loop3A_299 : vector<16xf32>
        %parallel_loop3A_305 = arith.mulf %parallel_loop3A_301, %parallel_loop3A_301 : vector<16xf32>
        %parallel_loop3A_306 = arith.addf %parallel_loop3A_304, %parallel_loop3A_305 : vector<16xf32>
        %parallel_loop3A_307 = arith.mulf %parallel_loop3A_303, %parallel_loop3A_303 : vector<16xf32>
        %parallel_loop3A_308 = arith.addf %parallel_loop3A_306, %parallel_loop3A_307 : vector<16xf32>
        %parallel_loop3A_309 = vector.broadcast %scan3A : f32 to vector<16xf32>
        %parallel_loop3A_310 = arith.cmpf ole, %parallel_loop3A_308, %parallel_loop3A_309 : vector<16xf32>
        %parallel_loop3A_311 = tpu.all_reduce %parallel_loop3A_310 {dim = 0 : i64, kind = #tpu.reduction_kind<sum>} : vector<16xi1> -> vector<16xi32>
        %parallel_loop3A_312 = arith.constant 3 : i32
        %parallel_loop3A_313 = vector.broadcast %parallel_loop3A_312 : i32 to vector<16xi32>
        %parallel_loop3A_314 = arith.cmpi eq, %iota3A, %parallel_loop3A_313 : vector<16xi32>
        %parallel_loop3A_315 = arith.constant 0 : i32
        %parallel_loop3A_316 = vector.broadcast %parallel_loop3A_315 : i32 to vector<16xi32>
        %parallel_loop3A_317 = arith.select %parallel_loop3A_314, %parallel_loop3A_311, %parallel_loop3A_316 : vector<16xi1>, vector<16xi32>
        %parallel_loop3A_318 = arith.addi %parallel_loop3A_287, %parallel_loop3A_317 : vector<16xi32>
        %parallel_loop3A_319 = arith.constant 256 : i32
        %parallel_loop3A_320 = arith.muli %parallel_loop3A_194, %parallel_loop3A_319 : i32
        %parallel_loop3A_321 = arith.constant 64 : i32
        %parallel_loop3A_322 = arith.addi %parallel_loop3A_320, %parallel_loop3A_321 : i32
        %parallel_loop3A_323 = arith.index_cast %parallel_loop3A_322 : i32 to index
        %parallel_loop3A_324 = tpu.vector_load %arg18[%parallel_loop3A_323] {strides = array<i32>} : memref<10256xf32, #tpu.memory_space<vmem>>, vector<16xf32>,
        %parallel_loop3A_325 = arith.index_cast %parallel_loop3A_322 : i32 to index
        %parallel_loop3A_326 = tpu.vector_load %arg19[%parallel_loop3A_325] {strides = array<i32>} : memref<10256xf32, #tpu.memory_space<vmem>>, vector<16xf32>,
        %parallel_loop3A_327 = arith.index_cast %parallel_loop3A_322 : i32 to index
        %parallel_loop3A_328 = tpu.vector_load %arg20[%parallel_loop3A_327] {strides = array<i32>} : memref<10256xf32, #tpu.memory_space<vmem>>, vector<16xf32>,
        %parallel_loop3A_329 = vector.broadcast %squeeze3A : f32 to vector<16xf32>
        %parallel_loop3A_330 = arith.subf %parallel_loop3A_324, %parallel_loop3A_329 : vector<16xf32>
        %parallel_loop3A_331 = vector.broadcast %squeeze3A_107 : f32 to vector<16xf32>
        %parallel_loop3A_332 = arith.subf %parallel_loop3A_326, %parallel_loop3A_331 : vector<16xf32>
        %parallel_loop3A_333 = vector.broadcast %squeeze3A_111 : f32 to vector<16xf32>
        %parallel_loop3A_334 = arith.subf %parallel_loop3A_328, %parallel_loop3A_333 : vector<16xf32>
        %parallel_loop3A_335 = arith.mulf %parallel_loop3A_330, %parallel_loop3A_330 : vector<16xf32>
        %parallel_loop3A_336 = arith.mulf %parallel_loop3A_332, %parallel_loop3A_332 : vector<16xf32>
        %parallel_loop3A_337 = arith.addf %parallel_loop3A_335, %parallel_loop3A_336 : vector<16xf32>
        %parallel_loop3A_338 = arith.mulf %parallel_loop3A_334, %parallel_loop3A_334 : vector<16xf32>
        %parallel_loop3A_339 = arith.addf %parallel_loop3A_337, %parallel_loop3A_338 : vector<16xf32>
        %parallel_loop3A_340 = vector.broadcast %scan3A : f32 to vector<16xf32>
        %parallel_loop3A_341 = arith.cmpf ole, %parallel_loop3A_339, %parallel_loop3A_340 : vector<16xf32>
        %parallel_loop3A_342 = tpu.all_reduce %parallel_loop3A_341 {dim = 0 : i64, kind = #tpu.reduction_kind<sum>} : vector<16xi1> -> vector<16xi32>
        %parallel_loop3A_343 = arith.constant 4 : i32
        %parallel_loop3A_344 = vector.broadcast %parallel_loop3A_343 : i32 to vector<16xi32>
        %parallel_loop3A_345 = arith.cmpi eq, %iota3A, %parallel_loop3A_344 : vector<16xi32>
        %parallel_loop3A_346 = arith.constant 0 : i32
        %parallel_loop3A_347 = vector.broadcast %parallel_loop3A_346 : i32 to vector<16xi32>
        %parallel_loop3A_348 = arith.select %parallel_loop3A_345, %parallel_loop3A_342, %parallel_loop3A_347 : vector<16xi1>, vector<16xi32>
        %parallel_loop3A_349 = arith.addi %parallel_loop3A_318, %parallel_loop3A_348 : vector<16xi32>
        %parallel_loop3A_350 = arith.constant 256 : i32
        %parallel_loop3A_351 = arith.muli %parallel_loop3A_194, %parallel_loop3A_350 : i32
        %parallel_loop3A_352 = arith.constant 80 : i32
        %parallel_loop3A_353 = arith.addi %parallel_loop3A_351, %parallel_loop3A_352 : i32
        %parallel_loop3A_354 = arith.index_cast %parallel_loop3A_353 : i32 to index
        %parallel_loop3A_355 = tpu.vector_load %arg18[%parallel_loop3A_354] {strides = array<i32>} : memref<10256xf32, #tpu.memory_space<vmem>>, vector<16xf32>,
        %parallel_loop3A_356 = arith.index_cast %parallel_loop3A_353 : i32 to index
        %parallel_loop3A_357 = tpu.vector_load %arg19[%parallel_loop3A_356] {strides = array<i32>} : memref<10256xf32, #tpu.memory_space<vmem>>, vector<16xf32>,
        %parallel_loop3A_358 = arith.index_cast %parallel_loop3A_353 : i32 to index
        %parallel_loop3A_359 = tpu.vector_load %arg20[%parallel_loop3A_358] {strides = array<i32>} : memref<10256xf32, #tpu.memory_space<vmem>>, vector<16xf32>,
        %parallel_loop3A_360 = vector.broadcast %squeeze3A : f32 to vector<16xf32>
        %parallel_loop3A_361 = arith.subf %parallel_loop3A_355, %parallel_loop3A_360 : vector<16xf32>
        %parallel_loop3A_362 = vector.broadcast %squeeze3A_107 : f32 to vector<16xf32>
        %parallel_loop3A_363 = arith.subf %parallel_loop3A_357, %parallel_loop3A_362 : vector<16xf32>
        %parallel_loop3A_364 = vector.broadcast %squeeze3A_111 : f32 to vector<16xf32>
        %parallel_loop3A_365 = arith.subf %parallel_loop3A_359, %parallel_loop3A_364 : vector<16xf32>
        %parallel_loop3A_366 = arith.mulf %parallel_loop3A_361, %parallel_loop3A_361 : vector<16xf32>
        %parallel_loop3A_367 = arith.mulf %parallel_loop3A_363, %parallel_loop3A_363 : vector<16xf32>
        %parallel_loop3A_368 = arith.addf %parallel_loop3A_366, %parallel_loop3A_367 : vector<16xf32>
        %parallel_loop3A_369 = arith.mulf %parallel_loop3A_365, %parallel_loop3A_365 : vector<16xf32>
        %parallel_loop3A_370 = arith.addf %parallel_loop3A_368, %parallel_loop3A_369 : vector<16xf32>
        %parallel_loop3A_371 = vector.broadcast %scan3A : f32 to vector<16xf32>
        %parallel_loop3A_372 = arith.cmpf ole, %parallel_loop3A_370, %parallel_loop3A_371 : vector<16xf32>
        %parallel_loop3A_373 = tpu.all_reduce %parallel_loop3A_372 {dim = 0 : i64, kind = #tpu.reduction_kind<sum>} : vector<16xi1> -> vector<16xi32>
        %parallel_loop3A_374 = arith.constant 5 : i32
        %parallel_loop3A_375 = vector.broadcast %parallel_loop3A_374 : i32 to vector<16xi32>
        %parallel_loop3A_376 = arith.cmpi eq, %iota3A, %parallel_loop3A_375 : vector<16xi32>
        %parallel_loop3A_377 = arith.constant 0 : i32
        %parallel_loop3A_378 = vector.broadcast %parallel_loop3A_377 : i32 to vector<16xi32>
        %parallel_loop3A_379 = arith.select %parallel_loop3A_376, %parallel_loop3A_373, %parallel_loop3A_378 : vector<16xi1>, vector<16xi32>
        %parallel_loop3A_380 = arith.addi %parallel_loop3A_349, %parallel_loop3A_379 : vector<16xi32>
        %parallel_loop3A_381 = arith.constant 256 : i32
        %parallel_loop3A_382 = arith.muli %parallel_loop3A_194, %parallel_loop3A_381 : i32
        %parallel_loop3A_383 = arith.constant 96 : i32
        %parallel_loop3A_384 = arith.addi %parallel_loop3A_382, %parallel_loop3A_383 : i32
        %parallel_loop3A_385 = arith.index_cast %parallel_loop3A_384 : i32 to index
        %parallel_loop3A_386 = tpu.vector_load %arg18[%parallel_loop3A_385] {strides = array<i32>} : memref<10256xf32, #tpu.memory_space<vmem>>, vector<16xf32>,
        %parallel_loop3A_387 = arith.index_cast %parallel_loop3A_384 : i32 to index
        %parallel_loop3A_388 = tpu.vector_load %arg19[%parallel_loop3A_387] {strides = array<i32>} : memref<10256xf32, #tpu.memory_space<vmem>>, vector<16xf32>,
        %parallel_loop3A_389 = arith.index_cast %parallel_loop3A_384 : i32 to index
        %parallel_loop3A_390 = tpu.vector_load %arg20[%parallel_loop3A_389] {strides = array<i32>} : memref<10256xf32, #tpu.memory_space<vmem>>, vector<16xf32>,
        %parallel_loop3A_391 = vector.broadcast %squeeze3A : f32 to vector<16xf32>
        %parallel_loop3A_392 = arith.subf %parallel_loop3A_386, %parallel_loop3A_391 : vector<16xf32>
        %parallel_loop3A_393 = vector.broadcast %squeeze3A_107 : f32 to vector<16xf32>
        %parallel_loop3A_394 = arith.subf %parallel_loop3A_388, %parallel_loop3A_393 : vector<16xf32>
        %parallel_loop3A_395 = vector.broadcast %squeeze3A_111 : f32 to vector<16xf32>
        %parallel_loop3A_396 = arith.subf %parallel_loop3A_390, %parallel_loop3A_395 : vector<16xf32>
        %parallel_loop3A_397 = arith.mulf %parallel_loop3A_392, %parallel_loop3A_392 : vector<16xf32>
        %parallel_loop3A_398 = arith.mulf %parallel_loop3A_394, %parallel_loop3A_394 : vector<16xf32>
        %parallel_loop3A_399 = arith.addf %parallel_loop3A_397, %parallel_loop3A_398 : vector<16xf32>
        %parallel_loop3A_400 = arith.mulf %parallel_loop3A_396, %parallel_loop3A_396 : vector<16xf32>
        %parallel_loop3A_401 = arith.addf %parallel_loop3A_399, %parallel_loop3A_400 : vector<16xf32>
        %parallel_loop3A_402 = vector.broadcast %scan3A : f32 to vector<16xf32>
        %parallel_loop3A_403 = arith.cmpf ole, %parallel_loop3A_401, %parallel_loop3A_402 : vector<16xf32>
        %parallel_loop3A_404 = tpu.all_reduce %parallel_loop3A_403 {dim = 0 : i64, kind = #tpu.reduction_kind<sum>} : vector<16xi1> -> vector<16xi32>
        %parallel_loop3A_405 = arith.constant 6 : i32
        %parallel_loop3A_406 = vector.broadcast %parallel_loop3A_405 : i32 to vector<16xi32>
        %parallel_loop3A_407 = arith.cmpi eq, %iota3A, %parallel_loop3A_406 : vector<16xi32>
        %parallel_loop3A_408 = arith.constant 0 : i32
        %parallel_loop3A_409 = vector.broadcast %parallel_loop3A_408 : i32 to vector<16xi32>
        %parallel_loop3A_410 = arith.select %parallel_loop3A_407, %parallel_loop3A_404, %parallel_loop3A_409 : vector<16xi1>, vector<16xi32>
        %parallel_loop3A_411 = arith.addi %parallel_loop3A_380, %parallel_loop3A_410 : vector<16xi32>
        %parallel_loop3A_412 = arith.constant 256 : i32
        %parallel_loop3A_413 = arith.muli %parallel_loop3A_194, %parallel_loop3A_412 : i32
        %parallel_loop3A_414 = arith.constant 112 : i32
        %parallel_loop3A_415 = arith.addi %parallel_loop3A_413, %parallel_loop3A_414 : i32
        %parallel_loop3A_416 = arith.index_cast %parallel_loop3A_415 : i32 to index
        %parallel_loop3A_417 = tpu.vector_load %arg18[%parallel_loop3A_416] {strides = array<i32>} : memref<10256xf32, #tpu.memory_space<vmem>>, vector<16xf32>,
        %parallel_loop3A_418 = arith.index_cast %parallel_loop3A_415 : i32 to index
        %parallel_loop3A_419 = tpu.vector_load %arg19[%parallel_loop3A_418] {strides = array<i32>} : memref<10256xf32, #tpu.memory_space<vmem>>, vector<16xf32>,
        %parallel_loop3A_420 = arith.index_cast %parallel_loop3A_415 : i32 to index
        %parallel_loop3A_421 = tpu.vector_load %arg20[%parallel_loop3A_420] {strides = array<i32>} : memref<10256xf32, #tpu.memory_space<vmem>>, vector<16xf32>,
        %parallel_loop3A_422 = vector.broadcast %squeeze3A : f32 to vector<16xf32>
        %parallel_loop3A_423 = arith.subf %parallel_loop3A_417, %parallel_loop3A_422 : vector<16xf32>
        %parallel_loop3A_424 = vector.broadcast %squeeze3A_107 : f32 to vector<16xf32>
        %parallel_loop3A_425 = arith.subf %parallel_loop3A_419, %parallel_loop3A_424 : vector<16xf32>
        %parallel_loop3A_426 = vector.broadcast %squeeze3A_111 : f32 to vector<16xf32>
        %parallel_loop3A_427 = arith.subf %parallel_loop3A_421, %parallel_loop3A_426 : vector<16xf32>
        %parallel_loop3A_428 = arith.mulf %parallel_loop3A_423, %parallel_loop3A_423 : vector<16xf32>
        %parallel_loop3A_429 = arith.mulf %parallel_loop3A_425, %parallel_loop3A_425 : vector<16xf32>
        %parallel_loop3A_430 = arith.addf %parallel_loop3A_428, %parallel_loop3A_429 : vector<16xf32>
        %parallel_loop3A_431 = arith.mulf %parallel_loop3A_427, %parallel_loop3A_427 : vector<16xf32>
        %parallel_loop3A_432 = arith.addf %parallel_loop3A_430, %parallel_loop3A_431 : vector<16xf32>
        %parallel_loop3A_433 = vector.broadcast %scan3A : f32 to vector<16xf32>
        %parallel_loop3A_434 = arith.cmpf ole, %parallel_loop3A_432, %parallel_loop3A_433 : vector<16xf32>
        %parallel_loop3A_435 = tpu.all_reduce %parallel_loop3A_434 {dim = 0 : i64, kind = #tpu.reduction_kind<sum>} : vector<16xi1> -> vector<16xi32>
        %parallel_loop3A_436 = arith.constant 7 : i32
        %parallel_loop3A_437 = vector.broadcast %parallel_loop3A_436 : i32 to vector<16xi32>
        %parallel_loop3A_438 = arith.cmpi eq, %iota3A, %parallel_loop3A_437 : vector<16xi32>
        %parallel_loop3A_439 = arith.constant 0 : i32
        %parallel_loop3A_440 = vector.broadcast %parallel_loop3A_439 : i32 to vector<16xi32>
        %parallel_loop3A_441 = arith.select %parallel_loop3A_438, %parallel_loop3A_435, %parallel_loop3A_440 : vector<16xi1>, vector<16xi32>
        %parallel_loop3A_442 = arith.addi %parallel_loop3A_411, %parallel_loop3A_441 : vector<16xi32>
        %parallel_loop3A_443 = arith.constant 256 : i32
        %parallel_loop3A_444 = arith.muli %parallel_loop3A_194, %parallel_loop3A_443 : i32
        %parallel_loop3A_445 = arith.constant 128 : i32
        %parallel_loop3A_446 = arith.addi %parallel_loop3A_444, %parallel_loop3A_445 : i32
        %parallel_loop3A_447 = arith.index_cast %parallel_loop3A_446 : i32 to index
        %parallel_loop3A_448 = tpu.vector_load %arg18[%parallel_loop3A_447] {strides = array<i32>} : memref<10256xf32, #tpu.memory_space<vmem>>, vector<16xf32>,
        %parallel_loop3A_449 = arith.index_cast %parallel_loop3A_446 : i32 to index
        %parallel_loop3A_450 = tpu.vector_load %arg19[%parallel_loop3A_449] {strides = array<i32>} : memref<10256xf32, #tpu.memory_space<vmem>>, vector<16xf32>,
        %parallel_loop3A_451 = arith.index_cast %parallel_loop3A_446 : i32 to index
        %parallel_loop3A_452 = tpu.vector_load %arg20[%parallel_loop3A_451] {strides = array<i32>} : memref<10256xf32, #tpu.memory_space<vmem>>, vector<16xf32>,
        %parallel_loop3A_453 = vector.broadcast %squeeze3A : f32 to vector<16xf32>
        %parallel_loop3A_454 = arith.subf %parallel_loop3A_448, %parallel_loop3A_453 : vector<16xf32>
        %parallel_loop3A_455 = vector.broadcast %squeeze3A_107 : f32 to vector<16xf32>
        %parallel_loop3A_456 = arith.subf %parallel_loop3A_450, %parallel_loop3A_455 : vector<16xf32>
        %parallel_loop3A_457 = vector.broadcast %squeeze3A_111 : f32 to vector<16xf32>
        %parallel_loop3A_458 = arith.subf %parallel_loop3A_452, %parallel_loop3A_457 : vector<16xf32>
        %parallel_loop3A_459 = arith.mulf %parallel_loop3A_454, %parallel_loop3A_454 : vector<16xf32>
        %parallel_loop3A_460 = arith.mulf %parallel_loop3A_456, %parallel_loop3A_456 : vector<16xf32>
        %parallel_loop3A_461 = arith.addf %parallel_loop3A_459, %parallel_loop3A_460 : vector<16xf32>
        %parallel_loop3A_462 = arith.mulf %parallel_loop3A_458, %parallel_loop3A_458 : vector<16xf32>
        %parallel_loop3A_463 = arith.addf %parallel_loop3A_461, %parallel_loop3A_462 : vector<16xf32>
        %parallel_loop3A_464 = vector.broadcast %scan3A : f32 to vector<16xf32>
        %parallel_loop3A_465 = arith.cmpf ole, %parallel_loop3A_463, %parallel_loop3A_464 : vector<16xf32>
        %parallel_loop3A_466 = tpu.all_reduce %parallel_loop3A_465 {dim = 0 : i64, kind = #tpu.reduction_kind<sum>} : vector<16xi1> -> vector<16xi32>
        %parallel_loop3A_467 = arith.constant 8 : i32
        %parallel_loop3A_468 = vector.broadcast %parallel_loop3A_467 : i32 to vector<16xi32>
        %parallel_loop3A_469 = arith.cmpi eq, %iota3A, %parallel_loop3A_468 : vector<16xi32>
        %parallel_loop3A_470 = arith.constant 0 : i32
        %parallel_loop3A_471 = vector.broadcast %parallel_loop3A_470 : i32 to vector<16xi32>
        %parallel_loop3A_472 = arith.select %parallel_loop3A_469, %parallel_loop3A_466, %parallel_loop3A_471 : vector<16xi1>, vector<16xi32>
        %parallel_loop3A_473 = arith.addi %parallel_loop3A_442, %parallel_loop3A_472 : vector<16xi32>
        %parallel_loop3A_474 = arith.constant 256 : i32
        %parallel_loop3A_475 = arith.muli %parallel_loop3A_194, %parallel_loop3A_474 : i32
        %parallel_loop3A_476 = arith.constant 144 : i32
        %parallel_loop3A_477 = arith.addi %parallel_loop3A_475, %parallel_loop3A_476 : i32
        %parallel_loop3A_478 = arith.index_cast %parallel_loop3A_477 : i32 to index
        %parallel_loop3A_479 = tpu.vector_load %arg18[%parallel_loop3A_478] {strides = array<i32>} : memref<10256xf32, #tpu.memory_space<vmem>>, vector<16xf32>,
        %parallel_loop3A_480 = arith.index_cast %parallel_loop3A_477 : i32 to index
        %parallel_loop3A_481 = tpu.vector_load %arg19[%parallel_loop3A_480] {strides = array<i32>} : memref<10256xf32, #tpu.memory_space<vmem>>, vector<16xf32>,
        %parallel_loop3A_482 = arith.index_cast %parallel_loop3A_477 : i32 to index
        %parallel_loop3A_483 = tpu.vector_load %arg20[%parallel_loop3A_482] {strides = array<i32>} : memref<10256xf32, #tpu.memory_space<vmem>>, vector<16xf32>,
        %parallel_loop3A_484 = vector.broadcast %squeeze3A : f32 to vector<16xf32>
        %parallel_loop3A_485 = arith.subf %parallel_loop3A_479, %parallel_loop3A_484 : vector<16xf32>
        %parallel_loop3A_486 = vector.broadcast %squeeze3A_107 : f32 to vector<16xf32>
        %parallel_loop3A_487 = arith.subf %parallel_loop3A_481, %parallel_loop3A_486 : vector<16xf32>
        %parallel_loop3A_488 = vector.broadcast %squeeze3A_111 : f32 to vector<16xf32>
        %parallel_loop3A_489 = arith.subf %parallel_loop3A_483, %parallel_loop3A_488 : vector<16xf32>
        %parallel_loop3A_490 = arith.mulf %parallel_loop3A_485, %parallel_loop3A_485 : vector<16xf32>
        %parallel_loop3A_491 = arith.mulf %parallel_loop3A_487, %parallel_loop3A_487 : vector<16xf32>
        %parallel_loop3A_492 = arith.addf %parallel_loop3A_490, %parallel_loop3A_491 : vector<16xf32>
        %parallel_loop3A_493 = arith.mulf %parallel_loop3A_489, %parallel_loop3A_489 : vector<16xf32>
        %parallel_loop3A_494 = arith.addf %parallel_loop3A_492, %parallel_loop3A_493 : vector<16xf32>
        %parallel_loop3A_495 = vector.broadcast %scan3A : f32 to vector<16xf32>
        %parallel_loop3A_496 = arith.cmpf ole, %parallel_loop3A_494, %parallel_loop3A_495 : vector<16xf32>
        %parallel_loop3A_497 = tpu.all_reduce %parallel_loop3A_496 {dim = 0 : i64, kind = #tpu.reduction_kind<sum>} : vector<16xi1> -> vector<16xi32>
        %parallel_loop3A_498 = arith.constant 9 : i32
        %parallel_loop3A_499 = vector.broadcast %parallel_loop3A_498 : i32 to vector<16xi32>
        %parallel_loop3A_500 = arith.cmpi eq, %iota3A, %parallel_loop3A_499 : vector<16xi32>
        %parallel_loop3A_501 = arith.constant 0 : i32
        %parallel_loop3A_502 = vector.broadcast %parallel_loop3A_501 : i32 to vector<16xi32>
        %parallel_loop3A_503 = arith.select %parallel_loop3A_500, %parallel_loop3A_497, %parallel_loop3A_502 : vector<16xi1>, vector<16xi32>
        %parallel_loop3A_504 = arith.addi %parallel_loop3A_473, %parallel_loop3A_503 : vector<16xi32>
        %parallel_loop3A_505 = arith.constant 256 : i32
        %parallel_loop3A_506 = arith.muli %parallel_loop3A_194, %parallel_loop3A_505 : i32
        %parallel_loop3A_507 = arith.constant 160 : i32
        %parallel_loop3A_508 = arith.addi %parallel_loop3A_506, %parallel_loop3A_507 : i32
        %parallel_loop3A_509 = arith.index_cast %parallel_loop3A_508 : i32 to index
        %parallel_loop3A_510 = tpu.vector_load %arg18[%parallel_loop3A_509] {strides = array<i32>} : memref<10256xf32, #tpu.memory_space<vmem>>, vector<16xf32>,
        %parallel_loop3A_511 = arith.index_cast %parallel_loop3A_508 : i32 to index
        %parallel_loop3A_512 = tpu.vector_load %arg19[%parallel_loop3A_511] {strides = array<i32>} : memref<10256xf32, #tpu.memory_space<vmem>>, vector<16xf32>,
        %parallel_loop3A_513 = arith.index_cast %parallel_loop3A_508 : i32 to index
        %parallel_loop3A_514 = tpu.vector_load %arg20[%parallel_loop3A_513] {strides = array<i32>} : memref<10256xf32, #tpu.memory_space<vmem>>, vector<16xf32>,
        %parallel_loop3A_515 = vector.broadcast %squeeze3A : f32 to vector<16xf32>
        %parallel_loop3A_516 = arith.subf %parallel_loop3A_510, %parallel_loop3A_515 : vector<16xf32>
        %parallel_loop3A_517 = vector.broadcast %squeeze3A_107 : f32 to vector<16xf32>
        %parallel_loop3A_518 = arith.subf %parallel_loop3A_512, %parallel_loop3A_517 : vector<16xf32>
        %parallel_loop3A_519 = vector.broadcast %squeeze3A_111 : f32 to vector<16xf32>
        %parallel_loop3A_520 = arith.subf %parallel_loop3A_514, %parallel_loop3A_519 : vector<16xf32>
        %parallel_loop3A_521 = arith.mulf %parallel_loop3A_516, %parallel_loop3A_516 : vector<16xf32>
        %parallel_loop3A_522 = arith.mulf %parallel_loop3A_518, %parallel_loop3A_518 : vector<16xf32>
        %parallel_loop3A_523 = arith.addf %parallel_loop3A_521, %parallel_loop3A_522 : vector<16xf32>
        %parallel_loop3A_524 = arith.mulf %parallel_loop3A_520, %parallel_loop3A_520 : vector<16xf32>
        %parallel_loop3A_525 = arith.addf %parallel_loop3A_523, %parallel_loop3A_524 : vector<16xf32>
        %parallel_loop3A_526 = vector.broadcast %scan3A : f32 to vector<16xf32>
        %parallel_loop3A_527 = arith.cmpf ole, %parallel_loop3A_525, %parallel_loop3A_526 : vector<16xf32>
        %parallel_loop3A_528 = tpu.all_reduce %parallel_loop3A_527 {dim = 0 : i64, kind = #tpu.reduction_kind<sum>} : vector<16xi1> -> vector<16xi32>
        %parallel_loop3A_529 = arith.constant 10 : i32
        %parallel_loop3A_530 = vector.broadcast %parallel_loop3A_529 : i32 to vector<16xi32>
        %parallel_loop3A_531 = arith.cmpi eq, %iota3A, %parallel_loop3A_530 : vector<16xi32>
        %parallel_loop3A_532 = arith.constant 0 : i32
        %parallel_loop3A_533 = vector.broadcast %parallel_loop3A_532 : i32 to vector<16xi32>
        %parallel_loop3A_534 = arith.select %parallel_loop3A_531, %parallel_loop3A_528, %parallel_loop3A_533 : vector<16xi1>, vector<16xi32>
        %parallel_loop3A_535 = arith.addi %parallel_loop3A_504, %parallel_loop3A_534 : vector<16xi32>
        %parallel_loop3A_536 = arith.constant 256 : i32
        %parallel_loop3A_537 = arith.muli %parallel_loop3A_194, %parallel_loop3A_536 : i32
        %parallel_loop3A_538 = arith.constant 176 : i32
        %parallel_loop3A_539 = arith.addi %parallel_loop3A_537, %parallel_loop3A_538 : i32
        %parallel_loop3A_540 = arith.index_cast %parallel_loop3A_539 : i32 to index
        %parallel_loop3A_541 = tpu.vector_load %arg18[%parallel_loop3A_540] {strides = array<i32>} : memref<10256xf32, #tpu.memory_space<vmem>>, vector<16xf32>,
        %parallel_loop3A_542 = arith.index_cast %parallel_loop3A_539 : i32 to index
        %parallel_loop3A_543 = tpu.vector_load %arg19[%parallel_loop3A_542] {strides = array<i32>} : memref<10256xf32, #tpu.memory_space<vmem>>, vector<16xf32>,
        %parallel_loop3A_544 = arith.index_cast %parallel_loop3A_539 : i32 to index
        %parallel_loop3A_545 = tpu.vector_load %arg20[%parallel_loop3A_544] {strides = array<i32>} : memref<10256xf32, #tpu.memory_space<vmem>>, vector<16xf32>,
        %parallel_loop3A_546 = vector.broadcast %squeeze3A : f32 to vector<16xf32>
        %parallel_loop3A_547 = arith.subf %parallel_loop3A_541, %parallel_loop3A_546 : vector<16xf32>
        %parallel_loop3A_548 = vector.broadcast %squeeze3A_107 : f32 to vector<16xf32>
        %parallel_loop3A_549 = arith.subf %parallel_loop3A_543, %parallel_loop3A_548 : vector<16xf32>
        %parallel_loop3A_550 = vector.broadcast %squeeze3A_111 : f32 to vector<16xf32>
        %parallel_loop3A_551 = arith.subf %parallel_loop3A_545, %parallel_loop3A_550 : vector<16xf32>
        %parallel_loop3A_552 = arith.mulf %parallel_loop3A_547, %parallel_loop3A_547 : vector<16xf32>
        %parallel_loop3A_553 = arith.mulf %parallel_loop3A_549, %parallel_loop3A_549 : vector<16xf32>
        %parallel_loop3A_554 = arith.addf %parallel_loop3A_552, %parallel_loop3A_553 : vector<16xf32>
        %parallel_loop3A_555 = arith.mulf %parallel_loop3A_551, %parallel_loop3A_551 : vector<16xf32>
        %parallel_loop3A_556 = arith.addf %parallel_loop3A_554, %parallel_loop3A_555 : vector<16xf32>
        %parallel_loop3A_557 = vector.broadcast %scan3A : f32 to vector<16xf32>
        %parallel_loop3A_558 = arith.cmpf ole, %parallel_loop3A_556, %parallel_loop3A_557 : vector<16xf32>
        %parallel_loop3A_559 = tpu.all_reduce %parallel_loop3A_558 {dim = 0 : i64, kind = #tpu.reduction_kind<sum>} : vector<16xi1> -> vector<16xi32>
        %parallel_loop3A_560 = arith.constant 11 : i32
        %parallel_loop3A_561 = vector.broadcast %parallel_loop3A_560 : i32 to vector<16xi32>
        %parallel_loop3A_562 = arith.cmpi eq, %iota3A, %parallel_loop3A_561 : vector<16xi32>
        %parallel_loop3A_563 = arith.constant 0 : i32
        %parallel_loop3A_564 = vector.broadcast %parallel_loop3A_563 : i32 to vector<16xi32>
        %parallel_loop3A_565 = arith.select %parallel_loop3A_562, %parallel_loop3A_559, %parallel_loop3A_564 : vector<16xi1>, vector<16xi32>
        %parallel_loop3A_566 = arith.addi %parallel_loop3A_535, %parallel_loop3A_565 : vector<16xi32>
        %parallel_loop3A_567 = arith.constant 256 : i32
        %parallel_loop3A_568 = arith.muli %parallel_loop3A_194, %parallel_loop3A_567 : i32
        %parallel_loop3A_569 = arith.constant 192 : i32
        %parallel_loop3A_570 = arith.addi %parallel_loop3A_568, %parallel_loop3A_569 : i32
        %parallel_loop3A_571 = arith.index_cast %parallel_loop3A_570 : i32 to index
        %parallel_loop3A_572 = tpu.vector_load %arg18[%parallel_loop3A_571] {strides = array<i32>} : memref<10256xf32, #tpu.memory_space<vmem>>, vector<16xf32>,
        %parallel_loop3A_573 = arith.index_cast %parallel_loop3A_570 : i32 to index
        %parallel_loop3A_574 = tpu.vector_load %arg19[%parallel_loop3A_573] {strides = array<i32>} : memref<10256xf32, #tpu.memory_space<vmem>>, vector<16xf32>,
        %parallel_loop3A_575 = arith.index_cast %parallel_loop3A_570 : i32 to index
        %parallel_loop3A_576 = tpu.vector_load %arg20[%parallel_loop3A_575] {strides = array<i32>} : memref<10256xf32, #tpu.memory_space<vmem>>, vector<16xf32>,
        %parallel_loop3A_577 = vector.broadcast %squeeze3A : f32 to vector<16xf32>
        %parallel_loop3A_578 = arith.subf %parallel_loop3A_572, %parallel_loop3A_577 : vector<16xf32>
        %parallel_loop3A_579 = vector.broadcast %squeeze3A_107 : f32 to vector<16xf32>
        %parallel_loop3A_580 = arith.subf %parallel_loop3A_574, %parallel_loop3A_579 : vector<16xf32>
        %parallel_loop3A_581 = vector.broadcast %squeeze3A_111 : f32 to vector<16xf32>
        %parallel_loop3A_582 = arith.subf %parallel_loop3A_576, %parallel_loop3A_581 : vector<16xf32>
        %parallel_loop3A_583 = arith.mulf %parallel_loop3A_578, %parallel_loop3A_578 : vector<16xf32>
        %parallel_loop3A_584 = arith.mulf %parallel_loop3A_580, %parallel_loop3A_580 : vector<16xf32>
        %parallel_loop3A_585 = arith.addf %parallel_loop3A_583, %parallel_loop3A_584 : vector<16xf32>
        %parallel_loop3A_586 = arith.mulf %parallel_loop3A_582, %parallel_loop3A_582 : vector<16xf32>
        %parallel_loop3A_587 = arith.addf %parallel_loop3A_585, %parallel_loop3A_586 : vector<16xf32>
        %parallel_loop3A_588 = vector.broadcast %scan3A : f32 to vector<16xf32>
        %parallel_loop3A_589 = arith.cmpf ole, %parallel_loop3A_587, %parallel_loop3A_588 : vector<16xf32>
        %parallel_loop3A_590 = tpu.all_reduce %parallel_loop3A_589 {dim = 0 : i64, kind = #tpu.reduction_kind<sum>} : vector<16xi1> -> vector<16xi32>
        %parallel_loop3A_591 = arith.constant 12 : i32
        %parallel_loop3A_592 = vector.broadcast %parallel_loop3A_591 : i32 to vector<16xi32>
        %parallel_loop3A_593 = arith.cmpi eq, %iota3A, %parallel_loop3A_592 : vector<16xi32>
        %parallel_loop3A_594 = arith.constant 0 : i32
        %parallel_loop3A_595 = vector.broadcast %parallel_loop3A_594 : i32 to vector<16xi32>
        %parallel_loop3A_596 = arith.select %parallel_loop3A_593, %parallel_loop3A_590, %parallel_loop3A_595 : vector<16xi1>, vector<16xi32>
        %parallel_loop3A_597 = arith.addi %parallel_loop3A_566, %parallel_loop3A_596 : vector<16xi32>
        %parallel_loop3A_598 = arith.constant 256 : i32
        %parallel_loop3A_599 = arith.muli %parallel_loop3A_194, %parallel_loop3A_598 : i32
        %parallel_loop3A_600 = arith.constant 208 : i32
        %parallel_loop3A_601 = arith.addi %parallel_loop3A_599, %parallel_loop3A_600 : i32
        %parallel_loop3A_602 = arith.index_cast %parallel_loop3A_601 : i32 to index
        %parallel_loop3A_603 = tpu.vector_load %arg18[%parallel_loop3A_602] {strides = array<i32>} : memref<10256xf32, #tpu.memory_space<vmem>>, vector<16xf32>,
        %parallel_loop3A_604 = arith.index_cast %parallel_loop3A_601 : i32 to index
        %parallel_loop3A_605 = tpu.vector_load %arg19[%parallel_loop3A_604] {strides = array<i32>} : memref<10256xf32, #tpu.memory_space<vmem>>, vector<16xf32>,
        %parallel_loop3A_606 = arith.index_cast %parallel_loop3A_601 : i32 to index
        %parallel_loop3A_607 = tpu.vector_load %arg20[%parallel_loop3A_606] {strides = array<i32>} : memref<10256xf32, #tpu.memory_space<vmem>>, vector<16xf32>,
        %parallel_loop3A_608 = vector.broadcast %squeeze3A : f32 to vector<16xf32>
        %parallel_loop3A_609 = arith.subf %parallel_loop3A_603, %parallel_loop3A_608 : vector<16xf32>
        %parallel_loop3A_610 = vector.broadcast %squeeze3A_107 : f32 to vector<16xf32>
        %parallel_loop3A_611 = arith.subf %parallel_loop3A_605, %parallel_loop3A_610 : vector<16xf32>
        %parallel_loop3A_612 = vector.broadcast %squeeze3A_111 : f32 to vector<16xf32>
        %parallel_loop3A_613 = arith.subf %parallel_loop3A_607, %parallel_loop3A_612 : vector<16xf32>
        %parallel_loop3A_614 = arith.mulf %parallel_loop3A_609, %parallel_loop3A_609 : vector<16xf32>
        %parallel_loop3A_615 = arith.mulf %parallel_loop3A_611, %parallel_loop3A_611 : vector<16xf32>
        %parallel_loop3A_616 = arith.addf %parallel_loop3A_614, %parallel_loop3A_615 : vector<16xf32>
        %parallel_loop3A_617 = arith.mulf %parallel_loop3A_613, %parallel_loop3A_613 : vector<16xf32>
        %parallel_loop3A_618 = arith.addf %parallel_loop3A_616, %parallel_loop3A_617 : vector<16xf32>
        %parallel_loop3A_619 = vector.broadcast %scan3A : f32 to vector<16xf32>
        %parallel_loop3A_620 = arith.cmpf ole, %parallel_loop3A_618, %parallel_loop3A_619 : vector<16xf32>
        %parallel_loop3A_621 = tpu.all_reduce %parallel_loop3A_620 {dim = 0 : i64, kind = #tpu.reduction_kind<sum>} : vector<16xi1> -> vector<16xi32>
        %parallel_loop3A_622 = arith.constant 13 : i32
        %parallel_loop3A_623 = vector.broadcast %parallel_loop3A_622 : i32 to vector<16xi32>
        %parallel_loop3A_624 = arith.cmpi eq, %iota3A, %parallel_loop3A_623 : vector<16xi32>
        %parallel_loop3A_625 = arith.constant 0 : i32
        %parallel_loop3A_626 = vector.broadcast %parallel_loop3A_625 : i32 to vector<16xi32>
        %parallel_loop3A_627 = arith.select %parallel_loop3A_624, %parallel_loop3A_621, %parallel_loop3A_626 : vector<16xi1>, vector<16xi32>
        %parallel_loop3A_628 = arith.addi %parallel_loop3A_597, %parallel_loop3A_627 : vector<16xi32>
        %parallel_loop3A_629 = arith.constant 256 : i32
        %parallel_loop3A_630 = arith.muli %parallel_loop3A_194, %parallel_loop3A_629 : i32
        %parallel_loop3A_631 = arith.constant 224 : i32
        %parallel_loop3A_632 = arith.addi %parallel_loop3A_630, %parallel_loop3A_631 : i32
        %parallel_loop3A_633 = arith.index_cast %parallel_loop3A_632 : i32 to index
        %parallel_loop3A_634 = tpu.vector_load %arg18[%parallel_loop3A_633] {strides = array<i32>} : memref<10256xf32, #tpu.memory_space<vmem>>, vector<16xf32>,
        %parallel_loop3A_635 = arith.index_cast %parallel_loop3A_632 : i32 to index
        %parallel_loop3A_636 = tpu.vector_load %arg19[%parallel_loop3A_635] {strides = array<i32>} : memref<10256xf32, #tpu.memory_space<vmem>>, vector<16xf32>,
        %parallel_loop3A_637 = arith.index_cast %parallel_loop3A_632 : i32 to index
        %parallel_loop3A_638 = tpu.vector_load %arg20[%parallel_loop3A_637] {strides = array<i32>} : memref<10256xf32, #tpu.memory_space<vmem>>, vector<16xf32>,
        %parallel_loop3A_639 = vector.broadcast %squeeze3A : f32 to vector<16xf32>
        %parallel_loop3A_640 = arith.subf %parallel_loop3A_634, %parallel_loop3A_639 : vector<16xf32>
        %parallel_loop3A_641 = vector.broadcast %squeeze3A_107 : f32 to vector<16xf32>
        %parallel_loop3A_642 = arith.subf %parallel_loop3A_636, %parallel_loop3A_641 : vector<16xf32>
        %parallel_loop3A_643 = vector.broadcast %squeeze3A_111 : f32 to vector<16xf32>
        %parallel_loop3A_644 = arith.subf %parallel_loop3A_638, %parallel_loop3A_643 : vector<16xf32>
        %parallel_loop3A_645 = arith.mulf %parallel_loop3A_640, %parallel_loop3A_640 : vector<16xf32>
        %parallel_loop3A_646 = arith.mulf %parallel_loop3A_642, %parallel_loop3A_642 : vector<16xf32>
        %parallel_loop3A_647 = arith.addf %parallel_loop3A_645, %parallel_loop3A_646 : vector<16xf32>
        %parallel_loop3A_648 = arith.mulf %parallel_loop3A_644, %parallel_loop3A_644 : vector<16xf32>
        %parallel_loop3A_649 = arith.addf %parallel_loop3A_647, %parallel_loop3A_648 : vector<16xf32>
        %parallel_loop3A_650 = vector.broadcast %scan3A : f32 to vector<16xf32>
        %parallel_loop3A_651 = arith.cmpf ole, %parallel_loop3A_649, %parallel_loop3A_650 : vector<16xf32>
        %parallel_loop3A_652 = tpu.all_reduce %parallel_loop3A_651 {dim = 0 : i64, kind = #tpu.reduction_kind<sum>} : vector<16xi1> -> vector<16xi32>
        %parallel_loop3A_653 = arith.constant 14 : i32
        %parallel_loop3A_654 = vector.broadcast %parallel_loop3A_653 : i32 to vector<16xi32>
        %parallel_loop3A_655 = arith.cmpi eq, %iota3A, %parallel_loop3A_654 : vector<16xi32>
        %parallel_loop3A_656 = arith.constant 0 : i32
        %parallel_loop3A_657 = vector.broadcast %parallel_loop3A_656 : i32 to vector<16xi32>
        %parallel_loop3A_658 = arith.select %parallel_loop3A_655, %parallel_loop3A_652, %parallel_loop3A_657 : vector<16xi1>, vector<16xi32>
        %parallel_loop3A_659 = arith.addi %parallel_loop3A_628, %parallel_loop3A_658 : vector<16xi32>
        %parallel_loop3A_660 = arith.constant 256 : i32
        %parallel_loop3A_661 = arith.muli %parallel_loop3A_194, %parallel_loop3A_660 : i32
        %parallel_loop3A_662 = arith.constant 240 : i32
        %parallel_loop3A_663 = arith.addi %parallel_loop3A_661, %parallel_loop3A_662 : i32
        %parallel_loop3A_664 = arith.index_cast %parallel_loop3A_663 : i32 to index
        %parallel_loop3A_665 = tpu.vector_load %arg18[%parallel_loop3A_664] {strides = array<i32>} : memref<10256xf32, #tpu.memory_space<vmem>>, vector<16xf32>,
        %parallel_loop3A_666 = arith.index_cast %parallel_loop3A_663 : i32 to index
        %parallel_loop3A_667 = tpu.vector_load %arg19[%parallel_loop3A_666] {strides = array<i32>} : memref<10256xf32, #tpu.memory_space<vmem>>, vector<16xf32>,
        %parallel_loop3A_668 = arith.index_cast %parallel_loop3A_663 : i32 to index
        %parallel_loop3A_669 = tpu.vector_load %arg20[%parallel_loop3A_668] {strides = array<i32>} : memref<10256xf32, #tpu.memory_space<vmem>>, vector<16xf32>,
        %parallel_loop3A_670 = vector.broadcast %squeeze3A : f32 to vector<16xf32>
        %parallel_loop3A_671 = arith.subf %parallel_loop3A_665, %parallel_loop3A_670 : vector<16xf32>
        %parallel_loop3A_672 = vector.broadcast %squeeze3A_107 : f32 to vector<16xf32>
        %parallel_loop3A_673 = arith.subf %parallel_loop3A_667, %parallel_loop3A_672 : vector<16xf32>
        %parallel_loop3A_674 = vector.broadcast %squeeze3A_111 : f32 to vector<16xf32>
        %parallel_loop3A_675 = arith.subf %parallel_loop3A_669, %parallel_loop3A_674 : vector<16xf32>
        %parallel_loop3A_676 = arith.mulf %parallel_loop3A_671, %parallel_loop3A_671 : vector<16xf32>
        %parallel_loop3A_677 = arith.mulf %parallel_loop3A_673, %parallel_loop3A_673 : vector<16xf32>
        %parallel_loop3A_678 = arith.addf %parallel_loop3A_676, %parallel_loop3A_677 : vector<16xf32>
        %parallel_loop3A_679 = arith.mulf %parallel_loop3A_675, %parallel_loop3A_675 : vector<16xf32>
        %parallel_loop3A_680 = arith.addf %parallel_loop3A_678, %parallel_loop3A_679 : vector<16xf32>
        %parallel_loop3A_681 = vector.broadcast %scan3A : f32 to vector<16xf32>
        %parallel_loop3A_682 = arith.cmpf ole, %parallel_loop3A_680, %parallel_loop3A_681 : vector<16xf32>
        %parallel_loop3A_683 = tpu.all_reduce %parallel_loop3A_682 {dim = 0 : i64, kind = #tpu.reduction_kind<sum>} : vector<16xi1> -> vector<16xi32>
        %parallel_loop3A_684 = arith.constant 15 : i32
        %parallel_loop3A_685 = vector.broadcast %parallel_loop3A_684 : i32 to vector<16xi32>
        %parallel_loop3A_686 = arith.cmpi eq, %iota3A, %parallel_loop3A_685 : vector<16xi32>
        %parallel_loop3A_687 = arith.constant 0 : i32
        %parallel_loop3A_688 = vector.broadcast %parallel_loop3A_687 : i32 to vector<16xi32>
        %parallel_loop3A_689 = arith.select %parallel_loop3A_686, %parallel_loop3A_683, %parallel_loop3A_688 : vector<16xi1>, vector<16xi32>
        %parallel_loop3A_690 = arith.addi %parallel_loop3A_659, %parallel_loop3A_689 : vector<16xi32>
        %parallel_loop3A_691 = arith.constant 16 : i32
        %parallel_loop3A_692 = arith.muli %parallel_loop3A_194, %parallel_loop3A_691 : i32
        %parallel_loop3A_693 = arith.index_cast %parallel_loop3A_692 : i32 to index
        %parallel_loop3A_694 = tpu.vector_load %arg28[%parallel_loop3A_693] {strides = array<i32>} : memref<640xi32, #tpu.memory_space<vmem>>, vector<16xi32>,
        tpu.vector_store %arg28[%parallel_loop3A_693], %parallel_loop3A_690 {strides = array<i32>} : memref<640xi32, #tpu.memory_space<vmem>>, vector<16xi32>,
      } {sc.loop_unroll_factor = 1 : i64, sc.parallel_access}
      %scan3A_132 = arith.constant 0 : i32
      %scan3A_133 = arith.constant 0 : i32
      %scan3A_134 = arith.constant 40 : i32
      %scan3A_135 = arith.addi %scan3A_133, %scan3A_134 : i32
      %scan3A_136 = arith.constant 1 : i32
      %scan3A_137 = scf.for %scan3A_194 = %scan3A_133 to %scan3A_135 step %scan3A_136 iter_args(%scan3A_195 = %scan3A_132) -> (i32)  : i32 {
        %mul3A_196 = arith.constant 16 : i32
        %mul3A_197 = arith.muli %scan3A_194, %mul3A_196 : i32
        %get3A_198 = arith.index_cast %mul3A_197 : i32 to index
        %get3A_199 = tpu.vector_load %arg28[%get3A_198] {strides = array<i32>} : memref<640xi32, #tpu.memory_space<vmem>>, vector<16xi32>,
        %gt3A_200 = arith.constant 0 : i32
        %gt3A_201 = vector.broadcast %gt3A_200 : i32 to vector<16xi32>
        %gt3A_202 = arith.cmpi sgt, %get3A_199, %gt3A_201 : vector<16xi32>
        %mul3A_203 = arith.constant 16 : i32
        %mul3A_204 = arith.muli %scan3A_194, %mul3A_203 : i32
        %add3A_205 = vector.broadcast %mul3A_204 : i32 to vector<16xi32>
        %add3A_206 = arith.addi %iota3A, %add3A_205 : vector<16xi32>
        %swap3A_207 = arith.index_cast %scan3A_195 : i32 to index
        %swap3A_208 = tpu.vector_load %arg29[%swap3A_207] masked %gt3A_202 {strides = array<i32>} : memref<256xi32, #tpu.memory_space<vmem>>, vector<16xi32>, vector<16xi1>
        tpu.vector_store %arg29[%swap3A_207], %add3A_206 masked %gt3A_202 {strides = array<i32>} : memref<256xi32, #tpu.memory_space<vmem>>, vector<16xi32>, vector<16xi1>
        %convert_element_type3A_209 = arith.extui %gt3A_202 : vector<16xi1> to vector<16xi32>
        %reduce_sum3A = arith.constant true
        %reduce_sum3A_210 = vector.broadcast %reduce_sum3A : i1 to vector<16xi1>
        %reduce_sum3A_211 = tpu.scan <sum>, %convert_element_type3A_209 masked %reduce_sum3A_210 : vector<16xi32>, vector<16xi1> -> vector<16xi32>
        %reduce_sum3A_212 = vector.extract %reduce_sum3A_211[15] : i32 from vector<16xi32>
        %add3A_213 = arith.addi %scan3A_195, %reduce_sum3A_212 : i32
        %min3A_214 = arith.constant 224 : i32
        %min3A_215 = arith.minsi %add3A_213, %min3A_214 : i32
        scf.yield %min3A_215 : i32
      }
      %scan3A_138 = arith.constant 40 : i32
      %while3A = arith.constant 0 : i32
      %while3A_139 = arith.constant 0 : i32
      %while3A_140 = arith.subi %scan3A_137, %while3A : i32
      %while3A_141 = arith.addi %while3A, %while3A_140 : i32
      %while3A_142 = arith.constant 1 : i32
      %while3A_143 = arith.divsi %while3A_140, %while3A_142 : i32
      %while3A_144 = arith.muli %while3A_143, %while3A_142 : i32
      %while3A_145 = arith.addi %while3A, %while3A_144 : i32
      %while3A_146 = arith.constant 1 : i32
      %while3A_147 = scf.for %while3A_194 = %while3A to %while3A_145 step %while3A_146 iter_args(%while3A_195 = %while3A_139) -> (i32)  : i32 {
        %get3A_196 = arith.index_cast %while3A_194 : i32 to index
        %get3A_197 = tpu.vector_load %arg29[%get3A_196] {strides = array<i32>} : memref<256xi32, #tpu.memory_space<vmem>>, vector<16xi32>,
        %slice3A_198 = vector.extract_strided_slice %get3A_197 {offsets = [0], sizes = [1], strides = [1]} : vector<16xi32> to vector<1xi32>
        %squeeze3A_199 = vector.extract %slice3A_198[0] : i32 from vector<1xi32>
        %mul3A_200 = arith.constant 16 : i32
        %mul3A_201 = arith.muli %squeeze3A_199, %mul3A_200 : i32
        %get3A_202 = arith.index_cast %mul3A_201 : i32 to index
        %get3A_203 = tpu.vector_load %arg18[%get3A_202] {strides = array<i32>} : memref<10256xf32, #tpu.memory_space<vmem>>, vector<16xf32>,
        %get3A_204 = arith.index_cast %mul3A_201 : i32 to index
        %get3A_205 = tpu.vector_load %arg19[%get3A_204] {strides = array<i32>} : memref<10256xf32, #tpu.memory_space<vmem>>, vector<16xf32>,
        %get3A_206 = arith.index_cast %mul3A_201 : i32 to index
        %get3A_207 = tpu.vector_load %arg20[%get3A_206] {strides = array<i32>} : memref<10256xf32, #tpu.memory_space<vmem>>, vector<16xf32>,
        %sub3A = vector.broadcast %squeeze3A : f32 to vector<16xf32>
        %sub3A_208 = arith.subf %get3A_203, %sub3A : vector<16xf32>
        %sub3A_209 = vector.broadcast %squeeze3A_107 : f32 to vector<16xf32>
        %sub3A_210 = arith.subf %get3A_205, %sub3A_209 : vector<16xf32>
        %sub3A_211 = vector.broadcast %squeeze3A_111 : f32 to vector<16xf32>
        %sub3A_212 = arith.subf %get3A_207, %sub3A_211 : vector<16xf32>
        %mul3A_213 = arith.mulf %sub3A_208, %sub3A_208 : vector<16xf32>
        %mul3A_214 = arith.mulf %sub3A_210, %sub3A_210 : vector<16xf32>
        %add3A_215 = arith.addf %mul3A_213, %mul3A_214 : vector<16xf32>
        %mul3A_216 = arith.mulf %sub3A_212, %sub3A_212 : vector<16xf32>
        %add3A_217 = arith.addf %add3A_215, %mul3A_216 : vector<16xf32>
        %le3A_218 = vector.broadcast %scan3A : f32 to vector<16xf32>
        %le3A_219 = arith.cmpf ole, %add3A_217, %le3A_218 : vector<16xf32>
        %add3A_220 = vector.broadcast %mul3A_201 : i32 to vector<16xi32>
        %add3A_221 = arith.addi %iota3A, %add3A_220 : vector<16xi32>
        %swap3A_222 = arith.index_cast %while3A_195 : i32 to index
        %swap3A_223 = tpu.vector_load %arg30[%swap3A_222] masked %le3A_219 {strides = array<i32>} : memref<256xi32, #tpu.memory_space<vmem>>, vector<16xi32>, vector<16xi1>
        tpu.vector_store %arg30[%swap3A_222], %add3A_221 masked %le3A_219 {strides = array<i32>} : memref<256xi32, #tpu.memory_space<vmem>>, vector<16xi32>, vector<16xi1>
        %swap3A_224 = arith.index_cast %while3A_195 : i32 to index
        %swap3A_225 = tpu.vector_load %arg31[%swap3A_224] masked %le3A_219 {strides = array<i32>} : memref<256xf32, #tpu.memory_space<vmem>>, vector<16xf32>, vector<16xi1>
        tpu.vector_store %arg31[%swap3A_224], %add3A_217 masked %le3A_219 {strides = array<i32>} : memref<256xf32, #tpu.memory_space<vmem>>, vector<16xf32>, vector<16xi1>
        %convert_element_type3A_226 = arith.extui %le3A_219 : vector<16xi1> to vector<16xi32>
        %reduce_sum3A = arith.constant true
        %reduce_sum3A_227 = vector.broadcast %reduce_sum3A : i1 to vector<16xi1>
        %reduce_sum3A_228 = tpu.scan <sum>, %convert_element_type3A_226 masked %reduce_sum3A_227 : vector<16xi32>, vector<16xi1> -> vector<16xi32>
        %reduce_sum3A_229 = vector.extract %reduce_sum3A_228[15] : i32 from vector<16xi32>
        %add3A_230 = arith.addi %while3A_195, %reduce_sum3A_229 : i32
        %min3A_231 = arith.constant 224 : i32
        %min3A_232 = arith.minsi %add3A_230, %min3A_231 : i32
        scf.yield %min3A_232 : i32
      }
      %while3A_148 = arith.constant 1 : i32
      %while3A_149 = scf.for %while3A_194 = %while3A_145 to %while3A_141 step %while3A_148 iter_args(%while3A_195 = %while3A_147) -> (i32)  : i32 {
        %get3A_196 = arith.index_cast %while3A_194 : i32 to index
        %get3A_197 = tpu.vector_load %arg29[%get3A_196] {strides = array<i32>} : memref<256xi32, #tpu.memory_space<vmem>>, vector<16xi32>,
        %slice3A_198 = vector.extract_strided_slice %get3A_197 {offsets = [0], sizes = [1], strides = [1]} : vector<16xi32> to vector<1xi32>
        %squeeze3A_199 = vector.extract %slice3A_198[0] : i32 from vector<1xi32>
        %mul3A_200 = arith.constant 16 : i32
        %mul3A_201 = arith.muli %squeeze3A_199, %mul3A_200 : i32
        %get3A_202 = arith.index_cast %mul3A_201 : i32 to index
        %get3A_203 = tpu.vector_load %arg18[%get3A_202] {strides = array<i32>} : memref<10256xf32, #tpu.memory_space<vmem>>, vector<16xf32>,
        %get3A_204 = arith.index_cast %mul3A_201 : i32 to index
        %get3A_205 = tpu.vector_load %arg19[%get3A_204] {strides = array<i32>} : memref<10256xf32, #tpu.memory_space<vmem>>, vector<16xf32>,
        %get3A_206 = arith.index_cast %mul3A_201 : i32 to index
        %get3A_207 = tpu.vector_load %arg20[%get3A_206] {strides = array<i32>} : memref<10256xf32, #tpu.memory_space<vmem>>, vector<16xf32>,
        %sub3A = vector.broadcast %squeeze3A : f32 to vector<16xf32>
        %sub3A_208 = arith.subf %get3A_203, %sub3A : vector<16xf32>
        %sub3A_209 = vector.broadcast %squeeze3A_107 : f32 to vector<16xf32>
        %sub3A_210 = arith.subf %get3A_205, %sub3A_209 : vector<16xf32>
        %sub3A_211 = vector.broadcast %squeeze3A_111 : f32 to vector<16xf32>
        %sub3A_212 = arith.subf %get3A_207, %sub3A_211 : vector<16xf32>
        %mul3A_213 = arith.mulf %sub3A_208, %sub3A_208 : vector<16xf32>
        %mul3A_214 = arith.mulf %sub3A_210, %sub3A_210 : vector<16xf32>
        %add3A_215 = arith.addf %mul3A_213, %mul3A_214 : vector<16xf32>
        %mul3A_216 = arith.mulf %sub3A_212, %sub3A_212 : vector<16xf32>
        %add3A_217 = arith.addf %add3A_215, %mul3A_216 : vector<16xf32>
        %le3A_218 = vector.broadcast %scan3A : f32 to vector<16xf32>
        %le3A_219 = arith.cmpf ole, %add3A_217, %le3A_218 : vector<16xf32>
        %add3A_220 = vector.broadcast %mul3A_201 : i32 to vector<16xi32>
        %add3A_221 = arith.addi %iota3A, %add3A_220 : vector<16xi32>
        %swap3A_222 = arith.index_cast %while3A_195 : i32 to index
        %swap3A_223 = tpu.vector_load %arg30[%swap3A_222] masked %le3A_219 {strides = array<i32>} : memref<256xi32, #tpu.memory_space<vmem>>, vector<16xi32>, vector<16xi1>
        tpu.vector_store %arg30[%swap3A_222], %add3A_221 masked %le3A_219 {strides = array<i32>} : memref<256xi32, #tpu.memory_space<vmem>>, vector<16xi32>, vector<16xi1>
        %swap3A_224 = arith.index_cast %while3A_195 : i32 to index
        %swap3A_225 = tpu.vector_load %arg31[%swap3A_224] masked %le3A_219 {strides = array<i32>} : memref<256xf32, #tpu.memory_space<vmem>>, vector<16xf32>, vector<16xi1>
        tpu.vector_store %arg31[%swap3A_224], %add3A_217 masked %le3A_219 {strides = array<i32>} : memref<256xf32, #tpu.memory_space<vmem>>, vector<16xf32>, vector<16xi1>
        %convert_element_type3A_226 = arith.extui %le3A_219 : vector<16xi1> to vector<16xi32>
        %reduce_sum3A = arith.constant true
        %reduce_sum3A_227 = vector.broadcast %reduce_sum3A : i1 to vector<16xi1>
        %reduce_sum3A_228 = tpu.scan <sum>, %convert_element_type3A_226 masked %reduce_sum3A_227 : vector<16xi32>, vector<16xi1> -> vector<16xi32>
        %reduce_sum3A_229 = vector.extract %reduce_sum3A_228[15] : i32 from vector<16xi32>
        %add3A_230 = arith.addi %while3A_195, %reduce_sum3A_229 : i32
        %min3A_231 = arith.constant 224 : i32
        %min3A_232 = arith.minsi %add3A_230, %min3A_231 : i32
        scf.yield %min3A_232 : i32
      }
      %gt3A = arith.constant 64 : i32
      %gt3A_150 = arith.cmpi sgt, %while3A_149, %gt3A : i32
      %convert_element_type3A = arith.extui %gt3A_150 : i1 to i32
      %cond3A = arith.constant 0 : i32
      %cond3A_151 = arith.cmpi ne, %convert_element_type3A, %cond3A : i32
      scf.if %cond3A_151 {
        %scan3A_194 = arith.constant 0 : i32
        %scan3A_195 = arith.constant 0 : i32
        %scan3A_196 = arith.constant 64 : i32
        %scan3A_197 = arith.addi %scan3A_195, %scan3A_196 : i32
        %scan3A_198 = arith.constant 1 : i32
        %scan3A_199 = scf.for %scan3A_201 = %scan3A_195 to %scan3A_197 step %scan3A_198 iter_args(%scan3A_202 = %scan3A_194) -> (i32)  : i32 {
          %scan3A_203 = arith.constant 0x7F800000 : f32
          %scan3A_204 = arith.constant 0 : i32
          %scan3A_205 = arith.constant 14 : i32
          %scan3A_206 = arith.addi %scan3A_204, %scan3A_205 : i32
          %scan3A_207 = arith.constant 1 : i32
          %scan3A_208 = scf.for %scan3A_231 = %scan3A_204 to %scan3A_206 step %scan3A_207 iter_args(%scan3A_232 = %scan3A_203) -> (f32)  : i32 {
            %mul3A_233 = arith.constant 16 : i32
            %mul3A_234 = arith.muli %scan3A_231, %mul3A_233 : i32
            %get3A_235 = arith.index_cast %mul3A_234 : i32 to index
            %get3A_236 = tpu.vector_load %arg31[%get3A_235] {strides = array<i32>} : memref<256xf32, #tpu.memory_space<vmem>>, vector<16xf32>,
            %mul3A_237 = arith.constant 16 : i32
            %mul3A_238 = arith.muli %scan3A_231, %mul3A_237 : i32
            %add3A_239 = vector.broadcast %mul3A_238 : i32 to vector<16xi32>
            %add3A_240 = arith.addi %iota3A, %add3A_239 : vector<16xi32>
            %lt3A = vector.broadcast %while3A_149 : i32 to vector<16xi32>
            %lt3A_241 = arith.cmpi slt, %add3A_240, %lt3A : vector<16xi32>
            %jit3A = arith.constant 0x7F800000 : f32
            %broadcast_in_dim3A_242 = vector.broadcast %jit3A : f32 to vector<16xf32>
            %select_n3A = arith.select %lt3A_241, %get3A_236, %broadcast_in_dim3A_242 : vector<16xi1>, vector<16xf32>
            %reduce_min3A = arith.constant true
            %reduce_min3A_243 = vector.broadcast %reduce_min3A : i1 to vector<16xi1>
            %reduce_min3A_244 = tpu.scan <min>, %select_n3A masked %reduce_min3A_243 : vector<16xf32>, vector<16xi1> -> vector<16xf32>
            %reduce_min3A_245 = vector.extract %reduce_min3A_244[15] : f32 from vector<16xf32>
            %min3A_246 = arith.minimumf %scan3A_232, %reduce_min3A_245 : f32
            scf.yield %min3A_246 : f32
          }
          %scan3A_209 = arith.constant 14 : i32
          %scan3A_210 = arith.constant 1000000 : i32
          %scan3A_211 = arith.constant 0 : i32
          %scan3A_212 = arith.constant 14 : i32
          %scan3A_213 = arith.addi %scan3A_211, %scan3A_212 : i32
          %scan3A_214 = arith.constant 1 : i32
          %scan3A_215 = scf.for %scan3A_231 = %scan3A_211 to %scan3A_213 step %scan3A_214 iter_args(%scan3A_232 = %scan3A_210) -> (i32)  : i32 {
            %mul3A_233 = arith.constant 16 : i32
            %mul3A_234 = arith.muli %scan3A_231, %mul3A_233 : i32
            %get3A_235 = arith.index_cast %mul3A_234 : i32 to index
            %get3A_236 = tpu.vector_load %arg31[%get3A_235] {strides = array<i32>} : memref<256xf32, #tpu.memory_space<vmem>>, vector<16xf32>,
            %mul3A_237 = arith.constant 16 : i32
            %mul3A_238 = arith.muli %scan3A_231, %mul3A_237 : i32
            %add3A_239 = vector.broadcast %mul3A_238 : i32 to vector<16xi32>
            %add3A_240 = arith.addi %iota3A, %add3A_239 : vector<16xi32>
            %lt3A = vector.broadcast %while3A_149 : i32 to vector<16xi32>
            %lt3A_241 = arith.cmpi slt, %add3A_240, %lt3A : vector<16xi32>
            %eq3A_242 = vector.broadcast %scan3A_208 : f32 to vector<16xf32>
            %eq3A_243 = arith.cmpf oeq, %get3A_236, %eq3A_242 : vector<16xf32>
            %and3A = arith.andi %eq3A_243, %lt3A_241 : vector<16xi1>
            %mul3A_244 = arith.constant 16 : i32
            %mul3A_245 = arith.muli %scan3A_231, %mul3A_244 : i32
            %add3A_246 = vector.broadcast %mul3A_245 : i32 to vector<16xi32>
            %add3A_247 = arith.addi %iota3A, %add3A_246 : vector<16xi32>
            %jit3A = arith.constant 1000000 : i32
            %broadcast_in_dim3A_248 = vector.broadcast %jit3A : i32 to vector<16xi32>
            %select_n3A = arith.select %and3A, %add3A_247, %broadcast_in_dim3A_248 : vector<16xi1>, vector<16xi32>
            %reduce_min3A = arith.constant true
            %reduce_min3A_249 = vector.broadcast %reduce_min3A : i1 to vector<16xi1>
            %reduce_min3A_250 = arith.constant -2147483648 : i32
            %reduce_min3A_251 = vector.broadcast %reduce_min3A_250 : i32 to vector<16xi32>
            %reduce_min3A_252 = arith.xori %select_n3A, %reduce_min3A_251 : vector<16xi32>
            %reduce_min3A_253 = tpu.scan <min>, %reduce_min3A_252 masked %reduce_min3A_249 : vector<16xi32>, vector<16xi1> -> vector<16xi32>
            %reduce_min3A_254 = arith.xori %reduce_min3A_253, %reduce_min3A_251 : vector<16xi32>
            %reduce_min3A_255 = vector.extract %reduce_min3A_254[15] : i32 from vector<16xi32>
            %min3A_256 = arith.minsi %scan3A_232, %reduce_min3A_255 : i32
            scf.yield %min3A_256 : i32
          }
          %scan3A_216 = arith.constant 14 : i32
          %get3A_217 = arith.index_cast %scan3A_215 : i32 to index
          %get3A_218 = tpu.vector_load %arg30[%get3A_217] {strides = array<i32>} : memref<256xi32, #tpu.memory_space<vmem>>, vector<16xi32>,
          %slice3A_219 = vector.extract_strided_slice %get3A_218 {offsets = [0], sizes = [1], strides = [1]} : vector<16xi32> to vector<1xi32>
          %squeeze3A_220 = vector.extract %slice3A_219[0] : i32 from vector<1xi32>
          %add3A_221 = vector.broadcast %scan3A_201 : i32 to vector<16xi32>
          %add3A_222 = arith.addi %broadcast_in_dim3A_5, %add3A_221 : vector<16xi32>
          %add3A_223 = vector.broadcast %squeeze3A_220 : i32 to vector<16xi32>
          %add3A_224 = arith.addi %broadcast_in_dim3A_5, %add3A_223 : vector<16xi32>
          tpu.vector_store_idx %arg32[%add3A_222], %add3A_224 masked %eq3A_7 : memref<80xi32, #tpu.memory_space<vmem>>[vector<16xi32>], vector<16xi32>, vector<16xi1>
          %add3A_225 = vector.broadcast %scan3A_215 : i32 to vector<16xi32>
          %add3A_226 = arith.addi %broadcast_in_dim3A_5, %add3A_225 : vector<16xi32>
          %add3A_227 = arith.constant 0x7F800000 : f32
          %add3A_228 = vector.broadcast %add3A_227 : f32 to vector<16xf32>
          %add3A_229 = arith.addf %broadcast_in_dim3A_3, %add3A_228 : vector<16xf32>
          tpu.vector_store_idx %arg31[%add3A_226], %add3A_229 masked %eq3A_7 : memref<256xf32, #tpu.memory_space<vmem>>[vector<16xi32>], vector<16xf32>, vector<16xi1>
          %scan3A_230 = arith.constant 0 : i32
          scf.yield %scan3A_230 : i32
        }
        %scan3A_200 = arith.constant 64 : i32
      } else {
      }
      %le3A = arith.constant 64 : i32
      %le3A_152 = arith.cmpi sle, %while3A_149, %le3A : i32
      %convert_element_type3A_153 = arith.extui %le3A_152 : i1 to i32
      %cond3A_154 = arith.constant 0 : i32
      %cond3A_155 = arith.cmpi ne, %convert_element_type3A_153, %cond3A_154 : i32
      scf.if %cond3A_155 {
        %get3A_194 = arith.constant 0 : index
        %get3A_195 = tpu.vector_load %arg30[%get3A_194] {strides = array<i32>} : memref<256xi32, #tpu.memory_space<vmem>>, vector<16xi32>,
        %swap3A_196 = arith.constant 0 : index
        %swap3A_197 = tpu.vector_load %arg32[%swap3A_196] {strides = array<i32>} : memref<80xi32, #tpu.memory_space<vmem>>, vector<16xi32>,
        tpu.vector_store %arg32[%swap3A_196], %get3A_195 {strides = array<i32>} : memref<80xi32, #tpu.memory_space<vmem>>, vector<16xi32>,
        %get3A_198 = arith.constant 16 : index
        %get3A_199 = tpu.vector_load %arg30[%get3A_198] {strides = array<i32>} : memref<256xi32, #tpu.memory_space<vmem>>, vector<16xi32>,
        %swap3A_200 = arith.constant 16 : index
        %swap3A_201 = tpu.vector_load %arg32[%swap3A_200] {strides = array<i32>} : memref<80xi32, #tpu.memory_space<vmem>>, vector<16xi32>,
        tpu.vector_store %arg32[%swap3A_200], %get3A_199 {strides = array<i32>} : memref<80xi32, #tpu.memory_space<vmem>>, vector<16xi32>,
        %get3A_202 = arith.constant 32 : index
        %get3A_203 = tpu.vector_load %arg30[%get3A_202] {strides = array<i32>} : memref<256xi32, #tpu.memory_space<vmem>>, vector<16xi32>,
        %swap3A_204 = arith.constant 32 : index
        %swap3A_205 = tpu.vector_load %arg32[%swap3A_204] {strides = array<i32>} : memref<80xi32, #tpu.memory_space<vmem>>, vector<16xi32>,
        tpu.vector_store %arg32[%swap3A_204], %get3A_203 {strides = array<i32>} : memref<80xi32, #tpu.memory_space<vmem>>, vector<16xi32>,
        %get3A_206 = arith.constant 48 : index
        %get3A_207 = tpu.vector_load %arg30[%get3A_206] {strides = array<i32>} : memref<256xi32, #tpu.memory_space<vmem>>, vector<16xi32>,
        %swap3A_208 = arith.constant 48 : index
        %swap3A_209 = tpu.vector_load %arg32[%swap3A_208] {strides = array<i32>} : memref<80xi32, #tpu.memory_space<vmem>>, vector<16xi32>,
        tpu.vector_store %arg32[%swap3A_208], %get3A_207 {strides = array<i32>} : memref<80xi32, #tpu.memory_space<vmem>>, vector<16xi32>,
      } else {
      }
      %min3A = arith.constant 64 : i32
      %min3A_156 = arith.minsi %while3A_149, %min3A : i32
      %add3A_157 = vector.broadcast %scan3A_100 : i32 to vector<16xi32>
      %add3A_158 = arith.addi %broadcast_in_dim3A_5, %add3A_157 : vector<16xi32>
      %add3A_159 = vector.broadcast %min3A_156 : i32 to vector<16xi32>
      %add3A_160 = arith.addi %broadcast_in_dim3A_5, %add3A_159 : vector<16xi32>
      tpu.vector_store_idx %arg34[%add3A_158], %add3A_160 masked %eq3A_7 : memref<96xi32, #tpu.memory_space<vmem>>[vector<16xi32>], vector<16xi32>, vector<16xi1>
      %get3A_161 = arith.constant 0 : index
      %get3A_162 = tpu.vector_load %arg32[%get3A_161] {strides = array<i32>} : memref<80xi32, #tpu.memory_space<vmem>>, vector<16xi32>,
      %mul3A_163 = arith.constant 64 : i32
      %mul3A_164 = arith.muli %scan3A_100, %mul3A_163 : i32
      %add3A_165 = arith.constant 0 : i32
      %add3A_166 = arith.addi %mul3A_164, %add3A_165 : i32
      %swap3A_167 = arith.index_cast %add3A_166 : i32 to index
      %swap3A_168 = tpu.vector_load %arg33[%swap3A_167] {strides = array<i32>} : memref<5136xi32, #tpu.memory_space<vmem>>, vector<16xi32>,
      tpu.vector_store %arg33[%swap3A_167], %get3A_162 {strides = array<i32>} : memref<5136xi32, #tpu.memory_space<vmem>>, vector<16xi32>,
      %get3A_169 = arith.constant 16 : index
      %get3A_170 = tpu.vector_load %arg32[%get3A_169] {strides = array<i32>} : memref<80xi32, #tpu.memory_space<vmem>>, vector<16xi32>,
      %mul3A_171 = arith.constant 64 : i32
      %mul3A_172 = arith.muli %scan3A_100, %mul3A_171 : i32
      %add3A_173 = arith.constant 16 : i32
      %add3A_174 = arith.addi %mul3A_172, %add3A_173 : i32
      %swap3A_175 = arith.index_cast %add3A_174 : i32 to index
      %swap3A_176 = tpu.vector_load %arg33[%swap3A_175] {strides = array<i32>} : memref<5136xi32, #tpu.memory_space<vmem>>, vector<16xi32>,
      tpu.vector_store %arg33[%swap3A_175], %get3A_170 {strides = array<i32>} : memref<5136xi32, #tpu.memory_space<vmem>>, vector<16xi32>,
      %get3A_177 = arith.constant 32 : index
      %get3A_178 = tpu.vector_load %arg32[%get3A_177] {strides = array<i32>} : memref<80xi32, #tpu.memory_space<vmem>>, vector<16xi32>,
      %mul3A_179 = arith.constant 64 : i32
      %mul3A_180 = arith.muli %scan3A_100, %mul3A_179 : i32
      %add3A_181 = arith.constant 32 : i32
      %add3A_182 = arith.addi %mul3A_180, %add3A_181 : i32
      %swap3A_183 = arith.index_cast %add3A_182 : i32 to index
      %swap3A_184 = tpu.vector_load %arg33[%swap3A_183] {strides = array<i32>} : memref<5136xi32, #tpu.memory_space<vmem>>, vector<16xi32>,
      tpu.vector_store %arg33[%swap3A_183], %get3A_178 {strides = array<i32>} : memref<5136xi32, #tpu.memory_space<vmem>>, vector<16xi32>,
      %get3A_185 = arith.constant 48 : index
      %get3A_186 = tpu.vector_load %arg32[%get3A_185] {strides = array<i32>} : memref<80xi32, #tpu.memory_space<vmem>>, vector<16xi32>,
      %mul3A_187 = arith.constant 64 : i32
      %mul3A_188 = arith.muli %scan3A_100, %mul3A_187 : i32
      %add3A_189 = arith.constant 48 : i32
      %add3A_190 = arith.addi %mul3A_188, %add3A_189 : i32
      %swap3A_191 = arith.index_cast %add3A_190 : i32 to index
      %swap3A_192 = tpu.vector_load %arg33[%swap3A_191] {strides = array<i32>} : memref<5136xi32, #tpu.memory_space<vmem>>, vector<16xi32>,
      tpu.vector_store %arg33[%swap3A_191], %get3A_186 {strides = array<i32>} : memref<5136xi32, #tpu.memory_space<vmem>>, vector<16xi32>,
      %scan3A_193 = arith.constant 0 : i32
      scf.yield %scan3A_193 : i32
    }
    %scan3A_91 = arith.constant 80 : i32
    %scan3A_92 = arith.constant 2.250000e+02 : f32
    %scan3A_93 = arith.constant 0 : i32
    %scan3A_94 = arith.constant 0 : i32
    %scan3A_95 = arith.constant 10 : i32
    %scan3A_96 = arith.addi %scan3A_94, %scan3A_95 : i32
    %scan3A_97 = arith.constant 1 : i32
    %scan3A_98 = scf.for %scan3A_100 = %scan3A_94 to %scan3A_96 step %scan3A_97 iter_args(%scan3A_101 = %scan3A_93) -> (i32)  : i32 {
      %mul3A_102 = arith.constant 8 : i32
      %mul3A_103 = arith.muli %scan3A_100, %mul3A_102 : i32
      %mul3A_104 = arith.constant 64 : i32
      %mul3A_105 = arith.muli %mul3A_103, %mul3A_104 : i32
      %dma_start3A_106 = tpu.memref_slice %arg33[%mul3A_105] : memref<5136xi32, #tpu.memory_space<vmem>> -> memref<512xi32, #tpu.memory_space<vmem>>
      %dma_start3A_107 = arith.constant 0 : i32
      %dma_start3A_108 = arith.constant 0 : i32
      %dma_start3A_109 = tpu.memref_slice %arg7[%dma_start3A_107, %dma_start3A_108] : memref<10000x64xbf16, #tpu.memory_space<hbm>> -> memref<10000x64xbf16, #tpu.memory_space<hbm>>
      tpu.enqueue_indirect_dma source(%dma_start3A_109 : memref<10000x64xbf16, #tpu.memory_space<hbm>>) target(%arg35 : memref<512x64xbf16, #tpu.memory_space<vmem>>) offsets(%dma_start3A_106 : memref<512xi32, #tpu.memory_space<vmem>>) semaphore(%arg41 : memref<!tpu.dma_semaphore, #tpu.memory_space<semaphore_mem>>)
      %dma_wait3A_110 = tpu.memref_slice %arg33[%mul3A_105] : memref<5136xi32, #tpu.memory_space<vmem>> -> memref<512xi32, #tpu.memory_space<vmem>>
      %dma_wait3A_111 = arith.constant 0 : i32
      %dma_wait3A_112 = arith.constant 0 : i32
      %dma_wait3A_113 = tpu.memref_slice %arg7[%dma_wait3A_111, %dma_wait3A_112] : memref<10000x64xbf16, #tpu.memory_space<hbm>> -> memref<10000x64xbf16, #tpu.memory_space<hbm>>
      tpu.wait_indirect_dma semaphore(%arg41 : memref<!tpu.dma_semaphore, #tpu.memory_space<semaphore_mem>>) src(%dma_wait3A_113 : memref<10000x64xbf16, #tpu.memory_space<hbm>>) dst(%arg35 : memref<512x64xbf16, #tpu.memory_space<vmem>>)
      %add3A_114 = arith.constant 8 : i32
      %add3A_115 = arith.addi %mul3A_103, %add3A_114 : i32
      %while3A = arith.constant 0 : i32
      %while3A_116 = arith.subi %add3A_115, %mul3A_103 : i32
      %while3A_117 = arith.addi %mul3A_103, %while3A_116 : i32
      %while3A_118 = arith.constant 1 : i32
      %while3A_119 = arith.divsi %while3A_116, %while3A_118 : i32
      %while3A_120 = arith.muli %while3A_119, %while3A_118 : i32
      %while3A_121 = arith.addi %mul3A_103, %while3A_120 : i32
      %while3A_122 = arith.constant 1 : i32
      %while3A_123 = scf.for %while3A_127 = %mul3A_103 to %while3A_121 step %while3A_122 iter_args(%while3A_128 = %while3A) -> (i32)  : i32 {
        %get3A_129 = arith.index_cast %while3A_127 : i32 to index
        %get3A_130 = tpu.vector_load %arg23[%get3A_129] {strides = array<i32>} : memref<96xf32, #tpu.memory_space<vmem>>, vector<16xf32>,
        %slice3A = vector.extract_strided_slice %get3A_130 {offsets = [0], sizes = [1], strides = [1]} : vector<16xf32> to vector<1xf32>
        %squeeze3A = vector.extract %slice3A[0] : f32 from vector<1xf32>
        %get3A_131 = arith.index_cast %while3A_127 : i32 to index
        %get3A_132 = tpu.vector_load %arg24[%get3A_131] {strides = array<i32>} : memref<96xf32, #tpu.memory_space<vmem>>, vector<16xf32>,
        %slice3A_133 = vector.extract_strided_slice %get3A_132 {offsets = [0], sizes = [1], strides = [1]} : vector<16xf32> to vector<1xf32>
        %squeeze3A_134 = vector.extract %slice3A_133[0] : f32 from vector<1xf32>
        %get3A_135 = arith.index_cast %while3A_127 : i32 to index
        %get3A_136 = tpu.vector_load %arg25[%get3A_135] {strides = array<i32>} : memref<96xf32, #tpu.memory_space<vmem>>, vector<16xf32>,
        %slice3A_137 = vector.extract_strided_slice %get3A_136 {offsets = [0], sizes = [1], strides = [1]} : vector<16xf32> to vector<1xf32>
        %squeeze3A_138 = vector.extract %slice3A_137[0] : f32 from vector<1xf32>
        %get3A_139 = arith.index_cast %while3A_127 : i32 to index
        %get3A_140 = tpu.vector_load %arg34[%get3A_139] {strides = array<i32>} : memref<96xi32, #tpu.memory_space<vmem>>, vector<16xi32>,
        %slice3A_141 = vector.extract_strided_slice %get3A_140 {offsets = [0], sizes = [1], strides = [1]} : vector<16xi32> to vector<1xi32>
        %squeeze3A_142 = vector.extract %slice3A_141[0] : i32 from vector<1xi32>
        %jit3A = arith.constant 8 : i32
        %eq3A_143 = arith.constant 0 : i32
        %eq3A_144 = arith.cmpi eq, %jit3A, %eq3A_143 : i32
        %jit3A_145 = arith.constant 1 : i32
        %select_n3A = arith.select %eq3A_144, %jit3A_145, %jit3A : i32
        %rem3A = arith.remsi %while3A_127, %select_n3A : i32
        %ne3A = arith.constant 0 : i32
        %ne3A_146 = arith.cmpi ne, %rem3A, %ne3A : i32
        %lt3A = arith.constant 0 : i32
        %lt3A_147 = arith.cmpi slt, %rem3A, %lt3A : i32
        %lt3A_148 = arith.constant 0 : i32
        %lt3A_149 = arith.cmpi slt, %select_n3A, %lt3A_148 : i32
        %ne3A_150 = arith.xori %lt3A_147, %lt3A_149 : i1
        %and3A = arith.andi %ne3A_150, %ne3A_146 : i1
        %add3A_151 = arith.addi %rem3A, %select_n3A : i32
        %select_n3A_152 = arith.select %and3A, %add3A_151, %rem3A : i32
        %mul3A_153 = arith.constant 64 : i32
        %mul3A_154 = arith.muli %select_n3A_152, %mul3A_153 : i32
        %scan3A_155 = arith.constant 0 : i32
        %scan3A_156 = arith.constant 0 : i32
        %scan3A_157 = arith.constant 64 : i32
        %scan3A_158 = arith.addi %scan3A_156, %scan3A_157 : i32
        %scan3A_159 = arith.constant 1 : i32
        %scan3A_160 = scf.for %scan3A_171 = %scan3A_156 to %scan3A_158 step %scan3A_159 iter_args(%scan3A_172 = %scan3A_155) -> (i32)  : i32 {
          %mul3A_173 = arith.constant 16 : i32
          %mul3A_174 = arith.muli %scan3A_171, %mul3A_173 : i32
          %swap3A_175 = arith.index_cast %mul3A_174 : i32 to index
          %swap3A_176 = tpu.vector_load %arg36[%swap3A_175] {strides = array<i32>} : memref<1024xf32, #tpu.memory_space<vmem>>, vector<16xf32>,
          tpu.vector_store %arg36[%swap3A_175], %broadcast_in_dim3A_3 {strides = array<i32>} : memref<1024xf32, #tpu.memory_space<vmem>>, vector<16xf32>,
          %scan3A_177 = arith.constant 0 : i32
          scf.yield %scan3A_177 : i32
        }
        %scan3A_161 = arith.constant 64 : i32
        %scan3A_162 = arith.constant 0 : i32
        %scan3A_163 = arith.constant 0 : i32
        %scan3A_164 = arith.constant 64 : i32
        %scan3A_165 = arith.addi %scan3A_163, %scan3A_164 : i32
        %scan3A_166 = arith.constant 1 : i32
        %scan3A_167 = scf.for %scan3A_171 = %scan3A_163 to %scan3A_165 step %scan3A_166 iter_args(%scan3A_172 = %scan3A_162) -> (i32)  : i32 {
          %mul3A_173 = arith.constant 64 : i32
          %mul3A_174 = arith.muli %while3A_127, %mul3A_173 : i32
          %add3A_175 = arith.addi %mul3A_174, %scan3A_171 : i32
          %get3A_176 = arith.index_cast %add3A_175 : i32 to index
          %get3A_177 = tpu.vector_load %arg33[%get3A_176] {strides = array<i32>} : memref<5136xi32, #tpu.memory_space<vmem>>, vector<16xi32>,
          %slice3A_178 = vector.extract_strided_slice %get3A_177 {offsets = [0], sizes = [1], strides = [1]} : vector<16xi32> to vector<1xi32>
          %squeeze3A_179 = vector.extract %slice3A_178[0] : i32 from vector<1xi32>
          %lt3A_180 = arith.cmpi slt, %scan3A_171, %squeeze3A_142 : i32
          %get3A_181 = arith.index_cast %squeeze3A_179 : i32 to index
          %get3A_182 = tpu.vector_load %arg18[%get3A_181] {strides = array<i32>} : memref<10256xf32, #tpu.memory_space<vmem>>, vector<16xf32>,
          %slice3A_183 = vector.extract_strided_slice %get3A_182 {offsets = [0], sizes = [1], strides = [1]} : vector<16xf32> to vector<1xf32>
          %squeeze3A_184 = vector.extract %slice3A_183[0] : f32 from vector<1xf32>
          %sub3A = arith.subf %squeeze3A_184, %squeeze3A : f32
          %get3A_185 = arith.index_cast %squeeze3A_179 : i32 to index
          %get3A_186 = tpu.vector_load %arg19[%get3A_185] {strides = array<i32>} : memref<10256xf32, #tpu.memory_space<vmem>>, vector<16xf32>,
          %slice3A_187 = vector.extract_strided_slice %get3A_186 {offsets = [0], sizes = [1], strides = [1]} : vector<16xf32> to vector<1xf32>
          %squeeze3A_188 = vector.extract %slice3A_187[0] : f32 from vector<1xf32>
          %sub3A_189 = arith.subf %squeeze3A_188, %squeeze3A_134 : f32
          %get3A_190 = arith.index_cast %squeeze3A_179 : i32 to index
          %get3A_191 = tpu.vector_load %arg20[%get3A_190] {strides = array<i32>} : memref<10256xf32, #tpu.memory_space<vmem>>, vector<16xf32>,
          %slice3A_192 = vector.extract_strided_slice %get3A_191 {offsets = [0], sizes = [1], strides = [1]} : vector<16xf32> to vector<1xf32>
          %squeeze3A_193 = vector.extract %slice3A_192[0] : f32 from vector<1xf32>
          %sub3A_194 = arith.subf %squeeze3A_193, %squeeze3A_138 : f32
          %sub3A_195 = vector.broadcast %sub3A : f32 to vector<16xf32>
          %sub3A_196 = arith.subf %sub3A_195, %get3A_80 : vector<16xf32>
          %sub3A_197 = vector.broadcast %sub3A_189 : f32 to vector<16xf32>
          %sub3A_198 = arith.subf %sub3A_197, %get3A_82 : vector<16xf32>
          %sub3A_199 = vector.broadcast %sub3A_194 : f32 to vector<16xf32>
          %sub3A_200 = arith.subf %sub3A_199, %get3A_84 : vector<16xf32>
          %mul3A_201 = arith.mulf %sub3A_196, %sub3A_196 : vector<16xf32>
          %mul3A_202 = arith.mulf %sub3A_198, %sub3A_198 : vector<16xf32>
          %add3A_203 = arith.addf %mul3A_201, %mul3A_202 : vector<16xf32>
          %mul3A_204 = arith.mulf %sub3A_200, %sub3A_200 : vector<16xf32>
          %add3A_205 = arith.addf %add3A_203, %mul3A_204 : vector<16xf32>
          %reduce_min3A = arith.constant true
          %reduce_min3A_206 = vector.broadcast %reduce_min3A : i1 to vector<16xi1>
          %reduce_min3A_207 = tpu.scan <min>, %add3A_205 masked %reduce_min3A_206 : vector<16xf32>, vector<16xi1> -> vector<16xf32>
          %reduce_min3A_208 = vector.extract %reduce_min3A_207[15] : f32 from vector<16xf32>
          %eq3A_209 = vector.broadcast %reduce_min3A_208 : f32 to vector<16xf32>
          %eq3A_210 = arith.cmpf oeq, %add3A_205, %eq3A_209 : vector<16xf32>
          %jit3A_211 = arith.constant 16 : i32
          %broadcast_in_dim3A_212 = vector.broadcast %jit3A_211 : i32 to vector<16xi32>
          %select_n3A_213 = arith.select %eq3A_210, %iota3A, %broadcast_in_dim3A_212 : vector<16xi1>, vector<16xi32>
          %reduce_min3A_214 = arith.constant true
          %reduce_min3A_215 = vector.broadcast %reduce_min3A_214 : i1 to vector<16xi1>
          %reduce_min3A_216 = arith.constant -2147483648 : i32
          %reduce_min3A_217 = vector.broadcast %reduce_min3A_216 : i32 to vector<16xi32>
          %reduce_min3A_218 = arith.xori %select_n3A_213, %reduce_min3A_217 : vector<16xi32>
          %reduce_min3A_219 = tpu.scan <min>, %reduce_min3A_218 masked %reduce_min3A_215 : vector<16xi32>, vector<16xi1> -> vector<16xi32>
          %reduce_min3A_220 = arith.xori %reduce_min3A_219, %reduce_min3A_217 : vector<16xi32>
          %reduce_min3A_221 = vector.extract %reduce_min3A_220[15] : i32 from vector<16xi32>
          %mul3A_222 = arith.mulf %reduce_min3A_208, %scan3A_92 : f32
          %sub3A_223 = arith.constant 1.000000e+00 : f32
          %sub3A_224 = arith.subf %sub3A_223, %mul3A_222 : f32
          %max3A = arith.constant 0.000000e+00 : f32
          %max3A_225 = arith.maximumf %sub3A_224, %max3A : f32
          %jit3A_226 = arith.constant 0.000000e+00 : f32
          %select_n3A_227 = arith.select %lt3A_180, %max3A_225, %jit3A_226 : f32
          %mul3A_228 = arith.constant 64 : i32
          %mul3A_229 = arith.muli %reduce_min3A_221, %mul3A_228 : i32
          %add3A_230 = arith.addi %mul3A_154, %scan3A_171 : i32
          %get3A_231 = arith.index_cast %add3A_230 : i32 to index
          %get3A_232 = arith.constant 0 : index
          %get3A_233 = tpu.vector_load %arg35[%get3A_231, %get3A_232] {strides = array<i32>} : memref<512x64xbf16, #tpu.memory_space<vmem>>, vector<32xbf16>,
          %unpack3A = tpu.unpack_subelements %get3A_233, 0 {pack_format = #tpu.pack_format<interleaved>} : vector<32xbf16> -> vector<16xf32>
          %unpack3A_234 = tpu.unpack_subelements %get3A_233, 1 {pack_format = #tpu.pack_format<interleaved>} : vector<32xbf16> -> vector<16xf32>
          %add3A_235 = arith.constant 0 : i32
          %add3A_236 = arith.addi %mul3A_229, %add3A_235 : i32
          %mul3A_237 = vector.broadcast %select_n3A_227 : f32 to vector<16xf32>
          %mul3A_238 = arith.mulf %mul3A_237, %unpack3A : vector<16xf32>
          %swap3A_239 = arith.index_cast %add3A_236 : i32 to index
          %swap3A_240 = tpu.vector_load %arg36[%swap3A_239] {strides = array<i32>} : memref<1024xf32, #tpu.memory_space<vmem>>, vector<16xf32>,
          tpu.vector_store %arg36[%swap3A_239], %mul3A_238 {add = true, strides = array<i32>} : memref<1024xf32, #tpu.memory_space<vmem>>, vector<16xf32>,
          %add3A_241 = arith.constant 0 : i32
          %add3A_242 = arith.addi %mul3A_229, %add3A_241 : i32
          %add3A_243 = arith.constant 16 : i32
          %add3A_244 = arith.addi %add3A_242, %add3A_243 : i32
          %mul3A_245 = vector.broadcast %select_n3A_227 : f32 to vector<16xf32>
          %mul3A_246 = arith.mulf %mul3A_245, %unpack3A_234 : vector<16xf32>
          %swap3A_247 = arith.index_cast %add3A_244 : i32 to index
          %swap3A_248 = tpu.vector_load %arg36[%swap3A_247] {strides = array<i32>} : memref<1024xf32, #tpu.memory_space<vmem>>, vector<16xf32>,
          tpu.vector_store %arg36[%swap3A_247], %mul3A_246 {add = true, strides = array<i32>} : memref<1024xf32, #tpu.memory_space<vmem>>, vector<16xf32>,
          %add3A_249 = arith.addi %mul3A_154, %scan3A_171 : i32
          %get3A_250 = arith.index_cast %add3A_249 : i32 to index
          %get3A_251 = arith.constant 32 : index
          %get3A_252 = tpu.vector_load %arg35[%get3A_250, %get3A_251] {strides = array<i32>} : memref<512x64xbf16, #tpu.memory_space<vmem>>, vector<32xbf16>,
          %unpack3A_253 = tpu.unpack_subelements %get3A_252, 0 {pack_format = #tpu.pack_format<interleaved>} : vector<32xbf16> -> vector<16xf32>
          %unpack3A_254 = tpu.unpack_subelements %get3A_252, 1 {pack_format = #tpu.pack_format<interleaved>} : vector<32xbf16> -> vector<16xf32>
          %add3A_255 = arith.constant 32 : i32
          %add3A_256 = arith.addi %mul3A_229, %add3A_255 : i32
          %mul3A_257 = vector.broadcast %select_n3A_227 : f32 to vector<16xf32>
          %mul3A_258 = arith.mulf %mul3A_257, %unpack3A_253 : vector<16xf32>
          %swap3A_259 = arith.index_cast %add3A_256 : i32 to index
          %swap3A_260 = tpu.vector_load %arg36[%swap3A_259] {strides = array<i32>} : memref<1024xf32, #tpu.memory_space<vmem>>, vector<16xf32>,
          tpu.vector_store %arg36[%swap3A_259], %mul3A_258 {add = true, strides = array<i32>} : memref<1024xf32, #tpu.memory_space<vmem>>, vector<16xf32>,
          %add3A_261 = arith.constant 32 : i32
          %add3A_262 = arith.addi %mul3A_229, %add3A_261 : i32
          %add3A_263 = arith.constant 16 : i32
          %add3A_264 = arith.addi %add3A_262, %add3A_263 : i32
          %mul3A_265 = vector.broadcast %select_n3A_227 : f32 to vector<16xf32>
          %mul3A_266 = arith.mulf %mul3A_265, %unpack3A_254 : vector<16xf32>
          %swap3A_267 = arith.index_cast %add3A_264 : i32 to index
          %swap3A_268 = tpu.vector_load %arg36[%swap3A_267] {strides = array<i32>} : memref<1024xf32, #tpu.memory_space<vmem>>, vector<16xf32>,
          tpu.vector_store %arg36[%swap3A_267], %mul3A_266 {add = true, strides = array<i32>} : memref<1024xf32, #tpu.memory_space<vmem>>, vector<16xf32>,
          %scan3A_269 = arith.constant 0 : i32
          scf.yield %scan3A_269 : i32
        }
        %scan3A_168 = arith.constant 64 : i32
        %add3A_169 = arith.addi %mul3A_2, %while3A_127 : i32
        "tpu.region"() ({
          %run_scoped3A = tpu.sem_alloc : memref<!tpu.dma_semaphore, #tpu.memory_space<semaphore_mem>>
          %dma_start3A_171 = arith.constant 0 : i32
          %dma_start3A_172 = tpu.memref_slice %arg12[%add3A_169, %dma_start3A_171] : memref<2560x1024xf32, #tpu.memory_space<hbm>> -> memref<1x1024xf32, #tpu.memory_space<hbm>>
          %dma_start3A_173 = tpu.memref_squeeze %dma_start3A_172 : memref<1x1024xf32, #tpu.memory_space<hbm>> -> memref<1024xf32, #tpu.memory_space<hbm>>
          %dma_start3A_174 = arith.constant 0 : i32
          %dma_start3A_175 = tpu.memref_slice %arg12[%add3A_169, %dma_start3A_174] : memref<2560x1024xf32, #tpu.memory_space<hbm>> -> memref<1x1024xf32, #tpu.memory_space<hbm>>
          %dma_start3A_176 = tpu.memref_squeeze %dma_start3A_175 : memref<1x1024xf32, #tpu.memory_space<hbm>> -> memref<1024xf32, #tpu.memory_space<hbm>>
          tpu.enqueue_dma source(%arg36 : memref<1024xf32, #tpu.memory_space<vmem>>) target(%dma_start3A_176 : memref<1024xf32, #tpu.memory_space<hbm>>) target_semaphore(%run_scoped3A : memref<!tpu.dma_semaphore, #tpu.memory_space<semaphore_mem>>)
          %dma_wait3A_177 = arith.constant 0 : i32
          %dma_wait3A_178 = tpu.memref_slice %arg12[%add3A_169, %dma_wait3A_177] : memref<2560x1024xf32, #tpu.memory_space<hbm>> -> memref<1x1024xf32, #tpu.memory_space<hbm>>
          %dma_wait3A_179 = tpu.memref_squeeze %dma_wait3A_178 : memref<1x1024xf32, #tpu.memory_space<hbm>> -> memref<1024xf32, #tpu.memory_space<hbm>>
          %dma_wait3A_180 = arith.constant 0 : i32
          %dma_wait3A_181 = tpu.memref_slice %arg12[%add3A_169, %dma_wait3A_180] : memref<2560x1024xf32, #tpu.memory_space<hbm>> -> memref<1x1024xf32, #tpu.memory_space<hbm>>
          %dma_wait3A_182 = tpu.memref_squeeze %dma_wait3A_181 : memref<1x1024xf32, #tpu.memory_space<hbm>> -> memref<1024xf32, #tpu.memory_space<hbm>>
          tpu.wait_dma2 semaphore(%run_scoped3A : memref<!tpu.dma_semaphore, #tpu.memory_space<semaphore_mem>>) src(%arg36 : memref<1024xf32, #tpu.memory_space<vmem>>) dst(%dma_wait3A_182 : memref<1024xf32, #tpu.memory_space<hbm>>)
          tpu.yield
        }) : () -> ()
        %while3A_170 = arith.constant 0 : i32
        scf.yield %while3A_170 : i32
      }
      %while3A_124 = arith.constant 1 : i32
      %while3A_125 = scf.for %while3A_127 = %while3A_121 to %while3A_117 step %while3A_124 iter_args(%while3A_128 = %while3A_123) -> (i32)  : i32 {
        %get3A_129 = arith.index_cast %while3A_127 : i32 to index
        %get3A_130 = tpu.vector_load %arg23[%get3A_129] {strides = array<i32>} : memref<96xf32, #tpu.memory_space<vmem>>, vector<16xf32>,
        %slice3A = vector.extract_strided_slice %get3A_130 {offsets = [0], sizes = [1], strides = [1]} : vector<16xf32> to vector<1xf32>
        %squeeze3A = vector.extract %slice3A[0] : f32 from vector<1xf32>
        %get3A_131 = arith.index_cast %while3A_127 : i32 to index
        %get3A_132 = tpu.vector_load %arg24[%get3A_131] {strides = array<i32>} : memref<96xf32, #tpu.memory_space<vmem>>, vector<16xf32>,
        %slice3A_133 = vector.extract_strided_slice %get3A_132 {offsets = [0], sizes = [1], strides = [1]} : vector<16xf32> to vector<1xf32>
        %squeeze3A_134 = vector.extract %slice3A_133[0] : f32 from vector<1xf32>
        %get3A_135 = arith.index_cast %while3A_127 : i32 to index
        %get3A_136 = tpu.vector_load %arg25[%get3A_135] {strides = array<i32>} : memref<96xf32, #tpu.memory_space<vmem>>, vector<16xf32>,
        %slice3A_137 = vector.extract_strided_slice %get3A_136 {offsets = [0], sizes = [1], strides = [1]} : vector<16xf32> to vector<1xf32>
        %squeeze3A_138 = vector.extract %slice3A_137[0] : f32 from vector<1xf32>
        %get3A_139 = arith.index_cast %while3A_127 : i32 to index
        %get3A_140 = tpu.vector_load %arg34[%get3A_139] {strides = array<i32>} : memref<96xi32, #tpu.memory_space<vmem>>, vector<16xi32>,
        %slice3A_141 = vector.extract_strided_slice %get3A_140 {offsets = [0], sizes = [1], strides = [1]} : vector<16xi32> to vector<1xi32>
        %squeeze3A_142 = vector.extract %slice3A_141[0] : i32 from vector<1xi32>
        %jit3A = arith.constant 8 : i32
        %eq3A_143 = arith.constant 0 : i32
        %eq3A_144 = arith.cmpi eq, %jit3A, %eq3A_143 : i32
        %jit3A_145 = arith.constant 1 : i32
        %select_n3A = arith.select %eq3A_144, %jit3A_145, %jit3A : i32
        %rem3A = arith.remsi %while3A_127, %select_n3A : i32
        %ne3A = arith.constant 0 : i32
        %ne3A_146 = arith.cmpi ne, %rem3A, %ne3A : i32
        %lt3A = arith.constant 0 : i32
        %lt3A_147 = arith.cmpi slt, %rem3A, %lt3A : i32
        %lt3A_148 = arith.constant 0 : i32
        %lt3A_149 = arith.cmpi slt, %select_n3A, %lt3A_148 : i32
        %ne3A_150 = arith.xori %lt3A_147, %lt3A_149 : i1
        %and3A = arith.andi %ne3A_150, %ne3A_146 : i1
        %add3A_151 = arith.addi %rem3A, %select_n3A : i32
        %select_n3A_152 = arith.select %and3A, %add3A_151, %rem3A : i32
        %mul3A_153 = arith.constant 64 : i32
        %mul3A_154 = arith.muli %select_n3A_152, %mul3A_153 : i32
        %scan3A_155 = arith.constant 0 : i32
        %scan3A_156 = arith.constant 0 : i32
        %scan3A_157 = arith.constant 64 : i32
        %scan3A_158 = arith.addi %scan3A_156, %scan3A_157 : i32
        %scan3A_159 = arith.constant 1 : i32
        %scan3A_160 = scf.for %scan3A_171 = %scan3A_156 to %scan3A_158 step %scan3A_159 iter_args(%scan3A_172 = %scan3A_155) -> (i32)  : i32 {
          %mul3A_173 = arith.constant 16 : i32
          %mul3A_174 = arith.muli %scan3A_171, %mul3A_173 : i32
          %swap3A_175 = arith.index_cast %mul3A_174 : i32 to index
          %swap3A_176 = tpu.vector_load %arg36[%swap3A_175] {strides = array<i32>} : memref<1024xf32, #tpu.memory_space<vmem>>, vector<16xf32>,
          tpu.vector_store %arg36[%swap3A_175], %broadcast_in_dim3A_3 {strides = array<i32>} : memref<1024xf32, #tpu.memory_space<vmem>>, vector<16xf32>,
          %scan3A_177 = arith.constant 0 : i32
          scf.yield %scan3A_177 : i32
        }
        %scan3A_161 = arith.constant 64 : i32
        %scan3A_162 = arith.constant 0 : i32
        %scan3A_163 = arith.constant 0 : i32
        %scan3A_164 = arith.constant 64 : i32
        %scan3A_165 = arith.addi %scan3A_163, %scan3A_164 : i32
        %scan3A_166 = arith.constant 1 : i32
        %scan3A_167 = scf.for %scan3A_171 = %scan3A_163 to %scan3A_165 step %scan3A_166 iter_args(%scan3A_172 = %scan3A_162) -> (i32)  : i32 {
          %mul3A_173 = arith.constant 64 : i32
          %mul3A_174 = arith.muli %while3A_127, %mul3A_173 : i32
          %add3A_175 = arith.addi %mul3A_174, %scan3A_171 : i32
          %get3A_176 = arith.index_cast %add3A_175 : i32 to index
          %get3A_177 = tpu.vector_load %arg33[%get3A_176] {strides = array<i32>} : memref<5136xi32, #tpu.memory_space<vmem>>, vector<16xi32>,
          %slice3A_178 = vector.extract_strided_slice %get3A_177 {offsets = [0], sizes = [1], strides = [1]} : vector<16xi32> to vector<1xi32>
          %squeeze3A_179 = vector.extract %slice3A_178[0] : i32 from vector<1xi32>
          %lt3A_180 = arith.cmpi slt, %scan3A_171, %squeeze3A_142 : i32
          %get3A_181 = arith.index_cast %squeeze3A_179 : i32 to index
          %get3A_182 = tpu.vector_load %arg18[%get3A_181] {strides = array<i32>} : memref<10256xf32, #tpu.memory_space<vmem>>, vector<16xf32>,
          %slice3A_183 = vector.extract_strided_slice %get3A_182 {offsets = [0], sizes = [1], strides = [1]} : vector<16xf32> to vector<1xf32>
          %squeeze3A_184 = vector.extract %slice3A_183[0] : f32 from vector<1xf32>
          %sub3A = arith.subf %squeeze3A_184, %squeeze3A : f32
          %get3A_185 = arith.index_cast %squeeze3A_179 : i32 to index
          %get3A_186 = tpu.vector_load %arg19[%get3A_185] {strides = array<i32>} : memref<10256xf32, #tpu.memory_space<vmem>>, vector<16xf32>,
          %slice3A_187 = vector.extract_strided_slice %get3A_186 {offsets = [0], sizes = [1], strides = [1]} : vector<16xf32> to vector<1xf32>
          %squeeze3A_188 = vector.extract %slice3A_187[0] : f32 from vector<1xf32>
          %sub3A_189 = arith.subf %squeeze3A_188, %squeeze3A_134 : f32
          %get3A_190 = arith.index_cast %squeeze3A_179 : i32 to index
          %get3A_191 = tpu.vector_load %arg20[%get3A_190] {strides = array<i32>} : memref<10256xf32, #tpu.memory_space<vmem>>, vector<16xf32>,
          %slice3A_192 = vector.extract_strided_slice %get3A_191 {offsets = [0], sizes = [1], strides = [1]} : vector<16xf32> to vector<1xf32>
          %squeeze3A_193 = vector.extract %slice3A_192[0] : f32 from vector<1xf32>
          %sub3A_194 = arith.subf %squeeze3A_193, %squeeze3A_138 : f32
          %sub3A_195 = vector.broadcast %sub3A : f32 to vector<16xf32>
          %sub3A_196 = arith.subf %sub3A_195, %get3A_80 : vector<16xf32>
          %sub3A_197 = vector.broadcast %sub3A_189 : f32 to vector<16xf32>
          %sub3A_198 = arith.subf %sub3A_197, %get3A_82 : vector<16xf32>
          %sub3A_199 = vector.broadcast %sub3A_194 : f32 to vector<16xf32>
          %sub3A_200 = arith.subf %sub3A_199, %get3A_84 : vector<16xf32>
          %mul3A_201 = arith.mulf %sub3A_196, %sub3A_196 : vector<16xf32>
          %mul3A_202 = arith.mulf %sub3A_198, %sub3A_198 : vector<16xf32>
          %add3A_203 = arith.addf %mul3A_201, %mul3A_202 : vector<16xf32>
          %mul3A_204 = arith.mulf %sub3A_200, %sub3A_200 : vector<16xf32>
          %add3A_205 = arith.addf %add3A_203, %mul3A_204 : vector<16xf32>
          %reduce_min3A = arith.constant true
          %reduce_min3A_206 = vector.broadcast %reduce_min3A : i1 to vector<16xi1>
          %reduce_min3A_207 = tpu.scan <min>, %add3A_205 masked %reduce_min3A_206 : vector<16xf32>, vector<16xi1> -> vector<16xf32>
          %reduce_min3A_208 = vector.extract %reduce_min3A_207[15] : f32 from vector<16xf32>
          %eq3A_209 = vector.broadcast %reduce_min3A_208 : f32 to vector<16xf32>
          %eq3A_210 = arith.cmpf oeq, %add3A_205, %eq3A_209 : vector<16xf32>
          %jit3A_211 = arith.constant 16 : i32
          %broadcast_in_dim3A_212 = vector.broadcast %jit3A_211 : i32 to vector<16xi32>
          %select_n3A_213 = arith.select %eq3A_210, %iota3A, %broadcast_in_dim3A_212 : vector<16xi1>, vector<16xi32>
          %reduce_min3A_214 = arith.constant true
          %reduce_min3A_215 = vector.broadcast %reduce_min3A_214 : i1 to vector<16xi1>
          %reduce_min3A_216 = arith.constant -2147483648 : i32
          %reduce_min3A_217 = vector.broadcast %reduce_min3A_216 : i32 to vector<16xi32>
          %reduce_min3A_218 = arith.xori %select_n3A_213, %reduce_min3A_217 : vector<16xi32>
          %reduce_min3A_219 = tpu.scan <min>, %reduce_min3A_218 masked %reduce_min3A_215 : vector<16xi32>, vector<16xi1> -> vector<16xi32>
          %reduce_min3A_220 = arith.xori %reduce_min3A_219, %reduce_min3A_217 : vector<16xi32>
          %reduce_min3A_221 = vector.extract %reduce_min3A_220[15] : i32 from vector<16xi32>
          %mul3A_222 = arith.mulf %reduce_min3A_208, %scan3A_92 : f32
          %sub3A_223 = arith.constant 1.000000e+00 : f32
          %sub3A_224 = arith.subf %sub3A_223, %mul3A_222 : f32
          %max3A = arith.constant 0.000000e+00 : f32
          %max3A_225 = arith.maximumf %sub3A_224, %max3A : f32
          %jit3A_226 = arith.constant 0.000000e+00 : f32
          %select_n3A_227 = arith.select %lt3A_180, %max3A_225, %jit3A_226 : f32
          %mul3A_228 = arith.constant 64 : i32
          %mul3A_229 = arith.muli %reduce_min3A_221, %mul3A_228 : i32
          %add3A_230 = arith.addi %mul3A_154, %scan3A_171 : i32
          %get3A_231 = arith.index_cast %add3A_230 : i32 to index
          %get3A_232 = arith.constant 0 : index
          %get3A_233 = tpu.vector_load %arg35[%get3A_231, %get3A_232] {strides = array<i32>} : memref<512x64xbf16, #tpu.memory_space<vmem>>, vector<32xbf16>,
          %unpack3A = tpu.unpack_subelements %get3A_233, 0 {pack_format = #tpu.pack_format<interleaved>} : vector<32xbf16> -> vector<16xf32>
          %unpack3A_234 = tpu.unpack_subelements %get3A_233, 1 {pack_format = #tpu.pack_format<interleaved>} : vector<32xbf16> -> vector<16xf32>
          %add3A_235 = arith.constant 0 : i32
          %add3A_236 = arith.addi %mul3A_229, %add3A_235 : i32
          %mul3A_237 = vector.broadcast %select_n3A_227 : f32 to vector<16xf32>
          %mul3A_238 = arith.mulf %mul3A_237, %unpack3A : vector<16xf32>
          %swap3A_239 = arith.index_cast %add3A_236 : i32 to index
          %swap3A_240 = tpu.vector_load %arg36[%swap3A_239] {strides = array<i32>} : memref<1024xf32, #tpu.memory_space<vmem>>, vector<16xf32>,
          tpu.vector_store %arg36[%swap3A_239], %mul3A_238 {add = true, strides = array<i32>} : memref<1024xf32, #tpu.memory_space<vmem>>, vector<16xf32>,
          %add3A_241 = arith.constant 0 : i32
          %add3A_242 = arith.addi %mul3A_229, %add3A_241 : i32
          %add3A_243 = arith.constant 16 : i32
          %add3A_244 = arith.addi %add3A_242, %add3A_243 : i32
          %mul3A_245 = vector.broadcast %select_n3A_227 : f32 to vector<16xf32>
          %mul3A_246 = arith.mulf %mul3A_245, %unpack3A_234 : vector<16xf32>
          %swap3A_247 = arith.index_cast %add3A_244 : i32 to index
          %swap3A_248 = tpu.vector_load %arg36[%swap3A_247] {strides = array<i32>} : memref<1024xf32, #tpu.memory_space<vmem>>, vector<16xf32>,
          tpu.vector_store %arg36[%swap3A_247], %mul3A_246 {add = true, strides = array<i32>} : memref<1024xf32, #tpu.memory_space<vmem>>, vector<16xf32>,
          %add3A_249 = arith.addi %mul3A_154, %scan3A_171 : i32
          %get3A_250 = arith.index_cast %add3A_249 : i32 to index
          %get3A_251 = arith.constant 32 : index
          %get3A_252 = tpu.vector_load %arg35[%get3A_250, %get3A_251] {strides = array<i32>} : memref<512x64xbf16, #tpu.memory_space<vmem>>, vector<32xbf16>,
          %unpack3A_253 = tpu.unpack_subelements %get3A_252, 0 {pack_format = #tpu.pack_format<interleaved>} : vector<32xbf16> -> vector<16xf32>
          %unpack3A_254 = tpu.unpack_subelements %get3A_252, 1 {pack_format = #tpu.pack_format<interleaved>} : vector<32xbf16> -> vector<16xf32>
          %add3A_255 = arith.constant 32 : i32
          %add3A_256 = arith.addi %mul3A_229, %add3A_255 : i32
          %mul3A_257 = vector.broadcast %select_n3A_227 : f32 to vector<16xf32>
          %mul3A_258 = arith.mulf %mul3A_257, %unpack3A_253 : vector<16xf32>
          %swap3A_259 = arith.index_cast %add3A_256 : i32 to index
          %swap3A_260 = tpu.vector_load %arg36[%swap3A_259] {strides = array<i32>} : memref<1024xf32, #tpu.memory_space<vmem>>, vector<16xf32>,
          tpu.vector_store %arg36[%swap3A_259], %mul3A_258 {add = true, strides = array<i32>} : memref<1024xf32, #tpu.memory_space<vmem>>, vector<16xf32>,
          %add3A_261 = arith.constant 32 : i32
          %add3A_262 = arith.addi %mul3A_229, %add3A_261 : i32
          %add3A_263 = arith.constant 16 : i32
          %add3A_264 = arith.addi %add3A_262, %add3A_263 : i32
          %mul3A_265 = vector.broadcast %select_n3A_227 : f32 to vector<16xf32>
          %mul3A_266 = arith.mulf %mul3A_265, %unpack3A_254 : vector<16xf32>
          %swap3A_267 = arith.index_cast %add3A_264 : i32 to index
          %swap3A_268 = tpu.vector_load %arg36[%swap3A_267] {strides = array<i32>} : memref<1024xf32, #tpu.memory_space<vmem>>, vector<16xf32>,
          tpu.vector_store %arg36[%swap3A_267], %mul3A_266 {add = true, strides = array<i32>} : memref<1024xf32, #tpu.memory_space<vmem>>, vector<16xf32>,
          %scan3A_269 = arith.constant 0 : i32
          scf.yield %scan3A_269 : i32
        }
        %scan3A_168 = arith.constant 64 : i32
        %add3A_169 = arith.addi %mul3A_2, %while3A_127 : i32
        "tpu.region"() ({
          %run_scoped3A = tpu.sem_alloc : memref<!tpu.dma_semaphore, #tpu.memory_space<semaphore_mem>>
          %dma_start3A_171 = arith.constant 0 : i32
          %dma_start3A_172 = tpu.memref_slice %arg12[%add3A_169, %dma_start3A_171] : memref<2560x1024xf32, #tpu.memory_space<hbm>> -> memref<1x1024xf32, #tpu.memory_space<hbm>>
          %dma_start3A_173 = tpu.memref_squeeze %dma_start3A_172 : memref<1x1024xf32, #tpu.memory_space<hbm>> -> memref<1024xf32, #tpu.memory_space<hbm>>
          %dma_start3A_174 = arith.constant 0 : i32
          %dma_start3A_175 = tpu.memref_slice %arg12[%add3A_169, %dma_start3A_174] : memref<2560x1024xf32, #tpu.memory_space<hbm>> -> memref<1x1024xf32, #tpu.memory_space<hbm>>
          %dma_start3A_176 = tpu.memref_squeeze %dma_start3A_175 : memref<1x1024xf32, #tpu.memory_space<hbm>> -> memref<1024xf32, #tpu.memory_space<hbm>>
          tpu.enqueue_dma source(%arg36 : memref<1024xf32, #tpu.memory_space<vmem>>) target(%dma_start3A_176 : memref<1024xf32, #tpu.memory_space<hbm>>) target_semaphore(%run_scoped3A : memref<!tpu.dma_semaphore, #tpu.memory_space<semaphore_mem>>)
          %dma_wait3A_177 = arith.constant 0 : i32
          %dma_wait3A_178 = tpu.memref_slice %arg12[%add3A_169, %dma_wait3A_177] : memref<2560x1024xf32, #tpu.memory_space<hbm>> -> memref<1x1024xf32, #tpu.memory_space<hbm>>
          %dma_wait3A_179 = tpu.memref_squeeze %dma_wait3A_178 : memref<1x1024xf32, #tpu.memory_space<hbm>> -> memref<1024xf32, #tpu.memory_space<hbm>>
          %dma_wait3A_180 = arith.constant 0 : i32
          %dma_wait3A_181 = tpu.memref_slice %arg12[%add3A_169, %dma_wait3A_180] : memref<2560x1024xf32, #tpu.memory_space<hbm>> -> memref<1x1024xf32, #tpu.memory_space<hbm>>
          %dma_wait3A_182 = tpu.memref_squeeze %dma_wait3A_181 : memref<1x1024xf32, #tpu.memory_space<hbm>> -> memref<1024xf32, #tpu.memory_space<hbm>>
          tpu.wait_dma2 semaphore(%run_scoped3A : memref<!tpu.dma_semaphore, #tpu.memory_space<semaphore_mem>>) src(%arg36 : memref<1024xf32, #tpu.memory_space<vmem>>) dst(%dma_wait3A_182 : memref<1024xf32, #tpu.memory_space<hbm>>)
          tpu.yield
        }) : () -> ()
        %while3A_170 = arith.constant 0 : i32
        scf.yield %while3A_170 : i32
      }
      %scan3A_126 = arith.constant 0 : i32
      scf.yield %scan3A_126 : i32
    }
    %scan3A_99 = arith.constant 10 : i32
    return
  }
}

module attributes {stable_mosaic.version = 14 : i64} {
  func.func @_fps_body(%arg0: memref<80x128xf32, #tpu.memory_space<vmem>>, %arg1: memref<80x128xf32, #tpu.memory_space<vmem>>, %arg2: memref<80x128xf32, #tpu.memory_space<vmem>>, %arg3: memref<80x128xf32, #tpu.memory_space<vmem>>, %arg4: memref<10240xf32, #tpu.memory_space<smem>>, %arg5: memref<10240xf32, #tpu.memory_space<smem>>, %arg6: memref<10240xf32, #tpu.memory_space<smem>>, %arg7: memref<2500xi32, #tpu.memory_space<smem>>, %arg8: memref<80x128xf32, #tpu.memory_space<vmem>>) attributes {dimension_semantics = [], scalar_prefetch = 0 : i64, scratch_operands = 1 : i64, tpu.core_type = #tpu.core_type<tc>} {
    %get3A = arith.constant 0 : index
    %get3A_0 = arith.constant 0 : index
    %get3A_1 = vector.load %arg3[%get3A, %get3A_0] : memref<80x128xf32, #tpu.memory_space<vmem>>, vector<80x128xf32>
    %swap3A = arith.constant 0 : index
    %swap3A_2 = arith.constant 0 : index
    %swap3A_3 = vector.load %arg8[%swap3A, %swap3A_2] : memref<80x128xf32, #tpu.memory_space<vmem>>, vector<80x128xf32>
    tpu.vector_store %arg8[%swap3A, %swap3A_2], %get3A_1 {strides = array<i32>} : memref<80x128xf32, #tpu.memory_space<vmem>>, vector<80x128xf32>,
    %iota3A = tpu.iota {dimensions = array<i32: 0>} : vector<80x128xi32>
    %iota3A_4 = tpu.iota {dimensions = array<i32: 1>} : vector<80x128xi32>
    %mul3A = arith.constant 128 : i32
    %mul3A_5 = vector.broadcast %mul3A : i32 to vector<80x128xi32>
    %mul3A_6 = arith.muli %iota3A, %mul3A_5 : vector<80x128xi32>
    %add3A = arith.addi %mul3A_6, %iota3A_4 : vector<80x128xi32>
    %swap3A_7 = arith.constant 0 : i32
    %swap3A_8 = arith.constant 0 : index
    %swap3A_9 = memref.load %arg7[%swap3A_8] : memref<2500xi32, #tpu.memory_space<smem>>
    memref.store %swap3A_7, %arg7[%swap3A_8] : memref<2500xi32, #tpu.memory_space<smem>>
    %get3A_10 = arith.constant 0 : index
    %get3A_11 = memref.load %arg4[%get3A_10] : memref<10240xf32, #tpu.memory_space<smem>>
    %get3A_12 = arith.constant 0 : index
    %get3A_13 = memref.load %arg5[%get3A_12] : memref<10240xf32, #tpu.memory_space<smem>>
    %get3A_14 = arith.constant 0 : index
    %get3A_15 = memref.load %arg6[%get3A_14] : memref<10240xf32, #tpu.memory_space<smem>>
    %scan3A = arith.constant 1 : i32
    %scan3A_16 = arith.constant 2499 : i32
    %scan3A_17 = arith.addi %scan3A, %scan3A_16 : i32
    %scan3A_18 = arith.constant 1 : i32
    %scan3A_19:3 = scf.for %scan3A_21 = %scan3A to %scan3A_17 step %scan3A_18 iter_args(%scan3A_22 = %get3A_11, %scan3A_23 = %get3A_13, %scan3A_24 = %get3A_15) -> (f32, f32, f32)  : i32 {
      %get3A_25 = arith.constant 0 : index
      %get3A_26 = arith.constant 0 : index
      %get3A_27 = vector.load %arg0[%get3A_25, %get3A_26] : memref<80x128xf32, #tpu.memory_space<vmem>>, vector<80x128xf32>
      %sub3A = vector.broadcast %scan3A_22 : f32 to vector<80x128xf32>
      %sub3A_28 = arith.subf %get3A_27, %sub3A : vector<80x128xf32>
      %get3A_29 = arith.constant 0 : index
      %get3A_30 = arith.constant 0 : index
      %get3A_31 = vector.load %arg1[%get3A_29, %get3A_30] : memref<80x128xf32, #tpu.memory_space<vmem>>, vector<80x128xf32>
      %sub3A_32 = vector.broadcast %scan3A_23 : f32 to vector<80x128xf32>
      %sub3A_33 = arith.subf %get3A_31, %sub3A_32 : vector<80x128xf32>
      %get3A_34 = arith.constant 0 : index
      %get3A_35 = arith.constant 0 : index
      %get3A_36 = vector.load %arg2[%get3A_34, %get3A_35] : memref<80x128xf32, #tpu.memory_space<vmem>>, vector<80x128xf32>
      %sub3A_37 = vector.broadcast %scan3A_24 : f32 to vector<80x128xf32>
      %sub3A_38 = arith.subf %get3A_36, %sub3A_37 : vector<80x128xf32>
      %mul3A_39 = arith.mulf %sub3A_28, %sub3A_28 : vector<80x128xf32>
      %mul3A_40 = arith.mulf %sub3A_33, %sub3A_33 : vector<80x128xf32>
      %add3A_41 = arith.addf %mul3A_39, %mul3A_40 : vector<80x128xf32>
      %mul3A_42 = arith.mulf %sub3A_38, %sub3A_38 : vector<80x128xf32>
      %add3A_43 = arith.addf %add3A_41, %mul3A_42 : vector<80x128xf32>
      %get3A_44 = arith.constant 0 : index
      %get3A_45 = arith.constant 0 : index
      %get3A_46 = vector.load %arg8[%get3A_44, %get3A_45] : memref<80x128xf32, #tpu.memory_space<vmem>>, vector<80x128xf32>
      %min3A = arith.minimumf %get3A_46, %add3A_43 : vector<80x128xf32>
      %swap3A_47 = arith.constant 0 : index
      %swap3A_48 = arith.constant 0 : index
      %swap3A_49 = vector.load %arg8[%swap3A_47, %swap3A_48] : memref<80x128xf32, #tpu.memory_space<vmem>>, vector<80x128xf32>
      tpu.vector_store %arg8[%swap3A_47, %swap3A_48], %min3A {strides = array<i32>} : memref<80x128xf32, #tpu.memory_space<vmem>>, vector<80x128xf32>,
      %reduce_max3A = vector.shape_cast %min3A : vector<80x128xf32> to vector<1x80x128xf32>
      %reduce_max3A_50 = arith.constant dense<0xFF800000> : vector<1xf32>
      %reduce_max3A_51 = vector.multi_reduction <maximumf>, %reduce_max3A, %reduce_max3A_50 [1, 2] : vector<1x80x128xf32> to vector<1xf32>
      %reduce_max3A_52 = vector.shape_cast %reduce_max3A_51 : vector<1xf32> to vector<1x1x1xf32>
      %reduce_max3A_53 = vector.extract %reduce_max3A_52[0, 0, 0] : f32 from vector<1x1x1xf32>
      %eq3A = vector.broadcast %reduce_max3A_53 : f32 to vector<80x128xf32>
      %eq3A_54 = arith.cmpf oeq, %min3A, %eq3A : vector<80x128xf32>
      %jit3A = arith.constant 10240 : i32
      %broadcast_in_dim3A = vector.broadcast %jit3A : i32 to vector<80x128xi32>
      %select_n3A = arith.select %eq3A_54, %add3A, %broadcast_in_dim3A : vector<80x128xi1>, vector<80x128xi32>
      %reduce_min3A = vector.shape_cast %select_n3A : vector<80x128xi32> to vector<1x80x128xi32>
      %reduce_min3A_55 = arith.constant dense<2147483647> : vector<1xi32>
      %reduce_min3A_56 = vector.multi_reduction <minsi>, %reduce_min3A, %reduce_min3A_55 [1, 2] : vector<1x80x128xi32> to vector<1xi32>
      %reduce_min3A_57 = vector.shape_cast %reduce_min3A_56 : vector<1xi32> to vector<1x1x1xi32>
      %reduce_min3A_58 = vector.extract %reduce_min3A_57[0, 0, 0] : i32 from vector<1x1x1xi32>
      %swap3A_59 = arith.index_cast %scan3A_21 : i32 to index
      %swap3A_60 = memref.load %arg7[%swap3A_59] : memref<2500xi32, #tpu.memory_space<smem>>
      memref.store %reduce_min3A_58, %arg7[%swap3A_59] : memref<2500xi32, #tpu.memory_space<smem>>
      %get3A_61 = arith.index_cast %reduce_min3A_58 : i32 to index
      %get3A_62 = memref.load %arg4[%get3A_61] : memref<10240xf32, #tpu.memory_space<smem>>
      %get3A_63 = arith.index_cast %reduce_min3A_58 : i32 to index
      %get3A_64 = memref.load %arg5[%get3A_63] : memref<10240xf32, #tpu.memory_space<smem>>
      %get3A_65 = arith.index_cast %reduce_min3A_58 : i32 to index
      %get3A_66 = memref.load %arg6[%get3A_65] : memref<10240xf32, #tpu.memory_space<smem>>
      scf.yield %get3A_62, %get3A_64, %get3A_66 : f32, f32, f32
    }
    %scan3A_20 = arith.constant 2499 : i32
    return
  }
}

module attributes {stable_mosaic.version = 14 : i64} {
  func.func @_pre_body(%arg0: i32, %arg1: memref<1000x128xf32, #tpu.memory_space<vmem>>, %arg2: memref<128x64xf32, #tpu.memory_space<vmem>>, %arg3: memref<1x64xf32, #tpu.memory_space<vmem>>, %arg4: memref<1000x64xbf16, #tpu.memory_space<vmem>>) attributes {dimension_semantics = [#tpu.dimension_semantics<arbitrary>], iteration_bounds = array<i64: 10>, scalar_prefetch = 0 : i64, scratch_operands = 0 : i64, tpu.core_type = #tpu.core_type<tc>, window_params = [{transform_indices = @transform_0, window_bounds = array<i64: 1000, 128>}, {pipeline_mode = #tpu.pipeline_mode<synchronous>, transform_indices = @transform_1, window_bounds = array<i64: 128, 64>}, {pipeline_mode = #tpu.pipeline_mode<synchronous>, transform_indices = @transform_2, window_bounds = array<i64: 1, 64>}, {transform_indices = @transform_3, window_bounds = array<i64: 1000, 64>}]} {
    %get3A = arith.constant 0 : index
    %get3A_0 = arith.constant 0 : index
    %get3A_1 = vector.load %arg1[%get3A, %get3A_0] : memref<1000x128xf32, #tpu.memory_space<vmem>>, vector<1000x128xf32>
    %get3A_2 = arith.constant 0 : index
    %get3A_3 = arith.constant 0 : index
    %get3A_4 = vector.load %arg2[%get3A_2, %get3A_3] : memref<128x64xf32, #tpu.memory_space<vmem>>, vector<128x64xf32>
    %dot_general3A = arith.constant dense<0.000000e+00> : vector<1000x64xf32>
    %dot_general3A_5 = tpu.matmul %get3A_1, %get3A_4, %dot_general3A {dimension_numbers = #tpu.dot_dimension_numbers<[1], [0], [0], [1], [0, 0, 1, 1], [], []>, transpose_lhs_hint = false} : vector<1000x128xf32>, vector<128x64xf32>, vector<1000x64xf32> -> vector<1000x64xf32>
    %get3A_6 = arith.constant 0 : index
    %get3A_7 = arith.constant 0 : index
    %get3A_8 = vector.load %arg3[%get3A_6, %get3A_7] : memref<1x64xf32, #tpu.memory_space<vmem>>, vector<1x64xf32>
    %add3A = vector.broadcast %get3A_8 : vector<1x64xf32> to vector<1000x64xf32>
    %add3A_9 = arith.addf %dot_general3A_5, %add3A : vector<1000x64xf32>
    %convert_element_type3A = arith.truncf %add3A_9 : vector<1000x64xf32> to vector<1000x64xbf16>
    %swap3A = arith.constant 0 : index
    %swap3A_10 = arith.constant 0 : index
    %swap3A_11 = vector.load %arg4[%swap3A, %swap3A_10] : memref<1000x64xbf16, #tpu.memory_space<vmem>>, vector<1000x64xbf16>
    tpu.vector_store %arg4[%swap3A, %swap3A_10], %convert_element_type3A {strides = array<i32>} : memref<1000x64xbf16, #tpu.memory_space<vmem>>, vector<1000x64xbf16>,
    return
  }
  func.func @transform_0(%arg0: i32) -> (i32, i32) {
    %c0_i32 = arith.constant 0 : i32
    %c0_i32_0 = arith.constant 0 : i32
    return %arg0, %c0_i32 : i32, i32
  }
  func.func @transform_1(%arg0: i32) -> (i32, i32) {
    %c0_i32 = arith.constant 0 : i32
    %c0_i32_0 = arith.constant 0 : i32
    %c0_i32_1 = arith.constant 0 : i32
    return %c0_i32, %c0_i32_0 : i32, i32
  }
  func.func @transform_2(%arg0: i32) -> (i32, i32) {
    %c0_i32 = arith.constant 0 : i32
    %c0_i32_0 = arith.constant 0 : i32
    %c0_i32_1 = arith.constant 0 : i32
    return %c0_i32, %c0_i32_0 : i32, i32
  }
  func.func @transform_3(%arg0: i32) -> (i32, i32) {
    %c0_i32 = arith.constant 0 : i32
    %c0_i32_0 = arith.constant 0 : i32
    return %arg0, %c0_i32 : i32, i32
  }
}

module attributes {stable_mosaic.version = 14 : i64} {
  func.func @_tail_body(%arg0: i32, %arg1: memref<512x1024xf32, #tpu.memory_space<vmem>>, %arg2: memref<1024x64xf32, #tpu.memory_space<vmem>>, %arg3: memref<64x128xf32, #tpu.memory_space<vmem>>, %arg4: memref<512x128xf32, #tpu.memory_space<vmem>>, %arg5: memref<128x128xf32, #tpu.memory_space<vmem>>, %arg6: memref<1x128xf32, #tpu.memory_space<vmem>>, %arg7: memref<512x128xf32, #tpu.memory_space<vmem>>) attributes {dimension_semantics = [#tpu.dimension_semantics<arbitrary>], iteration_bounds = array<i64: 5>, scalar_prefetch = 0 : i64, scratch_operands = 0 : i64, tpu.core_type = #tpu.core_type<tc>, window_params = [{transform_indices = @transform_0, window_bounds = array<i64: 512, 1024>}, {pipeline_mode = #tpu.pipeline_mode<synchronous>, transform_indices = @transform_1, window_bounds = array<i64: 1024, 64>}, {pipeline_mode = #tpu.pipeline_mode<synchronous>, transform_indices = @transform_2, window_bounds = array<i64: 64, 128>}, {transform_indices = @transform_3, window_bounds = array<i64: 512, 128>}, {pipeline_mode = #tpu.pipeline_mode<synchronous>, transform_indices = @transform_4, window_bounds = array<i64: 128, 128>}, {pipeline_mode = #tpu.pipeline_mode<synchronous>, transform_indices = @transform_5, window_bounds = array<i64: 1, 128>}, {transform_indices = @transform_6, window_bounds = array<i64: 512, 128>}]} {
    %get3A = arith.constant 0 : index
    %get3A_0 = arith.constant 0 : index
    %get3A_1 = vector.load %arg1[%get3A, %get3A_0] : memref<512x1024xf32, #tpu.memory_space<vmem>>, vector<512x1024xf32>
    %get3A_2 = arith.constant 0 : index
    %get3A_3 = arith.constant 0 : index
    %get3A_4 = vector.load %arg2[%get3A_2, %get3A_3] : memref<1024x64xf32, #tpu.memory_space<vmem>>, vector<1024x64xf32>
    %dot_general3A = arith.constant dense<0.000000e+00> : vector<512x64xf32>
    %dot_general3A_5 = tpu.matmul %get3A_1, %get3A_4, %dot_general3A {dimension_numbers = #tpu.dot_dimension_numbers<[1], [0], [0], [1], [0, 0, 1, 1], [], []>, transpose_lhs_hint = false} : vector<512x1024xf32>, vector<1024x64xf32>, vector<512x64xf32> -> vector<512x64xf32>
    %get3A_6 = arith.constant 0 : index
    %get3A_7 = arith.constant 0 : index
    %get3A_8 = vector.load %arg3[%get3A_6, %get3A_7] : memref<64x128xf32, #tpu.memory_space<vmem>>, vector<64x128xf32>
    %dot_general3A_9 = arith.constant dense<0.000000e+00> : vector<512x128xf32>
    %dot_general3A_10 = tpu.matmul %dot_general3A_5, %get3A_8, %dot_general3A_9 {dimension_numbers = #tpu.dot_dimension_numbers<[1], [0], [0], [1], [0, 0, 1, 1], [], []>, transpose_lhs_hint = false} : vector<512x64xf32>, vector<64x128xf32>, vector<512x128xf32> -> vector<512x128xf32>
    %get3A_11 = arith.constant 0 : index
    %get3A_12 = arith.constant 0 : index
    %get3A_13 = vector.load %arg4[%get3A_11, %get3A_12] : memref<512x128xf32, #tpu.memory_space<vmem>>, vector<512x128xf32>
    %get3A_14 = arith.constant 0 : index
    %get3A_15 = arith.constant 0 : index
    %get3A_16 = vector.load %arg5[%get3A_14, %get3A_15] : memref<128x128xf32, #tpu.memory_space<vmem>>, vector<128x128xf32>
    %dot_general3A_17 = arith.constant dense<0.000000e+00> : vector<512x128xf32>
    %dot_general3A_18 = tpu.matmul %get3A_13, %get3A_16, %dot_general3A_17 {dimension_numbers = #tpu.dot_dimension_numbers<[1], [0], [0], [1], [0, 0, 1, 1], [], []>, transpose_lhs_hint = false} : vector<512x128xf32>, vector<128x128xf32>, vector<512x128xf32> -> vector<512x128xf32>
    %add3A = arith.addf %dot_general3A_10, %dot_general3A_18 : vector<512x128xf32>
    %get3A_19 = arith.constant 0 : index
    %get3A_20 = arith.constant 0 : index
    %get3A_21 = vector.load %arg6[%get3A_19, %get3A_20] : memref<1x128xf32, #tpu.memory_space<vmem>>, vector<1x128xf32>
    %add3A_22 = vector.broadcast %get3A_21 : vector<1x128xf32> to vector<512x128xf32>
    %add3A_23 = arith.addf %add3A, %add3A_22 : vector<512x128xf32>
    %swap3A = arith.constant 0 : index
    %swap3A_24 = arith.constant 0 : index
    %swap3A_25 = vector.load %arg7[%swap3A, %swap3A_24] : memref<512x128xf32, #tpu.memory_space<vmem>>, vector<512x128xf32>
    tpu.vector_store %arg7[%swap3A, %swap3A_24], %add3A_23 {strides = array<i32>} : memref<512x128xf32, #tpu.memory_space<vmem>>, vector<512x128xf32>,
    return
  }
  func.func @transform_0(%arg0: i32) -> (i32, i32) {
    %c0_i32 = arith.constant 0 : i32
    %c0_i32_0 = arith.constant 0 : i32
    return %arg0, %c0_i32 : i32, i32
  }
  func.func @transform_1(%arg0: i32) -> (i32, i32) {
    %c0_i32 = arith.constant 0 : i32
    %c0_i32_0 = arith.constant 0 : i32
    %c0_i32_1 = arith.constant 0 : i32
    return %c0_i32, %c0_i32_0 : i32, i32
  }
  func.func @transform_2(%arg0: i32) -> (i32, i32) {
    %c0_i32 = arith.constant 0 : i32
    %c0_i32_0 = arith.constant 0 : i32
    %c0_i32_1 = arith.constant 0 : i32
    return %c0_i32, %c0_i32_0 : i32, i32
  }
  func.func @transform_3(%arg0: i32) -> (i32, i32) {
    %c0_i32 = arith.constant 0 : i32
    %c0_i32_0 = arith.constant 0 : i32
    return %arg0, %c0_i32 : i32, i32
  }
  func.func @transform_4(%arg0: i32) -> (i32, i32) {
    %c0_i32 = arith.constant 0 : i32
    %c0_i32_0 = arith.constant 0 : i32
    %c0_i32_1 = arith.constant 0 : i32
    return %c0_i32, %c0_i32_0 : i32, i32
  }
  func.func @transform_5(%arg0: i32) -> (i32, i32) {
    %c0_i32 = arith.constant 0 : i32
    %c0_i32_0 = arith.constant 0 : i32
    %c0_i32_1 = arith.constant 0 : i32
    return %c0_i32, %c0_i32_0 : i32, i32
  }
  func.func @transform_6(%arg0: i32) -> (i32, i32) {
    %c0_i32 = arith.constant 0 : i32
    %c0_i32_0 = arith.constant 0 : i32
    return %arg0, %c0_i32 : i32, i32
  }
}

</mosaic_0001>

<sc_bundles>
// kernel: kernel.7.cloned.1.call-start
scs
__scs_entry_jumppad:
0x0: {  	(pc) =	sbr.rel $0x88, $3  }
0x1: {  	(tag) =	ssettag $0x0;
	lr =	simm.s32 $0x1  }
0x2: {  	[smem:$0x3F96] =	sst lr;
	_ =	strace $0xD0000000  }
0x3: {  	_ = 	snop  }
0x4: {  	_ = 	snop  }
0x5: {  	_ = 	snop  }
0x6: {  	_ = 	snop  }
0x7: {  	_ = 	snop  }
__scs_overlays_trampoline_lowered:
0x8: {  	[smem:$0x3FA5] =	sst s0  }
0x9: {  	[smem:$0x3FA6] =	sst s1  }
0xa: {  	[smem:$0x3FA7] =	sst s2  }
0xb: {  	[smem:$0x3FA8] =	sst s3  }
0xc: {  	[smem:$0x3FA9] =	sst s4  }
0xd: {  	[smem:$0x3FAA] =	sst s5  }
0xe: {  	[smem:$0x3FAB] =	sst s6  }
0xf: {  	[smem:$0x3FAC] =	sst s7  }
0x10: {  	[smem:$0x3FAD] =	sst s8  }
0x11: {  	[smem:$0x3FAE] =	sst s9;
	s0 =	simm.s32 @!p0 $0x0  }
0x12: {  	s1 =	sld [smem:$0x3F94];
	s0 =	simm.s32 @p0 $0x1  }
0x13: {  	[smem:$0x3FAF] =	sst s0;
	s0 =	simm.s32 @!p1 $0x0  }
0x14: {  	s2 =	sld [smem:$0x3F93];
	s0 =	simm.s32 @p1 $0x1  }
0x15: {  	[smem:$0x3FB0] =	sst s0;
	s0 =	simm.s32 @!p2 $0x0  }
0x16: {  	s3 =	sld [smem:$0x3FDB];
	s0 =	simm.s32 @p2 $0x1  }
0x17: {  	s4 =	simm.s32 $0x1BF5;
	[smem:$0x3FB2] =	sst s0  }
0x18: {  	s0 =	sld [smem:$0x3F95];
	_ =	swait.ge [sflag:s4], $0x0  }
0x19: {  	s7 =	sld [smem:$0x3F96]  }
0x1a: {  	s8 =	sadd.s32 $0xFFFFE003, lr  }
0x1b: {  	s9 =	sadd.s32 $0xFFFFFEF7, lr;
	s5 =	simm.s32 $0xFFFFFFFF;
	p2 =	slt.u32 s8, $0xFFFFF086  }
0x1c: {  	p1 =	slt.u32 s9, $0xF7A;
	s5 =	simm.s32 @!p2 $0x0  }
0x1d: {  	s5 =	simm.s32 @p1 $0x1;
	p0 =	seq.s32 s7, s2  }
0x1e: {  	s7 =	smul.u32 @!p0 $0xF7A, s2;
	p2 =	seq.s32 @!p0 s5, $0x0  }
0x1f: {  	s9 =	smul.u32 $0xF7A, s1;
	s8 =	simm.s32 @!p0 $0x1BF5;
	p2 =	por !p2, p0  }
0x20: {  	[sflag:s8] =	ssyncset.s32 @!p0 $0xFFFFF086;
	s6 =	sadd.s32 @!p0 s3, s7;
	s7 =	simm.s32 @!p0 $0x108  }
0x21: {  	s3 =	sadd.s32 s3, s9;
	s6 =	sadd.s32 @!p0 $0x88, s6;
	s7 =	simm.s32 @p2 $0x1082  }
0x22: {  	[simem:s7], [sflag:s8] =	dma.local @!p0 [hbm:s6], $0xF7A  }
0x23: {  	s9 =	sor.u32 $0xD0000000, s2;
	s6 =	simm.s32 $0x108;
	_ =	swait.ge @!p0 [sflag:s8], $0x0  }
0x24: {  	s3 =	sadd.s32 $0x88, s3;
	s6 =	simm.s32 @!p1 $0x1082;
	[sflag:s4] =	ssyncset.s32 $0xFFFFF086  }
0x25: {  	[simem:s6], [sflag:s4] =	dma.local [hbm:s3], $0xF7A  }
0x26: {  	[smem:$0x3F96] =	sst s1;
	(tag) =	ssettag s2;
	_ =	strace s9  }
0x27: {  	s1 =	sld [smem:$0x3FA6]  }
0x28: {  	s2 =	sld [smem:$0x3FA7]  }
0x29: {  	s4 =	sld [smem:$0x3FA9]  }
0x2a: {  	p0 =	seq.s32 s5, $0x0;
	s5 =	sld [smem:$0x3FAA]  }
0x2b: {  	s6 =	sld [smem:$0x3FAB]  }
0x2c: {  	s7 =	sld [smem:$0x3FAC]  }
0x2d: {  	s3 =	simm.s32 $0x108;
	s8 =	sld [smem:$0x3FAD]  }
0x2e: {  	s3 =	simm.s32 @!p0 $0x1082;
	s9 =	sld [smem:$0x3FAE]  }
0x2f: {  	lr =	sadd.s32 s0, s3;
	s0 =	sld [smem:$0x3FA5]  }
0x30: {  	s3 =	sld [smem:$0x3FA8]  }
0x31: {  	[smem:$0x3FB1] =	sst s10  }
0x32: {  	s10 =	sld [smem:$0x3FAF];
	_ =	sdelay $0x3  }
0x33: {  	p0 =	seq.s32 s10, $0x1;
	s10 =	sld [smem:$0x3FB1];
	_ =	sdelay $0x3  }
0x34: {  	[smem:$0x3FB1] =	sst s10  }
0x35: {  	s10 =	sld [smem:$0x3FB0];
	_ =	sdelay $0x3  }
0x36: {  	p1 =	seq.s32 s10, $0x1;
	s10 =	sld [smem:$0x3FB1];
	_ =	sdelay $0x3  }
0x37: {  	[smem:$0x3FB1] =	sst s10  }
0x38: {  	s10 =	sld [smem:$0x3FB2]  }
0x39: {  	_ = 	snop;
	(pc) =	sbr.ind lr, $3  }
0x3a: {  	_ = 	snop  }
0x3b: {  	_ = 	snop  }
0x3c: {  	p2 =	seq.s32 s10, $0x1;
	s10 =	sld [smem:$0x3FB1]  }
0x3d: {  	_ =	shalt  }
0x3e: {  	_ =	shalt  }
0x3f: {  	_ =	shalt  }
0x40: {  	_ =	shalt  }
0x41: {  	_ =	shalt  }
0x42: {  	_ =	shalt  }
0x43: {  	_ =	shalt  }
0x44: {  	_ =	shalt  }
0x45: {  	_ =	shalt  }
0x46: {  	_ =	shalt  }
0x47: {  	_ =	shalt  }
0x48: {  	_ =	shalt  }
0x49: {  	_ =	shalt  }
0x4a: {  	_ =	shalt  }
0x4b: {  	_ =	shalt  }
0x4c: {  	_ =	shalt  }
0x4d: {  	_ =	shalt  }
0x4e: {  	_ =	shalt  }
0x4f: {  	_ =	shalt  }
0x50: {  	_ =	shalt  }
0x51: {  	_ =	shalt  }
0x52: {  	_ =	shalt  }
0x53: {  	_ =	shalt  }
0x54: {  	_ =	shalt  }
0x55: {  	_ =	shalt  }
0x56: {  	_ =	shalt  }
0x57: {  	_ =	shalt  }
0x58: {  	_ =	shalt  }
0x59: {  	_ =	shalt  }
0x5a: {  	_ =	shalt  }
0x5b: {  	_ =	shalt  }
0x5c: {  	_ =	shalt  }
0x5d: {  	_ =	shalt  }
0x5e: {  	_ =	shalt  }
0x5f: {  	_ =	shalt  }
0x60: {  	_ =	shalt  }
0x61: {  	_ =	shalt  }
0x62: {  	_ =	shalt  }
0x63: {  	_ =	shalt  }
0x64: {  	_ =	shalt  }
0x65: {  	_ =	shalt  }
0x66: {  	_ =	shalt  }
0x67: {  	_ =	shalt  }
0x68: {  	_ =	shalt  }
0x69: {  	_ =	shalt  }
0x6a: {  	_ =	shalt  }
0x6b: {  	_ =	shalt  }
0x6c: {  	_ =	shalt  }
0x6d: {  	_ =	shalt  }
0x6e: {  	_ =	shalt  }
0x6f: {  	_ =	shalt  }
0x70: {  	_ =	shalt  }
0x71: {  	_ =	shalt  }
0x72: {  	_ =	shalt  }
0x73: {  	_ =	shalt  }
0x74: {  	_ =	shalt  }
0x75: {  	_ =	shalt  }
0x76: {  	_ =	shalt  }
0x77: {  	_ =	shalt  }
0x78: {  	_ =	shalt  }
0x79: {  	_ =	shalt  }
0x7a: {  	_ =	shalt  }
0x7b: {  	_ =	shalt  }
0x7c: {  	_ =	shalt  }
0x7d: {  	_ =	shalt  }
0x7e: {  	_ =	shalt  }
0x7f: {  	_ =	shalt  }
0x80: {  	_ =	shalt  }
0x81: {  	_ =	shalt  }
0x82: {  	_ =	shalt  }
0x83: {  	_ =	shalt  }
0x84: {  	_ =	shalt  }
0x85: {  	_ =	shalt  }
0x86: {  	_ =	shalt  }
0x87: {  	_ =	shalt  }
.Lfunc_end0:
.L_simem_size_0:
called_computation_lowered:
.L_overlay_start_0:
0x88: {  	s2 =	sld [smem:$0x3FD9]  }
0x89: {  	s3 =	sld [smem:$0x3FFE];
	_ =	sdelay $0x1  }
0x8a: {  	s1 =	srdreg.scid  }
0x8b: {  	s0 =	sand.u32 $0x1, s1  }
0x8c: {  	s14 =	sshll.u32 s0, $0xA;
	s2 =	sadd.s32 s3, s2  }
0x8d: {  	s2 =	sadd.s32 s2, s14  }
0x8e: {  	[smem:$0x3FBD] =	sst s2  }
0x8f: {  	_ = 	snop  }
0x90: {  	s2 =	sld [smem:$0x3FD0];
	_ =	sdelay $0x2  }
0x91: {  	s4 =	simm.s32 $0xA;
	s5 =	simm.s32 $0x10;
	s15 =	sld [smem:$0x3FC9]  }
0x92: {  	[smem:s5], [sflag:s4] =	dma.local [hbm:s2], $0x1  }
0x93: {  	_ =	swait.eq [sflag:s4], $0x1  }
0x94: {  	s16 =	sld [smem:$0x10];
	[sflag:s4] =	ssyncset.done $0x0  }
0x95: {  	s17 =	sld [smem:$0x11];
	[sflag:s4] =	ssyncadd.s32 $0xFFFFFFFF  }
0x96: {  	s18 =	sld [smem:$0x12];
	(tm) =	ssettm $0x1  }
0x97: {  	s6 =	sld [smem:$0x3FFB];
	_ =	sdelay $0x3  }
0x98: {  	_ =	strace s6  }
0x99: {  	s6 =	sld [smem:$0x3FFC];
	_ =	sdelay $0x3  }
0x9a: {  	_ =	strace s6  }
0x9b: {  	s6 =	sld [smem:$0x3FFD];
	_ =	sdelay $0x3  }
0x9c: {  	_ =	strace s6  }
0x9d: {  	_ =	strace $0x8FFFFFFF  }
0x9e: {  	s19 =	sld [smem:$0x3FDB];
	_ =	sdelay $0x1  }
0x9f: {  	s7 =	simm.s32 $_scs_section_size  }
0xa0: {  	s8 =	simm.s32 $_size__tile_overlayer_lowered;
	s9 =	simm.s32 $_tile_overlayer_lowered  }
0xa1: {  	s22 =	simm.s32 $0x1BFF;
	s21 =	sshll.u32 s9, $0x1;
	s6 =	sadd.s32 s7, s19  }
0xa2: {  	s10 =	simm.s32 $0x0;
	s20 =	sshll.u32 s8, $0x1;
	s8 =	sadd.s32 s21, s6  }
0xa3: {  	[timem:s10], [sflag:s22] =	dma.local [hbm:s8], s20  }
0xa4: {  	_ =	swait.ge [sflag:s22], s20  }
0xa5: {  	s7 =	ssub.s32 $0x0, s20;
	[sflag:s22] =	ssyncset.done $0x0  }
0xa6: {  	[sflag:s22] =	ssyncadd.s32 s7;
	_ =	sdelay $0x1  }
0xa7: {  	s23 =	simm.s32 $0x1B8B  }
0xa8: {  	_ =	swait.ge [sflag:s23], $0x1  }
0xa9: {  	[sflag:s23] =	ssyncset.done $0x0  }
0xaa: {  	s25 =	simm.s32 $0x1B8E;
	s24 =	sld [smem:$0x3FFE];
	[sflag:s23] =	ssyncadd.s32 $0xFFFFFFFF  }
0xab: {  	s26 =	simm.s32 $execute0_lowered;
	[smem:$0x3FD2] =	sst s25  }
0xac: {  	s8 =	sshll.u32 s26, $0x1;
	_ =	strace $0x80000046;
	[dreg:$0x1] =	wrdreg $0xFFFFFFFF  }
0xad: {  	s28 =	simm.s32 $_size_execute0_lowered;
	s6 =	sadd.s32 s6, s8;
	[dreg:$0x0] =	wrdreg $0x0  }
0xae: {  	s8 =	sshll.u32 s28, $0x1;
	[dreg:$0x2] =	wrdreg s6  }
0xaf: {  	[dreg:$0x3] =	wrdreg s8  }
0xb0: {  	[dreg:$0x4] =	wrdreg $0xC0  }
0xb1: {  	_ =	task [dreg:s10], $0x5FFFF  }
0xb2: {  	[dreg:$0x1] =	wrdreg $0xFFFFFFFF  }
0xb3: {  	[dreg:$0x0] =	wrdreg $0x60  }
0xb4: {  	[dreg:$0x2] =	wrdreg s24  }
0xb5: {  	[dreg:$0x3] =	wrdreg s17  }
0xb6: {  	[dreg:$0x4] =	wrdreg s16  }
0xb7: {  	[dreg:$0x5] =	wrdreg s15  }
0xb8: {  	[dreg:$0x6] =	wrdreg s18  }
0xb9: {  	[dreg:$0x7] =	wrdreg $0x9  }
0xba: {  	_ =	task.clear_ibuf [dreg:s10], $0x8FFFF;
	_ =	strace $0x90000046  }
0xbb: {  	s29 =	simm.s32 $0x9;
	_ =	strace $0x80000048  }
0xbc: {  	_ =	swait.ge [sflag:s29], $0x1  }
0xbd: {  	[sflag:s29] =	ssyncadd.s32 $0xFFFFFFFF  }
0xbe: {  	_ =	strace $0x90000048  }
0xbf: {  	_ =	sfence  }
0xc0: {  	s30 =	sld [smem:$0x0];
	_ =	sdelay $0x2  }
0xc1: {  	s31 =	sshll.u32 s1, $0xD;
	s1 =	sshrl.u32 s1, $0x2  }
0xc2: {  	s3 =	sand.u32 $0x4000, s31;
	s1 =	sadd.s32 s1, s30  }
0xc3: {  	s0 =	sor.u32 s3, s0;
	s1 =	sshll.u32 s1, $0x11  }
0xc4: {  	s0 =	sor.u32 s1, s0  }
0xc5: {  	s0 =	sadd.s32 $0x8F2B, s0  }
0xc6: {  	[sflag:s0] =	ssyncadd.remote.s32 $0x1  }
0xc7: {  	_ =	sfence.sel $0xFFFF  }
0xc8: {  	[dreg:$0x0] =	wrdreg $0xFFFFFFFF;
	(pc) =	sbr.abs _section_cstart, $3  }
0xc9: {  	[dreg:$0x1] =	wrdreg $0xFFFFFFFF  }
0xca: {  	_ =	task.clear_ibuf [dreg:s10], $0x2FFFF;
	_ =	strace $0x9FFFFFFF  }
0xcb: {  	(tm) =	ssettm $0x7FFFFFFF  }
tec
execute0_lowered:
.L_overlay_start_1:
0x0: {  	(tag) =	ssettag $0x1  }
0x1: {  	s0 =	rddreg [dreg:$0x0]  }
0x2: {  	s2 =	rddreg [dreg:$0x2]  }
0x3: {  	s1 =	rddreg [dreg:$0x4];
	s5 =	simm.s32 $0x0;
	s3 =	srdreg.scid  }
0x4: {  	s4 =	stileid.u32;
	s28 =	simm.s32 $0xCF70;
	s29 =	simm.s32 $0xCE70  }
0x5: {  	s30 =	simm.s32 $0xE3D0;
	s31 =	simm.s32 $0x200;
	[smem:$0x7FF] =	sst s5  }
0x6: {  	s6 =	sadd.s32 $0x1C00, s0;
	s3 =	sand.u32 $0x1, s3;
	s4 =	sshll.u32 s4, $0x1  }
0x7: {  	s15 =	sadd.s32 $0x2200, s0;
	s16 =	sadd.s32 $0x2800, s0;
	s17 =	sadd.s32 $0x3400, s0  }
0x8: {  	s18 =	sadd.s32 $0x3200, s0;
	_ =	strace $0x80000047;
	[dreg:$0x6] =	wrdreg s6  }
0x9: {  	s19 =	sadd.s32 $0x3000, s0;
	s13 =	sadd.s32 $0x3600, s0;
	[dreg:$0x7] =	wrdreg s15  }
0xa: {  	[dreg:$0x8] =	wrdreg s16;
	s4 =	sor.u32 s3, s4;
	s3 =	ssub.s32 $0x2, s3  }
0xb: {  	[dreg:$0x9] =	wrdreg s17;
	s11 =	smul.u32 $0x50, s4;
	s7 =	sshrl.u32 s3, $0x1  }
0xc: {  	[dreg:$0xa] =	wrdreg s18;
	s4 =	smul.u32 $0x500, s4;
	s3 =	ssub.s32 s3, s7  }
0xd: {  	v0 =	vimm.s32 $0x0;
	vm0 =	vmmov $0x1;
	[dreg:$0xb] =	wrdreg s19;
	s20 =	sshrl.u32 s11, $0x3;
	s26 =	smax.u32 s3, $0x1  }
0xe: {  	vm4 =	vcmask $0x308;
	vm11 =	vcmask $0x70C;
	vm12 =	vcmask $0xB10;
	s4 =	sadd.s32 s4, s0;
	s24 =	sadd.s32 s1, s20;
	[dreg:$0x12] =	wrdreg s26  }
0xf: {  	vm13 =	vcmask $0xF14;
	vm10 =	vcmask $0x1318;
	vm9 =	vcmask $0x171C;
	s0 =	sadd.s32 s20, s0;
	s25 =	sadd.s32 $0x53600, s4;
	[dreg:$0x10] =	wrdreg s24  }
0x10: {  	vm8 =	vcmask $0x1B20;
	vm1 =	vmmov $0x7fff;
	v2 =	vimm.s32 $0x0;
	s6 =	simm.s32 $0x0;
	s21 =	sadd.s32 $0x2E00, s0;
	[dreg:$0x11] =	wrdreg s25  }
0x11: {  	vm7 =	vcmask $0x1F24;
	vm6 =	vcmask $0x2328;
	v2 =	vsel vm1, $0xFFFFFFFF, v2;
	s4 =	simm.s32 $0x2;
	s22 =	sadd.s32 $0x5DA00, s0;
	[dreg:$0xc] =	wrdreg s21  }
0x12: {  	vm5 =	vcmask $0x272C;
	vm14 =	vcmask $0x2B30;
	[tilespmem:$0x1FFE0] =	vst v2;
	v2 =	vimm.s32 $0x0;
	s1 =	simm.s32 $0x12430;
	s23 =	sadd.s32 $0x5D800, s0;
	[dreg:$0xd] =	wrdreg s22  }
0x13: {  	vm15 =	vcmask $0x2F34;
	vm2 =	vcmask $0x3338;
	v2 =	vsel vm0, $0xFFFFFFFF, v2;
	s0 =	sadd.s32 $0x5D600, s0;
	s24 =	simm.s32 $0x7830;
	[dreg:$0xe] =	wrdreg s23  }
0x14: {  	vm3 =	vcmask $0x373C;
	v1 =	vlaneseq.u32;
	v3 =	vimm.f32 $0.0e+00;
	[tilespmem:$0x1FFF0] =	vst v2;
	[dreg:$0xf] =	wrdreg s0;
	s21 =	simm.s32 $0x3;
	s0 =	simm.s32 $0xE430  }
.LBB2_1:
0x15: {  	s3 =	rddreg [dreg:$0x6]  }
0x16: {  	[tilespmem:s5], [sflag:$0x3] =	stream.linear.gather [hbm4b:s3+s5], $0x2810, $0x38;
	[tilespmem:$0x12860] =	vst v63  }
0x17: {  	_ =	swait.ge [sflag:s21], $0x2810  }
0x18: {  	[sflag:s21] =	ssyncset.done $0x0  }
0x19: {  	s7 =	simm.s32 $0x2810;
	s16 =	rddreg [dreg:$0x7];
	[sflag:s21] =	ssyncadd.s32 $0xFFFFD7F0  }
0x1a: {  	[tilespmem:s7], [sflag:$0x3] =	stream.linear.gather [hbm4b:s16+s5], $0x2810, $0x38;
	[tilespmem:$0x12860] =	vst v63  }
0x1b: {  	_ =	swait.ge [sflag:s21], $0x2810  }
0x1c: {  	[sflag:s21] =	ssyncset.done $0x0  }
0x1d: {  	s8 =	simm.s32 $0x5020;
	s17 =	rddreg [dreg:$0x8];
	[sflag:s21] =	ssyncadd.s32 $0xFFFFD7F0  }
0x1e: {  	[tilespmem:s8], [sflag:$0x3] =	stream.linear.gather [hbm4b:s17+s5], $0x2810, $0x38;
	[tilespmem:$0x12860] =	vst v63  }
0x1f: {  	_ =	swait.ge [sflag:s21], $0x2810  }
0x20: {  	[sflag:s21] =	ssyncset.done $0x0  }
0x21: {  	[sflag:s21] =	ssyncadd.s32 $0xFFFFD7F0  }
0x22: {  	s18 =	rddreg [dreg:$0x1]  }
0x23: {  	[tilespmem:s24], [sflag:$0x3] =	stream.linear.gather [hbm4b:s18+s5], $0x2800, $0x38;
	[tilespmem:$0x12860] =	vst v63  }
0x24: {  	_ =	swait.ge [sflag:s21], $0x2800  }
0x25: {  	[sflag:s21] =	ssyncset.done $0x0  }
0x26: {  	s9 =	simm.s32 $0xA030;
	s19 =	rddreg [dreg:$0xc];
	[sflag:s21] =	ssyncadd.s32 $0xFFFFD800  }
0x27: {  	[tilespmem:s9], [sflag:$0x3] =	stream.linear.gather [hbm4b:s19+s5], $0x50, $0x38;
	[tilespmem:$0x12860] =	vst v63  }
0x28: {  	_ =	swait.ge [sflag:s21], $0x50  }
0x29: {  	[sflag:s21] =	ssyncset.done $0x0  }
0x2a: {  	s10 =	simm.s32 $0x12830;
	s20 =	rddreg [dreg:$0x9];
	[sflag:s21] =	ssyncadd.s32 $0xFFFFFFB0  }
0x2b: {  	[tilespmem:s10], [sflag:$0x3] =	stream.linear.gather [hbm4b:s20+s5], $0x10, $0x38;
	[tilespmem:$0x12860] =	vst v63  }
0x2c: {  	_ =	swait.ge [sflag:s21], $0x10  }
0x2d: {  	[sflag:s21] =	ssyncset.done $0x0  }
0x2e: {  	s23 =	simm.s32 $0x12840;
	s22 =	rddreg [dreg:$0xa];
	[sflag:s21] =	ssyncadd.s32 $0xFFFFFFF0  }
0x2f: {  	[tilespmem:s23], [sflag:$0x3] =	stream.linear.gather [hbm4b:s22+s5], $0x10, $0x38;
	[tilespmem:$0x12860] =	vst v63  }
0x30: {  	_ =	swait.ge [sflag:s21], $0x10  }
0x31: {  	[sflag:s21] =	ssyncset.done $0x0  }
0x32: {  	s26 =	simm.s32 $0x12850;
	s25 =	rddreg [dreg:$0xb];
	[sflag:s21] =	ssyncadd.s32 $0xFFFFFFF0  }
0x33: {  	[tilespmem:s26], [sflag:$0x3] =	stream.linear.gather [hbm4b:s25+s5], $0x10, $0x38;
	[tilespmem:$0x12860] =	vst v63  }
0x34: {  	_ =	swait.ge [sflag:s21], $0x10  }
0x35: {  	[sflag:s21] =	ssyncset.done $0x0  }
0x36: {  	[sflag:s21] =	ssyncadd.s32 $0xFFFFFFF0  }
0x37: {  	v4 =	vld [tilespmem:$0xA030];
	_ =	sdelay $0x7  }
0x38: {  	v5 =	vld.idx.msk [tilespmem:v4+s5+$0x0], $0xffff;
	_ =	sdelay $0x4  }
0x39: {  	[tilespmem:$0xA080] =	vst v5  }
0x3a: {  	v5 =	vld.idx.msk [tilespmem:v4+s7+$0x0], $0xffff;
	_ =	sdelay $0x4  }
0x3b: {  	[tilespmem:$0xA0E0] =	vst v5  }
0x3c: {  	v5 =	vld.idx.msk [tilespmem:v4+s8+$0x0], $0xffff;
	_ =	sdelay $0x3  }
0x3d: {  	v6 =	vld [tilespmem:$0xA040]  }
0x3e: {  	[tilespmem:$0xA140] =	vst v5  }
0x3f: {  	v4 =	vld.idx.msk [tilespmem:v4+s24+$0x0], $0xffff;
	_ =	sdelay $0x4  }
0x40: {  	[tilespmem:$0xA1A0] =	vst v4  }
0x41: {  	v4 =	vld.idx.msk [tilespmem:v6+s5+$0x0], $0xffff;
	_ =	sdelay $0x4  }
0x42: {  	[tilespmem:$0xA090] =	vst v4  }
0x43: {  	v4 =	vld.idx.msk [tilespmem:v6+s7+$0x0], $0xffff;
	_ =	sdelay $0x4  }
0x44: {  	[tilespmem:$0xA0F0] =	vst v4  }
0x45: {  	v4 =	vld.idx.msk [tilespmem:v6+s8+$0x0], $0xffff;
	_ =	sdelay $0x3  }
0x46: {  	v5 =	vld [tilespmem:$0xA050]  }
0x47: {  	[tilespmem:$0xA150] =	vst v4  }
0x48: {  	v4 =	vld.idx.msk [tilespmem:v6+s24+$0x0], $0xffff;
	_ =	sdelay $0x4  }
0x49: {  	[tilespmem:$0xA1B0] =	vst v4  }
0x4a: {  	v4 =	vld.idx.msk [tilespmem:v5+s5+$0x0], $0xffff;
	_ =	sdelay $0x4  }
0x4b: {  	[tilespmem:$0xA0A0] =	vst v4  }
0x4c: {  	v4 =	vld.idx.msk [tilespmem:v5+s7+$0x0], $0xffff;
	_ =	sdelay $0x4  }
0x4d: {  	[tilespmem:$0xA100] =	vst v4  }
0x4e: {  	v4 =	vld.idx.msk [tilespmem:v5+s8+$0x0], $0xffff;
	_ =	sdelay $0x3  }
0x4f: {  	v6 =	vld [tilespmem:$0xA060]  }
0x50: {  	[tilespmem:$0xA160] =	vst v4  }
0x51: {  	v4 =	vld.idx.msk [tilespmem:v5+s24+$0x0], $0xffff;
	_ =	sdelay $0x4  }
0x52: {  	[tilespmem:$0xA1C0] =	vst v4  }
0x53: {  	v4 =	vld.idx.msk [tilespmem:v6+s5+$0x0], $0xffff;
	_ =	sdelay $0x4  }
0x54: {  	[tilespmem:$0xA0B0] =	vst v4  }
0x55: {  	v4 =	vld.idx.msk [tilespmem:v6+s7+$0x0], $0xffff;
	_ =	sdelay $0x4  }
0x56: {  	[tilespmem:$0xA110] =	vst v4  }
0x57: {  	v4 =	vld.idx.msk [tilespmem:v6+s8+$0x0], $0xffff;
	_ =	sdelay $0x3  }
0x58: {  	v5 =	vld [tilespmem:$0xA070]  }
0x59: {  	[tilespmem:$0xA170] =	vst v4  }
0x5a: {  	v4 =	vld.idx.msk [tilespmem:v6+s24+$0x0], $0xffff;
	_ =	sdelay $0x4  }
0x5b: {  	[tilespmem:$0xA1D0] =	vst v4  }
0x5c: {  	v4 =	vld.idx.msk [tilespmem:v5+s5+$0x0], $0xffff;
	_ =	sdelay $0x4  }
0x5d: {  	[tilespmem:$0xA0C0] =	vst v4  }
0x5e: {  	v4 =	vld.idx.msk [tilespmem:v5+s7+$0x0], $0xffff;
	_ =	sdelay $0x4  }
0x5f: {  	[tilespmem:$0xA120] =	vst v4  }
0x60: {  	v4 =	vld.idx.msk [tilespmem:v5+s8+$0x0], $0xffff;
	_ =	sdelay $0x4  }
0x61: {  	[tilespmem:$0xA180] =	vst v4  }
0x62: {  	v4 =	vld.idx.msk [tilespmem:v5+s24+$0x0], $0xffff;
	_ =	sdelay $0x4  }
0x63: {  	s12 =	simm.s32 $0xA080;
	s10 =	rddreg [dreg:$0xd];
	[tilespmem:$0xA1E0] =	vst v4  }
0x64: {  	[hbm4b:s10+s5] =	stream.linear.scatter [tilespmem:s12], [sflag:$0x3], $0x50, $0x38;
	[tilespmem:$0x12860] =	vst v63  }
0x65: {  	_ =	swait.ge [sflag:s21], $0x50  }
0x66: {  	[sflag:s21] =	ssyncset.done $0x0  }
0x67: {  	s15 =	simm.s32 $0xA0E0;
	s14 =	rddreg [dreg:$0xe];
	[sflag:s21] =	ssyncadd.s32 $0xFFFFFFB0  }
0x68: {  	[hbm4b:s14+s5] =	stream.linear.scatter [tilespmem:s15], [sflag:$0x3], $0x50, $0x38;
	[tilespmem:$0x12860] =	vst v63  }
0x69: {  	_ =	swait.ge [sflag:s21], $0x50  }
0x6a: {  	[sflag:s21] =	ssyncset.done $0x0  }
0x6b: {  	s17 =	simm.s32 $0xA140;
	s16 =	rddreg [dreg:$0xf];
	[sflag:s21] =	ssyncadd.s32 $0xFFFFFFB0  }
0x6c: {  	[hbm4b:s16+s5] =	stream.linear.scatter [tilespmem:s17], [sflag:$0x3], $0x50, $0x38;
	[tilespmem:$0x12860] =	vst v63  }
0x6d: {  	_ =	swait.ge [sflag:s21], $0x50  }
0x6e: {  	[sflag:s21] =	ssyncset.done $0x0  }
0x6f: {  	s19 =	simm.s32 $0xA1A0;
	s18 =	rddreg [dreg:$0x10];
	[sflag:s21] =	ssyncadd.s32 $0xFFFFFFB0  }
0x70: {  	[hbm4b:s18+s5] =	stream.linear.scatter [tilespmem:s19], [sflag:$0x3], $0x50, $0x38;
	[tilespmem:$0x12860] =	vst v63  }
0x71: {  	_ =	swait.ge [sflag:s21], $0x50  }
0x72: {  	[sflag:s21] =	ssyncset.done $0x0  }
0x73: {  	s22 =	simm.s32 $0x50;
	[sflag:s21] =	ssyncadd.s32 $0xFFFFFFB0  }
0x74: {  	s23 =	simm.s32 $0xA1F0;
	s25 =	simm.s32 $0x1;
	s20 =	rddreg [dreg:$0x3]  }
0x75: {  	[tilespmem:s23], [sflag:$0x1] =	stream.indirect.gather [hbm4b:s20+s22], $0x80, s9, s22, $0xb8;
	[tilespmem:$0x12860] =	vst v63  }
0x76: {  	_ =	swait.ge [sflag:s25], $0x2800  }
0x77: {  	[sflag:s25] =	ssyncset.done $0x0  }
0x78: {  	s26 =	rddreg [dreg:$0x11];
	[sflag:s25] =	ssyncadd.s32 $0xFFFFD800  }
0x79: {  	[hbm4b:s26+s5] =	stream.linear.scatter [tilespmem:s23], [sflag:$0x3], $0x2800, $0x38;
	[tilespmem:$0x12860] =	vst v63  }
0x7a: {  	_ =	swait.ge [sflag:s21], $0x2800  }
.Ltmp0:
0x7b: {  	[sflag:s21] =	ssyncset.done $0x0;
	(pc) =	sbr.rel .LBB2_2-.Ltmp0, $4  }
0x7c: {  	[sflag:s21] =	ssyncadd.s32 $0xFFFFD800  }
0x7d: {  	v4 =	vld [tilespmem:$0x12830]  }
0x7e: {  	v5 =	vld [tilespmem:$0x12840]  }
0x7f: {  	s25 =	simm.s32 $0x0;
	v6 =	vld [tilespmem:$0x12850]  }
.LBB2_7:
0x80: {  	s7 =	simm.s32 $0x0  }
.LBB2_8:
0x81: {  	v2 =	vld [tilespmem:$0xCD70]  }
0x82: {  	v7 =	vld [tilespmem:$0xCD80]  }
0x83: {  	v8 =	vld [tilespmem:$0xCD90]  }
0x84: {  	v9 =	vld [tilespmem:$0xCDA0];
	_ =	sdelay $0x1  }
0x85: {  	[tilespmem:$0xCF70] =	vst v2  }
0x86: {  	[tilespmem:$0xCF80] =	vst v7  }
0x87: {  	[tilespmem:$0xCF90] =	vst v8  }
0x88: {  	[tilespmem:$0xCFA0] =	vst v9  }
.LBB2_21:
0x89: {  	v2 =	vmov s25;
	_ =	sdelay $0x1  }
0x8a: {  	p0 =	slt.s32 s7, $0x40  }
0x8b: {  	s7 =	simm.s32 @!p0 $0x40  }
0x8c: {  	v7 =	vmov s7  }
0x8d: {  	[tilespmem:v2+s30+$0x0] =	vst.idx.msk $0x1, v7  }
0x8e: {  	v2 =	vld [tilespmem:$0xCF70];
	_ =	sdelay $0x2  }
0x8f: {  	s3 =	sshll.u32 s25, $0x6  }
0x90: {  	s3 =	sand.u32 $0x3FFFFFC0, s3  }
0x91: {  	[tilespmem:s3+$0xCFC0] =	vst v2  }
0x92: {  	v2 =	vld [tilespmem:$0xCF80];
	_ =	sdelay $0x4  }
0x93: {  	[tilespmem:s3+$0xCFD0] =	vst v2  }
0x94: {  	v2 =	vld [tilespmem:$0xCF90];
	_ =	sdelay $0x4  }
0x95: {  	s25 =	sadd.s32 $0x1, s25;
	[tilespmem:s3+$0xCFE0] =	vst v2  }
0x96: {  	p0 =	sne.s32 s25, $0x50;
	v2 =	vld [tilespmem:$0xCFA0]  }
.Ltmp1:
0x97: {  	_ = 	snop;
	(pc) =	sbr.rel @!p0 .LBB2_22-.Ltmp1, $2  }
0x98: {  	_ =	sdelay $0x2  }
0x99: {  	[tilespmem:s3+$0xCFF0] =	vst v2  }
.LBB2_2:
0x9a: {  	v7 =	vld.msk [tilespmem:s25+$0xA080 ss:$0x0], $0xffff  }
0x9b: {  	v8 =	vld.msk [tilespmem:s25+$0xA0E0 ss:$0x0], $0xffff  }
0x9c: {  	v9 =	vld.msk [tilespmem:s25+$0xA140 ss:$0x0], $0xffff;
	[tilespmem:$0xCD70] =	vst v0  }
0x9d: {  	[tilespmem:$0xCD80] =	vst v0  }
0x9e: {  	[tilespmem:$0xCD90] =	vst v0  }
0x9f: {  	[tilespmem:$0xCDA0] =	vst v0  }
0xa0: {  	[tilespmem:$0xCF70] =	vst v0  }
0xa1: {  	[tilespmem:$0xCF80] =	vst v0  }
0xa2: {  	[tilespmem:$0xCF90] =	vst v0  }
0xa3: {  	[tilespmem:$0xCFA0] =	vst v0  }
0xa4: {  	[tilespmem:$0xCFB0] =	vst v0;
	s3 =	simm.s32 $0x0  }
0xa5: {  	v10 =	vld [tilespmem:s3+$0x5110]  }
0xa6: {  	v11 =	vld [tilespmem:s3+$0x5100]  }
0xa7: {  	v12 =	vld [tilespmem:s3+$0x50F0]  }
0xa8: {  	v13 =	vld [tilespmem:s3+$0xF0]  }
0xa9: {  	v14 =	vld [tilespmem:s3+$0x2900]  }
0xaa: {  	v15 =	vld [tilespmem:s3+$0x50E0]  }
0xab: {  	v16 =	vld [tilespmem:s3+$0xE0]  }
0xac: {  	v17 =	vld [tilespmem:s3+$0x28F0]  }
0xad: {  	v18 =	vld [tilespmem:s3+$0x50D0]  }
0xae: {  	v19 =	vld [tilespmem:s3+$0xD0]  }
0xaf: {  	v20 =	vld [tilespmem:s3+$0x28E0]  }
0xb0: {  	v21 =	vld [tilespmem:s3+$0x50C0]  }
0xb1: {  	v22 =	vld [tilespmem:s3+$0xC0]  }
0xb2: {  	v23 =	vld [tilespmem:s3+$0x28D0]  }
0xb3: {  	v24 =	vld [tilespmem:s3+$0x50B0]  }
0xb4: {  	v25 =	vld [tilespmem:s3+$0xB0]  }
0xb5: {  	v26 =	vld [tilespmem:s3+$0x28C0]  }
0xb6: {  	v27 =	vld [tilespmem:s3+$0x50A0]  }
0xb7: {  	v28 =	vld [tilespmem:s3+$0xA0]  }
0xb8: {  	v29 =	vld [tilespmem:s3+$0x28B0]  }
0xb9: {  	v30 =	vld [tilespmem:s3+$0x5090];
	v10 =	vsub.f32 v10, v9  }
0xba: {  	v31 =	vld [tilespmem:s3+$0x90];
	v12 =	vsub.f32 v12, v9;
	v11 =	vsub.f32 v11, v9  }
0xbb: {  	v32 =	vld [tilespmem:s3+$0x28A0];
	v13 =	vsub.f32 v13, v7;
	v14 =	vsub.f32 v14, v8  }
0xbc: {  	v33 =	vld [tilespmem:s3+$0x5080];
	v15 =	vsub.f32 v15, v9;
	v16 =	vsub.f32 v16, v7  }
0xbd: {  	v34 =	vld [tilespmem:s3+$0x80];
	v18 =	vsub.f32 v18, v9;
	v17 =	vsub.f32 v17, v8  }
0xbe: {  	v35 =	vld [tilespmem:s3+$0x2890];
	v19 =	vsub.f32 v19, v7;
	v20 =	vsub.f32 v20, v8  }
0xbf: {  	v36 =	vld [tilespmem:s3+$0x5070];
	v21 =	vsub.f32 v21, v9;
	v22 =	vsub.f32 v22, v7  }
0xc0: {  	v37 =	vld [tilespmem:s3+$0x70];
	v24 =	vsub.f32 v24, v9;
	v23 =	vsub.f32 v23, v8  }
0xc1: {  	v38 =	vld [tilespmem:s3+$0x2880];
	v25 =	vsub.f32 v25, v7;
	v26 =	vsub.f32 v26, v8  }
0xc2: {  	v39 =	vld [tilespmem:s3+$0x5060];
	v27 =	vsub.f32 v27, v9;
	v28 =	vsub.f32 v28, v7  }
0xc3: {  	v40 =	vld [tilespmem:s3+$0x60];
	v30 =	vsub.f32 v30, v9;
	v29 =	vsub.f32 v29, v8  }
0xc4: {  	v41 =	vld [tilespmem:s3+$0x2870];
	v31 =	vsub.f32 v31, v7;
	v32 =	vsub.f32 v32, v8  }
0xc5: {  	v42 =	vld [tilespmem:s3+$0x5050];
	v33 =	vsub.f32 v33, v9;
	v34 =	vsub.f32 v34, v7  }
0xc6: {  	v43 =	vld [tilespmem:s3+$0x50];
	v36 =	vsub.f32 v36, v9;
	v35 =	vsub.f32 v35, v8  }
0xc7: {  	v44 =	vld [tilespmem:s3+$0x2860];
	v37 =	vsub.f32 v37, v7;
	v38 =	vsub.f32 v38, v8  }
0xc8: {  	v45 =	vld [tilespmem:s3+$0x5040];
	v39 =	vsub.f32 v39, v9;
	v40 =	vsub.f32 v40, v7  }
0xc9: {  	v46 =	vld [tilespmem:s3+$0x40];
	v41 =	vsub.f32 v41, v8;
	v47 =	vmul.f32 v11, v11;
	v11 =	vmul.f32 v10, v10  }
0xca: {  	v48 =	vld [tilespmem:s3+$0x2850];
	v42 =	vsub.f32 v42, v9;
	v10 =	vmul.f32 v12, v12;
	v12 =	vmul.f32 v13, v13  }
0xcb: {  	v49 =	vld [tilespmem:s3+$0x5030];
	v43 =	vsub.f32 v43, v7;
	v15 =	vmul.f32 v15, v15;
	v14 =	vmul.f32 v14, v14  }
0xcc: {  	v50 =	vld [tilespmem:s3+$0x30];
	v44 =	vsub.f32 v44, v8;
	v16 =	vmul.f32 v16, v16;
	v17 =	vmul.f32 v17, v17  }
0xcd: {  	v51 =	vld [tilespmem:s3+$0x2840];
	v45 =	vsub.f32 v45, v9;
	v18 =	vmul.f32 v18, v18;
	v19 =	vmul.f32 v19, v19  }
0xce: {  	v52 =	vld [tilespmem:s3+$0x20];
	v46 =	vsub.f32 v46, v7;
	v21 =	vmul.f32 v21, v21;
	v20 =	vmul.f32 v20, v20  }
0xcf: {  	v53 =	vld [tilespmem:s3+$0x2830];
	v48 =	vsub.f32 v48, v8;
	v22 =	vmul.f32 v22, v22;
	v23 =	vmul.f32 v23, v23  }
0xd0: {  	v54 =	vld [tilespmem:s3+$0x0];
	v49 =	vsub.f32 v49, v9;
	v24 =	vmul.f32 v24, v24;
	v25 =	vmul.f32 v25, v25  }
0xd1: {  	v55 =	vld [tilespmem:s3+$0x2810];
	v50 =	vsub.f32 v50, v7;
	v27 =	vmul.f32 v27, v27;
	v26 =	vmul.f32 v26, v26  }
0xd2: {  	v56 =	vld [tilespmem:s3+$0x10];
	v51 =	vsub.f32 v51, v8;
	v28 =	vmul.f32 v28, v28;
	v29 =	vmul.f32 v29, v29  }
0xd3: {  	v57 =	vld [tilespmem:s3+$0x2820];
	v52 =	vsub.f32 v52, v7;
	v31 =	vmul.f32 v31, v31;
	v32 =	vmul.f32 v32, v32  }
0xd4: {  	v53 =	vsub.f32 v53, v8;
	v34 =	vmul.f32 v34, v34;
	v35 =	vmul.f32 v35, v35  }
0xd5: {  	v54 =	vsub.f32 v54, v7;
	v37 =	vmul.f32 v37, v37;
	v38 =	vmul.f32 v38, v38  }
0xd6: {  	v55 =	vsub.f32 v55, v8;
	v40 =	vmul.f32 v40, v40;
	v41 =	vmul.f32 v41, v41  }
0xd7: {  	v56 =	vsub.f32 v56, v7;
	v43 =	vmul.f32 v43, v43;
	v44 =	vmul.f32 v44, v44  }
0xd8: {  	v57 =	vsub.f32 v57, v8;
	v46 =	vmul.f32 v46, v46;
	v48 =	vmul.f32 v48, v48  }
0xd9: {  	v50 =	vmul.f32 v50, v50;
	v51 =	vmul.f32 v51, v51;
	v16 =	vadd.f32 v17, v16  }
0xda: {  	v62 =	vmul.f32 v56, v56;
	v12 =	vadd.f32 v14, v12;
	v17 =	vadd.f32 v23, v22  }
0xdb: {  	v14 =	vmul.f32 v52, v52;
	v19 =	vadd.f32 v20, v19;
	v22 =	vadd.f32 v29, v28  }
0xdc: {  	v20 =	vmul.f32 v53, v53;
	v23 =	vadd.f32 v26, v25;
	v26 =	vadd.f32 v35, v34  }
0xdd: {  	v13 =	vld [tilespmem:s3+$0x5020];
	v25 =	vmul.f32 v54, v54;
	v28 =	vadd.f32 v32, v31;
	v31 =	vadd.f32 v41, v40  }
0xde: {  	v29 =	vmul.f32 v55, v55;
	v61 =	vadd.f32 v38, v37;
	v63 =	vadd.f32 v48, v46  }
0xdf: {  	v40 =	vadd.f32 v44, v43;
	v41 =	vmul.f32 v57, v57;
	v14 =	vadd.f32 v20, v14  }
0xe0: {  	s7 =	simm.s32 $0x100;
	v30 =	vmul.f32 v30, v30;
	v20 =	vadd.f32 v51, v50;
	v25 =	vadd.f32 v29, v25  }
0xe1: {  	v33 =	vmul.f32 v33, v33;
	v46 =	vld [tilespmem:s7+$0x5110];
	v29 =	vadd.f32 v41, v62;
	v16 =	vadd.f32 v47, v16  }
0xe2: {  	v36 =	vmul.f32 v36, v36;
	v53 =	vld [tilespmem:s7+$0x28D0];
	v26 =	vadd.f32 v27, v26;
	v13 =	vsub.f32 v13, v9  }
0xe3: {  	v43 =	vmul.f32 v49, v49;
	v55 =	vld [tilespmem:s7+$0x50B0];
	v24 =	vadd.f32 v24, v28;
	v21 =	vadd.f32 v21, v22  }
0xe4: {  	v18 =	vadd.f32 v18, v23;
	v15 =	vadd.f32 v15, v17;
	v13 =	vmul.f32 v13, v13  }
0xe5: {  	v44 =	vmul.f32 v45, v45;
	v47 =	vld [tilespmem:s7+$0x50F0];
	v11 =	vadd.f32 v11, v12;
	v10 =	vadd.f32 v10, v19  }
0xe6: {  	v45 =	vmul.f32 v39, v39;
	v49 =	vld [tilespmem:s7+$0xF0];
	v29 =	vadd.f32 v43, v29;
	v13 =	vadd.f32 v13, v25  }
0xe7: {  	v58 =	vld [tilespmem:s7+$0x28A0];
	v14 =	vadd.f32 v44, v14;
	v38 =	vsub.f32 v46, v9;
	v25 =	vmul.f32 v42, v42  }
0xe8: {  	v32 =	vsub.f32 v55, v9;
	v35 =	vsub.f32 v53, v8;
	vm1 =	vle.f32 v13, $9.999999770e-03  }
0xe9: {  	v56 =	vld [tilespmem:s7+$0xB0];
	v13 =	vadd.f32 v25, v20;
	v25 =	vmpcnt.ones.xlane vm1;
	vm1 =	vle.f32 v29, $9.999999770e-03  }
0xea: {  	v34 =	vsub.f32 v47, v9;
	v29 =	vadd.f32 v45, v63;
	v48 =	vmpcnt.ones.xlane vm1  }
0xeb: {  	vm1 =	vle.f32 v14, $9.999999770e-03;
	v14 =	vadd.f32 v36, v40;
	v36 =	vsub.f32 v49, v7  }
0xec: {  	v40 =	vsub.f32 v58, v8;
	v58 =	vmul.f32 v35, v35;
	v50 =	vmpcnt.ones.xlane vm1  }
0xed: {  	vm1 =	vle.f32 v13, $9.999999770e-03;
	v13 =	vadd.f32 v33, v31;
	v25 =	vnsel vm0, $0x0, v25  }
0xee: {  	v2 =	vld [tilespmem:$0x1FFE0];
	v33 =	vsub.f32 v56, v7;
	v51 =	vmpcnt.ones.xlane vm1;
	vm1 =	vle.f32 v29, $9.999999770e-03  }
0xef: {  	v20 =	vld [tilespmem:s7+$0x5100];
	v29 =	vadd.f32 v30, v61;
	v52 =	vsel vm4, $0x0, v48;
	vm4 =	vle.f32 v10, $9.999999770e-03  }
0xf0: {  	v31 =	vld [tilespmem:s7+$0x2900];
	v55 =	vmul.f32 v40, v40;
	v30 =	vmpcnt.ones.xlane vm1;
	vm1 =	vle.f32 v14, $9.999999770e-03  }
0xf1: {  	v14 =	vld [tilespmem:s7+$0x50E0];
	v10 =	vadd.s32 v25, v52;
	v25 =	vsel vm11, $0x0, v50;
	v57 =	vmpcnt.ones.xlane vm4  }
0xf2: {  	v27 =	vmpcnt.ones.xlane vm1;
	vm1 =	vle.f32 v13, $9.999999770e-03;
	v13 =	vld [tilespmem:s7+$0xE0];
	v10 =	vadd.s32 v25, v10  }
0xf3: {  	v25 =	vsel vm12, $0x0, v51;
	v28 =	vmpcnt.ones.xlane vm1;
	vm1 =	vle.f32 v29, $9.999999770e-03;
	v29 =	vld [tilespmem:s7+$0x28F0]  }
0xf4: {  	vm4 =	vle.f32 v16, $9.999999770e-03;
	v20 =	vsub.f32 v20, v9;
	v10 =	vadd.s32 v25, v10;
	v25 =	vld [tilespmem:s7+$0x28C0]  }
0xf5: {  	v16 =	vsel vm13, $0x0, v30;
	v22 =	vmpcnt.ones.xlane vm1;
	vm1 =	vle.f32 v26, $9.999999770e-03;
	v26 =	vld [tilespmem:s7+$0x50D0]  }
0xf6: {  	v30 =	vmpcnt.ones.xlane vm4;
	v10 =	vadd.s32 v16, v10;
	v16 =	vsel vm10, $0x0, v27;
	v27 =	vld [tilespmem:s7+$0x50A0]  }
0xf7: {  	vm4 =	vle.f32 v11, $9.999999770e-03;
	v23 =	vmpcnt.ones.xlane vm1;
	vm1 =	vle.f32 v24, $9.999999770e-03;
	v24 =	vld [tilespmem:s7+$0xD0]  }
0xf8: {  	v31 =	vsub.f32 v31, v8;
	v10 =	vadd.s32 v16, v10;
	v11 =	vsel vm9, $0x0, v28;
	v16 =	vld [tilespmem:s7+$0xA0]  }
0xf9: {  	v28 =	vmpcnt.ones.xlane vm4;
	v17 =	vmpcnt.ones.xlane vm1;
	vm1 =	vle.f32 v21, $9.999999770e-03;
	v21 =	vld [tilespmem:s7+$0x28E0]  }
0xfa: {  	v10 =	vadd.s32 v11, v10;
	v11 =	vsel vm8, $0x0, v22;
	v22 =	vld [tilespmem:s7+$0x28B0];
	v59 =	vsub.f32 v14, v9  }
0xfb: {  	v14 =	vld [tilespmem:s7+$0x2890];
	v31 =	vmul.f32 v31, v31;
	v12 =	vmpcnt.ones.xlane vm1;
	vm1 =	vle.f32 v18, $9.999999770e-03  }
0xfc: {  	v18 =	vld [tilespmem:s7+$0x50C0];
	v10 =	vadd.s32 v11, v10;
	v11 =	vsel vm7, $0x0, v23;
	v60 =	vsub.f32 v13, v7  }
0xfd: {  	v23 =	vld [tilespmem:s7+$0x5090];
	v19 =	vmpcnt.ones.xlane vm1;
	vm1 =	vle.f32 v15, $9.999999770e-03;
	v10 =	vadd.s32 v11, v10  }
0xfe: {  	v13 =	vld [tilespmem:s7+$0x80];
	v17 =	vsel vm6, $0x0, v17;
	v29 =	vsub.f32 v29, v8;
	v39 =	vsub.f32 v25, v8  }
0xff: {  	v15 =	vld [tilespmem:s7+$0xC0];
	v54 =	vmpcnt.ones.xlane vm1;
	v10 =	vadd.s32 v17, v10;
	v12 =	vsel vm5, $0x0, v12  }
0x100: {  	v11 =	vld [tilespmem:s7+$0x90];
	v26 =	vsub.f32 v26, v9;
	v27 =	vsub.f32 v27, v9;
	vm5 =	vnez.u8 v2  }
0x101: {  	v25 =	vld [tilespmem:s7+$0x60];
	v42 =	vmul.f32 v60, v60;
	v10 =	vadd.s32 v12, v10;
	v24 =	vsub.f32 v24, v7  }
0x102: {  	v17 =	vld [tilespmem:s7+$0x5080];
	v12 =	vsel vm14, $0x0, v19;
	v46 =	vsub.f32 v16, v7;
	v16 =	vsel vm2, $0x0, v57  }
0x103: {  	v60 =	vld [tilespmem:s7+$0x2840];
	v29 =	vmul.f32 v29, v29;
	v61 =	vsub.f32 v21, v8;
	v10 =	vadd.s32 v12, v10  }
0x104: {  	v19 =	vld [tilespmem:s7+$0x5070];
	v12 =	vsel vm15, $0x0, v54;
	v37 =	vsub.f32 v22, v8;
	v22 =	vsel vm3, $0x0, v30  }
0x105: {  	v21 =	vld [tilespmem:s7+$0x5060];
	v48 =	vsub.f32 v14, v8;
	v14 =	vsel vm5, $0x0, v28;
	v62 =	vsub.f32 v18, v9  }
0x106: {  	v18 =	vld [tilespmem:s7+$0x2880];
	v12 =	vadd.s32 v12, v10;
	v10 =	vsub.f32 v23, v9;
	v30 =	vsub.f32 v13, v7  }
0x107: {  	v23 =	vld [tilespmem:s7+$0x5050];
	v46 =	vmul.f32 v46, v46;
	v63 =	vsub.f32 v15, v7;
	v12 =	vadd.s32 v16, v12  }
0x108: {  	v15 =	vld [tilespmem:s7+$0x70];
	v47 =	vsub.f32 v11, v7;
	v52 =	vsub.f32 v25, v7;
	v43 =	vmul.f32 v61, v61  }
0x109: {  	v16 =	vld [tilespmem:s7+$0x2870];
	v37 =	vmul.f32 v37, v37;
	v44 =	vmul.f32 v48, v48;
	v11 =	vsub.f32 v17, v9  }
0x10a: {  	v25 =	vld [tilespmem:s7+$0x40];
	v13 =	vadd.s32 v22, v12;
	v17 =	vmul.f32 v20, v20;
	v20 =	vmul.f32 v59, v59  }
0x10b: {  	v61 =	vld [tilespmem:s7+$0x20];
	v59 =	vmul.f32 v39, v39;
	v30 =	vmul.f32 v30, v30;
	v12 =	vsub.f32 v19, v9  }
0x10c: {  	v22 =	vld [tilespmem:s7+$0x50];
	v51 =	vadd.s32 v14, v13;
	v45 =	vmul.f32 v63, v63;
	v47 =	vmul.f32 v47, v47  }
0x10d: {  	v19 =	vld [tilespmem:s7+$0x2860];
	v52 =	vmul.f32 v52, v52;
	v13 =	vsub.f32 v21, v9;
	v30 =	vadd.f32 v44, v30  }
0x10e: {  	v63 =	vld [tilespmem:s7+$0x0];
	v50 =	vsub.f32 v18, v8;
	v18 =	vmul.f32 v38, v38;
	v14 =	vsub.f32 v23, v9  }
0x10f: {  	v23 =	vld [tilespmem:s7+$0x2850];
	v49 =	vsub.f32 v15, v7;
	v53 =	vsub.f32 v16, v8;
	v16 =	vmul.f32 v34, v34  }
0x110: {  	v38 =	vld [tilespmem:s7+$0x5030];
	v34 =	vmul.f32 v36, v36;
	v56 =	vsub.f32 v25, v7;
	v40 =	vsub.f32 v61, v7  }
0x111: {  	v54 =	vld [tilespmem:s7+$0x30];
	v36 =	vsub.f32 v22, v7;
	v22 =	vmul.f32 v32, v32;
	v32 =	vmul.f32 v33, v33  }
0x112: {  	v15 =	vld [tilespmem:s7+$0x5040];
	v41 =	vsub.f32 v19, v8;
	v19 =	vmul.f32 v62, v62;
	v48 =	vmul.f32 v49, v49  }
0x113: {  	v28 =	vld [tilespmem:s7+$0x5020];
	v49 =	vmul.f32 v50, v50;
	v50 =	vsub.f32 v63, v7;
	v53 =	vmul.f32 v53, v53  }
0x114: {  	v39 =	vld [tilespmem:s7+$0x10];
	v56 =	vmul.f32 v56, v56;
	v35 =	vadd.f32 v31, v34;
	v34 =	vadd.f32 v58, v45  }
0x115: {  	v62 =	vld [tilespmem:s7+$0x2830];
	v36 =	vmul.f32 v36, v36;
	v57 =	vsub.f32 v23, v8;
	v25 =	vsub.f32 v38, v9  }
0x116: {  	v23 =	vmul.f32 v27, v27;
	v38 =	vsub.f32 v54, v7;
	v54 =	vsub.f32 v60, v8  }
0x117: {  	v27 =	vld [tilespmem:s7+$0x2810];
	v61 =	vmul.f32 v41, v41;
	v21 =	vsub.f32 v15, v9;
	v15 =	vmul.f32 v26, v26  }
0x118: {  	v26 =	vmul.f32 v24, v24;
	v24 =	vsub.f32 v28, v9;
	v28 =	vadd.f32 v29, v42;
	v29 =	vld [tilespmem:s7+$0x2820]  }
0x119: {  	v40 =	vmul.f32 v40, v40;
	v31 =	vadd.f32 v49, v48;
	v36 =	vadd.f32 v61, v36  }
0x11a: {  	v57 =	vmul.f32 v57, v57;
	v42 =	vsub.f32 v62, v8;
	v62 =	vsub.f32 v39, v7  }
0x11b: {  	v38 =	vmul.f32 v38, v38;
	v33 =	vadd.f32 v43, v26;
	v26 =	vadd.f32 v59, v32  }
0x11c: {  	v39 =	vmul.f32 v54, v54;
	v32 =	vadd.f32 v53, v52;
	v60 =	vsub.f32 v27, v8  }
0x11d: {  	v41 =	vmul.f32 v42, v42;
	v42 =	vmul.f32 v50, v50;
	v63 =	vsub.f32 v29, v8  }
0x11e: {  	s8 =	simm.s32 $0xC9F0;
	v27 =	vadd.f32 v37, v46;
	v44 =	vmul.f32 v62, v62;
	v37 =	vadd.f32 v57, v56  }
0x11f: {  	s10 =	simm.s32 $0x800;
	s9 =	simm.s32 $0xC9F0;
	[tilespmem:s8+$0x0] =	vst v51;
	s7 =	simm.s32 $0x0;
	v29 =	vadd.f32 v55, v47;
	v43 =	vmul.f32 v60, v60;
	v45 =	vmul.f32 v63, v63  }
.LBB2_3:
0x120: {  	v10 =	vmul.f32 v10, v10;
	v12 =	vmul.f32 v12, v12  }
0x121: {  	v13 =	vmul.f32 v13, v13;
	v21 =	vmul.f32 v21, v21  }
0x122: {  	v24 =	vmul.f32 v24, v24;
	v25 =	vmul.f32 v25, v25;
	v18 =	vadd.f32 v18, v35  }
0x123: {  	v2 =	vimm.s32 $0x0;
	vm3 =	vmmov vm10;
	vm4 =	vmmov vm9  }
0x124: {  	vm5 =	vmmov vm8;
	v20 =	vadd.f32 v20, v34;
	vm0 =	vle.f32 v18, $9.999999770e-03  }
0x125: {  	vm1 =	vmmov vm14;
	vm14 =	vmmov vm12;
	v2 =	vsel vm0, $0xFFFFFFFF, v2  }
0x126: {  	v16 =	vadd.f32 v16, v33;
	vm0 =	vle.f32 v20, $9.999999770e-03;
	[tilespmem:$0x1FFD0] =	vst v2;
	v2 =	vimm.s32 $0x0  }
0x127: {  	v40 =	vadd.f32 v41, v40;
	v38 =	vadd.f32 v39, v38;
	v2 =	vsel vm0, $0xFFFFFFFF, v2  }
0x128: {  	v17 =	vadd.f32 v17, v28;
	vm0 =	vle.f32 v16, $9.999999770e-03;
	[tilespmem:$0x1FFA0] =	vst v2;
	v2 =	vimm.s32 $0x0  }
0x129: {  	v49 =	vadd.f32 v43, v42;
	v50 =	vadd.f32 v45, v44;
	v2 =	vsel vm0, $0xFFFFFFFF, v2  }
0x12a: {  	v19 =	vadd.f32 v19, v27;
	vm0 =	vle.f32 v17, $9.999999770e-03;
	[tilespmem:$0x1FFB0] =	vst v2;
	v2 =	vimm.s32 $0x0  }
0x12b: {  	v11 =	vmul.f32 v11, v11;
	v14 =	vmul.f32 v14, v14;
	v2 =	vsel vm0, $0xFFFFFFFF, v2  }
0x12c: {  	v15 =	vadd.f32 v15, v26;
	vm0 =	vle.f32 v19, $9.999999770e-03;
	[tilespmem:$0x1FFC0] =	vst v2;
	v2 =	vimm.s32 $0x0  }
0x12d: {  	v23 =	vadd.f32 v23, v30;
	v22 =	vadd.f32 v22, v29;
	v2 =	vsel vm0, $0xFFFFFFFF, v2  }
0x12e: {  	v10 =	vadd.f32 v10, v31;
	vm0 =	vle.f32 v15, $9.999999770e-03;
	[tilespmem:$0x1FF80] =	vst v2;
	v2 =	vimm.s32 $0x0  }
0x12f: {  	v13 =	vadd.f32 v13, v37;
	v12 =	vadd.f32 v12, v36;
	v2 =	vsel vm0, $0xFFFFFFFF, v2  }
0x130: {  	vm2 =	vmmov vm15;
	v11 =	vadd.f32 v11, v32;
	v21 =	vadd.f32 v21, v40;
	[tilespmem:$0x1FF90] =	vst v2;
	v2 =	vld [tilespmem:$0x1FFF0]  }
0x131: {  	vm15 =	vmmov vm13;
	v14 =	vadd.f32 v14, v38;
	v24 =	vadd.f32 v24, v49  }
0x132: {  	v25 =	vadd.f32 v25, v50;
	vm7 =	vle.f32 v22, $9.999999770e-03;
	vm9 =	vle.f32 v10, $9.999999770e-03  }
0x133: {  	vm13 =	vle.f32 v12, $9.999999770e-03;
	vm0 =	vmmov vm11;
	vm11 =	vle.f32 v24, $9.999999770e-03  }
0x134: {  	vm10 =	vle.f32 v11, $9.999999770e-03;
	vm12 =	vle.f32 v25, $9.999999770e-03;
	v12 =	vmpcnt.ones.xlane vm11  }
0x135: {  	v17 =	vmpcnt.ones.xlane vm12;
	vm11 =	vle.f32 v21, $9.999999770e-03;
	vm6 =	vnez.u8 v2  }
0x136: {  	v20 =	vmpcnt.ones.xlane vm11;
	v12 =	vnsel vm6, $0x0, v12;
	vm6 =	vcmask $0x308  }
0x137: {  	vm12 =	vle.f32 v13, $9.999999770e-03;
	vm11 =	vle.f32 v14, $9.999999770e-03;
	v2 =	vld [tilespmem:$0x1FF80];
	v14 =	vsel vm6, $0x0, v17  }
0x138: {  	v17 =	vmpcnt.ones.xlane vm11;
	v12 =	vadd.s32 v12, v14;
	v14 =	vsel vm0, $0x0, v20  }
0x139: {  	v20 =	vmpcnt.ones.xlane vm12;
	vm12 =	vmmov vm14;
	v12 =	vadd.s32 v14, v12  }
0x13a: {  	v14 =	vsel vm12, $0x0, v17;
	v17 =	vmpcnt.ones.xlane vm13;
	vm13 =	vmmov vm15  }
0x13b: {  	vm11 =	vmmov vm0;
	v12 =	vadd.s32 v14, v12;
	v14 =	vsel vm13, $0x0, v20  }
0x13c: {  	v20 =	vmpcnt.ones.xlane vm10;
	vm10 =	vmmov vm3;
	vm0 =	vnez.u8 v2;
	v2 =	vld [tilespmem:$0x1FF90]  }
0x13d: {  	v12 =	vadd.s32 v14, v12;
	v14 =	vsel vm10, $0x0, v17;
	v17 =	vmpcnt.ones.xlane vm9  }
0x13e: {  	vm8 =	vle.f32 v23, $9.999999770e-03;
	v12 =	vadd.s32 v14, v12;
	v14 =	vsel vm4, $0x0, v20  }
0x13f: {  	v20 =	vmpcnt.ones.xlane vm8;
	v12 =	vadd.s32 v14, v12;
	v14 =	vsel vm5, $0x0, v17  }
0x140: {  	v17 =	vmpcnt.ones.xlane vm7;
	vm7 =	vcmask $0x1F24;
	v12 =	vadd.s32 v14, v12  }
0x141: {  	v14 =	vsel vm7, $0x0, v20;
	v20 =	vmpcnt.ones.xlane vm0;
	vm0 =	vnez.u8 v2;
	v2 =	vld [tilespmem:$0x1FFA0]  }
0x142: {  	s12 =	sshra.s32 s10, $0x2  }
0x143: {  	v26 =	vld [tilespmem:s12+$0xC0]  }
0x144: {  	v27 =	vld [tilespmem:s12+$0x28D0]  }
0x145: {  	v28 =	vld [tilespmem:s12+$0x50B0];
	vm6 =	vcmask $0x2328;
	v12 =	vadd.s32 v14, v12  }
0x146: {  	v14 =	vsel vm6, $0x0, v17;
	v17 =	vmpcnt.ones.xlane vm0;
	vm0 =	vnez.u8 v2;
	v2 =	vld [tilespmem:$0x1FFB0]  }
0x147: {  	v29 =	vld [tilespmem:s12+$0xB0]  }
0x148: {  	v30 =	vld [tilespmem:s12+$0x28C0]  }
0x149: {  	v51 =	vld [tilespmem:s12+$0xA0]  }
0x14a: {  	v52 =	vld [tilespmem:s12+$0x28B0];
	vm8 =	vmmov vm5;
	vm5 =	vcmask $0x272C;
	v12 =	vadd.s32 v14, v12  }
0x14b: {  	v14 =	vsel vm5, $0x0, v20;
	v20 =	vmpcnt.ones.xlane vm0;
	vm0 =	vnez.u8 v2;
	v2 =	vld [tilespmem:$0x1FFC0]  }
0x14c: {  	v31 =	vld [tilespmem:s12+$0x50A0]  }
0x14d: {  	v18 =	vld [tilespmem:s12+$0x5110]  }
0x14e: {  	v22 =	vld [tilespmem:s12+$0x50D0]  }
0x14f: {  	v23 =	vld [tilespmem:s12+$0xD0];
	v12 =	vadd.s32 v14, v12  }
0x150: {  	v14 =	vsel vm1, $0x0, v17;
	v17 =	vmpcnt.ones.xlane vm0;
	vm0 =	vnez.u8 v2;
	v2 =	vld [tilespmem:$0x1FFD0]  }
0x151: {  	v10 =	vld [tilespmem:s12+$0xF0]  }
0x152: {  	v11 =	vld [tilespmem:s12+$0x2900]  }
0x153: {  	v25 =	vld [tilespmem:s12+$0x50C0]  }
0x154: {  	v16 =	vld [tilespmem:s12+$0x5100];
	vm15 =	vmmov vm2;
	v12 =	vadd.s32 v14, v12  }
0x155: {  	v14 =	vsel vm15, $0x0, v20;
	v20 =	vmpcnt.ones.xlane vm0;
	vm0 =	vnez.u8 v2;
	v2 =	vld [tilespmem:$0x1FFE0]  }
0x156: {  	v13 =	vld [tilespmem:s12+$0xE0]  }
0x157: {  	v19 =	vld [tilespmem:s12+$0x50E0]  }
0x158: {  	v15 =	vld [tilespmem:s12+$0x50F0];
	vm2 =	vcmask $0x3338;
	vm3 =	vcmask $0x373C  }
0x159: {  	v24 =	vld [tilespmem:s12+$0x28E0];
	v12 =	vadd.s32 v14, v12;
	v14 =	vsel vm2, $0x0, v17;
	v17 =	vmpcnt.ones.xlane vm0  }
0x15a: {  	v21 =	vld [tilespmem:s12+$0x28F0];
	v12 =	vadd.s32 v14, v12;
	v14 =	vsel vm3, $0x0, v20;
	vm0 =	vnez.u8 v2  }
0x15b: {  	v20 =	vld [tilespmem:s12+$0x5090];
	v12 =	vadd.s32 v14, v12;
	v14 =	vsel vm0, $0x0, v17  }
0x15c: {  	s9 =	sadd.s32 $0x10, s9;
	v26 =	vsub.f32 v26, v7;
	v28 =	vsub.f32 v28, v9;
	v17 =	vld [tilespmem:s12+$0x90];
	v12 =	vadd.s32 v14, v12  }
0x15d: {  	v27 =	vsub.f32 v27, v8;
	v29 =	vsub.f32 v29, v7;
	v14 =	vld [tilespmem:s12+$0x28A0];
	[tilespmem:s9+$0x0] =	vst v12  }
0x15e: {  	v30 =	vsub.f32 v30, v8;
	v62 =	vsub.f32 v11, v8;
	v11 =	vld [tilespmem:s12+$0x5080]  }
0x15f: {  	v32 =	vsub.f32 v51, v7;
	v33 =	vsub.f32 v52, v8;
	v12 =	vld [tilespmem:s12+$0x80]  }
0x160: {  	v31 =	vsub.f32 v31, v9;
	v63 =	vsub.f32 v13, v7;
	v13 =	vld [tilespmem:s12+$0x2890]  }
0x161: {  	v18 =	vsub.f32 v18, v9;
	v53 =	vsub.f32 v10, v7;
	v54 =	vld [tilespmem:s12+$0x5070]  }
0x162: {  	v22 =	vsub.f32 v22, v9;
	v26 =	vmul.f32 v26, v26;
	v27 =	vmul.f32 v27, v27;
	v55 =	vld [tilespmem:s12+$0x70]  }
0x163: {  	v23 =	vsub.f32 v23, v7;
	v34 =	vmul.f32 v53, v53;
	v35 =	vmul.f32 v62, v62;
	v56 =	vld [tilespmem:s12+$0x2880]  }
0x164: {  	v29 =	vmul.f32 v29, v29;
	v30 =	vmul.f32 v30, v30;
	v25 =	vsub.f32 v25, v9;
	v57 =	vld [tilespmem:s12+$0x5060]  }
0x165: {  	v32 =	vmul.f32 v32, v32;
	v16 =	vsub.f32 v16, v9;
	v35 =	vadd.f32 v35, v34;
	v58 =	vld [tilespmem:s12+$0x60]  }
0x166: {  	v18 =	vmul.f32 v18, v18;
	v34 =	vadd.f32 v27, v26;
	v10 =	vsub.f32 v20, v9;
	v20 =	vld [tilespmem:s12+$0x2870]  }
0x167: {  	v53 =	vmul.f32 v23, v23;
	v26 =	vadd.f32 v30, v29;
	v19 =	vsub.f32 v19, v9;
	v59 =	vld [tilespmem:s12+$0x50]  }
0x168: {  	v23 =	vmul.f32 v31, v31;
	v15 =	vsub.f32 v15, v9;
	v21 =	vsub.f32 v21, v8;
	v46 =	vld [tilespmem:s12+$0x2860]  }
0x169: {  	v36 =	vmul.f32 v63, v63;
	v24 =	vsub.f32 v24, v8;
	v47 =	vld [tilespmem:s12+$0x5040];
	v42 =	vsub.f32 v17, v7  }
0x16a: {  	v52 =	vmul.f32 v21, v21;
	v61 =	vld [tilespmem:s12+$0x40];
	v43 =	vsub.f32 v14, v8;
	v11 =	vsub.f32 v11, v9  }
0x16b: {  	vm14 =	vmmov vm1;
	v49 =	vld [tilespmem:s12+$0x2850];
	v44 =	vsub.f32 v12, v7;
	v12 =	vsub.f32 v54, v9  }
0x16c: {  	v50 =	vld [tilespmem:s12+$0x5020];
	v17 =	vmul.f32 v16, v16;
	v60 =	vsub.f32 v13, v8;
	v38 =	vsub.f32 v55, v7  }
0x16d: {  	v51 =	vld [tilespmem:s12+$0x5030];
	v16 =	vmul.f32 v15, v15;
	v39 =	vsub.f32 v56, v8;
	v13 =	vsub.f32 v57, v9  }
0x16e: {  	v62 =	vld [tilespmem:s12+$0x30];
	v15 =	vmul.f32 v22, v22;
	v40 =	vsub.f32 v58, v7;
	v48 =	vsub.f32 v20, v8  }
0x16f: {  	v63 =	vld [tilespmem:s12+$0x2830];
	v22 =	vmul.f32 v28, v28;
	v45 =	vsub.f32 v59, v7;
	v46 =	vsub.f32 v46, v8  }
0x170: {  	v31 =	vld [tilespmem:s12+$0x2810];
	v20 =	vmul.f32 v19, v19;
	v21 =	vsub.f32 v47, v9;
	v41 =	vsub.f32 v61, v7  }
0x171: {  	v28 =	vld [tilespmem:s12+$0x0];
	v19 =	vmul.f32 v25, v25;
	v55 =	vmul.f32 v24, v24;
	v49 =	vsub.f32 v49, v8  }
0x172: {  	v24 =	vsub.f32 v50, v9;
	v25 =	vsub.f32 v51, v9;
	v51 =	vmul.f32 v33, v33  }
0x173: {  	v14 =	vld [tilespmem:s12+$0x5050];
	v47 =	vsub.f32 v62, v7;
	v57 =	vmul.f32 v42, v42;
	v58 =	vmul.f32 v43, v43  }
0x174: {  	v50 =	vsub.f32 v63, v8;
	v44 =	vmul.f32 v44, v44;
	v37 =	vmul.f32 v60, v60  }
0x175: {  	v54 =	vld [tilespmem:s12+$0x2840];
	v31 =	vsub.f32 v31, v8;
	v61 =	vmul.f32 v40, v40;
	v48 =	vmul.f32 v48, v48  }
0x176: {  	v56 =	vld [tilespmem:s12+$0x20];
	v60 =	vsub.f32 v28, v7;
	v62 =	vmul.f32 v45, v45;
	v46 =	vmul.f32 v46, v46  }
0x177: {  	v33 =	vld [tilespmem:s12+$0x10];
	v63 =	vmul.f32 v41, v41;
	v28 =	vadd.f32 v52, v36;
	v27 =	vadd.f32 v51, v32  }
0x178: {  	v42 =	vld [tilespmem:s12+$0x2820];
	v49 =	vmul.f32 v49, v49;
	v29 =	vadd.f32 v58, v57;
	v14 =	vsub.f32 v14, v9  }
0x179: {  	vm9 =	vmmov vm4;
	v30 =	vadd.f32 v37, v44;
	v32 =	vadd.f32 v48, v61  }
0x17a: {  	p0 =	seq.s32 s10, $0x9C00;
	v59 =	vmul.f32 v39, v39;
	v37 =	vadd.f32 v49, v63;
	v36 =	vadd.f32 v46, v62  }
.Ltmp2:
0x17b: {  	v41 =	vmul.f32 v50, v50;
	v54 =	vsub.f32 v54, v8;
	v43 =	vsub.f32 v56, v7;
	(pc) =	sbr.rel @!p0 .LBB2_3-.Ltmp2, $4  }
0x17c: {  	v56 =	vmul.f32 v38, v38;
	v45 =	vsub.f32 v33, v7;
	v38 =	vmul.f32 v47, v47  }
0x17d: {  	v2 =	vsub.f32 v42, v8;
	v42 =	vmul.f32 v60, v60;
	v39 =	vmul.f32 v54, v54  }
0x17e: {  	v33 =	vadd.f32 v55, v53;
	v40 =	vmul.f32 v43, v43;
	v43 =	vmul.f32 v31, v31  }
0x17f: {  	s10 =	sadd.s32 $0x400, s10;
	v44 =	vmul.f32 v45, v45;
	v31 =	vadd.f32 v59, v56;
	v45 =	vmul.f32 v2, v2  }
0x180: {  	v2 =	vadd.f32 v41, v40  }
0x181: {  	v38 =	vadd.f32 v39, v38;
	v55 =	vadd.f32 v43, v42;
	v24 =	vmul.f32 v24, v24  }
0x182: {  	v10 =	vmul.f32 v10, v10;
	v25 =	vmul.f32 v25, v25;
	v56 =	vadd.f32 v45, v44  }
0x183: {  	v11 =	vmul.f32 v11, v11;
	v21 =	vmul.f32 v21, v21;
	v24 =	vadd.f32 v24, v55  }
0x184: {  	v12 =	vmul.f32 v12, v12;
	v14 =	vmul.f32 v14, v14;
	v25 =	vadd.f32 v25, v56  }
0x185: {  	v13 =	vmul.f32 v13, v13;
	v2 =	vadd.f32 v21, v2;
	vm1 =	vle.f32 v24, $9.999999770e-03  }
0x186: {  	v14 =	vadd.f32 v14, v38;
	v57 =	vmpcnt.ones.xlane vm1;
	vm1 =	vle.f32 v25, $9.999999770e-03  }
0x187: {  	v13 =	vadd.f32 v13, v37;
	v58 =	vmpcnt.ones.xlane vm1;
	vm1 =	vle.f32 v2, $9.999999770e-03  }
0x188: {  	v2 =	vadd.f32 v12, v36;
	v12 =	vmpcnt.ones.xlane vm1;
	vm1 =	vle.f32 v14, $9.999999770e-03  }
0x189: {  	v11 =	vadd.f32 v11, v32;
	v14 =	vmpcnt.ones.xlane vm1;
	vm1 =	vle.f32 v13, $9.999999770e-03  }
0x18a: {  	v10 =	vadd.f32 v10, v31;
	v13 =	vmpcnt.ones.xlane vm1;
	vm1 =	vle.f32 v2, $9.999999770e-03  }
0x18b: {  	v2 =	vadd.f32 v23, v30;
	v59 =	vmpcnt.ones.xlane vm1;
	vm1 =	vle.f32 v11, $9.999999770e-03  }
0x18c: {  	v11 =	vadd.f32 v22, v29;
	v60 =	vmpcnt.ones.xlane vm1;
	vm1 =	vle.f32 v10, $9.999999770e-03  }
0x18d: {  	v61 =	vmpcnt.ones.xlane vm1;
	vm1 =	vle.f32 v2, $9.999999770e-03  }
0x18e: {  	v2 =	vadd.f32 v15, v26;
	v15 =	vmpcnt.ones.xlane vm1;
	vm1 =	vle.f32 v11, $9.999999770e-03;
	v11 =	vld [tilespmem:$0x1FFF0];
	_ =	sdelay $0x3  }
0x18f: {  	v17 =	vadd.f32 v17, v28;
	v20 =	vadd.f32 v20, v34  }
0x190: {  	vm4 =	vcmask $0x308;
	v10 =	vadd.f32 v19, v27;
	vm0 =	vnez.u8 v11  }
0x191: {  	v62 =	vsel vm4, $0x0, v58;
	v63 =	vmpcnt.ones.xlane vm1;
	v11 =	vnsel vm0, $0x0, v57  }
0x192: {  	vm1 =	vle.f32 v10, $9.999999770e-03;
	v10 =	vadd.s32 v11, v62;
	v11 =	vsel vm11, $0x0, v12  }
0x193: {  	v12 =	vmpcnt.ones.xlane vm1;
	v10 =	vadd.s32 v11, v10;
	v11 =	vsel vm12, $0x0, v14  }
0x194: {  	vm1 =	vle.f32 v2, $9.999999770e-03;
	v2 =	vadd.s32 v11, v10;
	v10 =	vsel vm13, $0x0, v13  }
0x195: {  	v16 =	vadd.f32 v16, v33;
	v2 =	vadd.s32 v10, v2;
	v10 =	vsel vm10, $0x0, v59  }
0x196: {  	v11 =	vmpcnt.ones.xlane vm1;
	v2 =	vadd.s32 v10, v2;
	v10 =	vsel vm9, $0x0, v60  }
0x197: {  	vm1 =	vle.f32 v20, $9.999999770e-03;
	v2 =	vadd.s32 v10, v2;
	v10 =	vsel vm8, $0x0, v61  }
0x198: {  	v13 =	vmpcnt.ones.xlane vm1;
	v2 =	vadd.s32 v10, v2;
	v10 =	vsel vm7, $0x0, v15  }
0x199: {  	vm1 =	vle.f32 v16, $9.999999770e-03;
	v2 =	vadd.s32 v10, v2;
	v10 =	vsel vm6, $0x0, v63  }
0x19a: {  	v14 =	vmpcnt.ones.xlane vm1;
	v2 =	vadd.s32 v10, v2;
	v10 =	vsel vm5, $0x0, v12  }
0x19b: {  	vm1 =	vle.f32 v17, $9.999999770e-03;
	v2 =	vadd.s32 v10, v2;
	v10 =	vsel vm14, $0x0, v11  }
0x19c: {  	v11 =	vmpcnt.ones.xlane vm1;
	v2 =	vadd.s32 v10, v2;
	v10 =	vsel vm15, $0x0, v13  }
0x19d: {  	v2 =	vadd.s32 v10, v2;
	v10 =	vsel vm2, $0x0, v14  }
0x19e: {  	v2 =	vadd.s32 v10, v2;
	v10 =	vsel vm3, $0x0, v11  }
0x19f: {  	v2 =	vadd.s32 v10, v2;
	v10 =	vld [tilespmem:$0x1FFE0]  }
0x1a0: {  	v18 =	vadd.f32 v18, v35;
	_ =	sdelay $0x1  }
0x1a1: {  	vm1 =	vle.f32 v18, $9.999999770e-03  }
0x1a2: {  	v12 =	vmpcnt.ones.xlane vm1  }
0x1a3: {  	vm0 =	vnez.u8 v10  }
0x1a4: {  	v10 =	vsel vm0, $0x0, v12  }
0x1a5: {  	s3 =	sadd.s32 $0x10, s9;
	v2 =	vadd.s32 v10, v2  }
0x1a6: {  	[tilespmem:s3+$0x0] =	vst v2  }
0x1a7: {  	v2 =	vld [tilespmem:$0x1FFF0];
	_ =	sdelay $0x4  }
0x1a8: {  	vm0 =	vnez.u8 v2;
	v2 =	vld [tilespmem:s8+$0x0];
	_ =	sdelay $0x4  }
0x1a9: {  	vm1 =	vgt.s32 v2, $0x0  }
0x1aa: {  	v2 =	vsel vm1, $0x1, v0  }
0x1ab: {  	(xrf0) =	vadd.scan.msk.s32 $0xffff, v2;
	_ =	sdelay $0x5  }
0x1ac: {  	v10, _, _ =	vpop (xrf0)  }
0x1ad: {  	(v2sf) =	vpush v10, $0xF  }
0x1ae: {  	v2 =	vor.u32 s7, v1  }
0x1af: {  	s8 =	simm.s32 $0xCA00;
	[tilespmem:s7+$0xCC70] =	vst.msk vm1, v2  }
0x1b0: {  	s9 =	simm.s32 $0x20;
	v13 =	vimm.f32 $+Inf;
	s3 =	simm.s32 $0x10;
	v10 =	vld [tilespmem:s8+$0x0]  }
.LBB2_5:
0x1b1: {  	p0 =	seq.s32 s9, $0x270;
	_ =	sdelay $0x3  }
0x1b2: {  	vm1 =	vgt.s32 v10, $0x0  }
0x1b3: {  	v2 =	vsel vm1, $0x1, v0  }
0x1b4: {  	(xrf0) =	vadd.scan.msk.s32 $0xffff, v2;
	_ =	sdelay $0x4  }
0x1b5: {  	s10 =	spop (v2sf)  }
.Ltmp3:
0x1b6: {  	v2, _, _ =	vpop (xrf0);
	s7 =	sadd.s32 s7, s10;
	(pc) =	sbr.rel @!p0 .LBB2_5-.Ltmp3, $4  }
0x1b7: {  	(v2sf) =	vpush v2, $0xF;
	p1 =	slt.s32 s7, $0xE0  }
0x1b8: {  	v2 =	vor.u32 s3, v1;
	s3 =	smov.u32 s9;
	s7 =	simm.s32 @!p1 $0xE0  }
0x1b9: {  	s8 =	sadd.s32 $0x10, s8;
	[tilespmem:s7+$0xCC70] =	vst.msk vm1, v2  }
0x1ba: {  	s9 =	sadd.s32 $0x10, s9;
	v10 =	vld [tilespmem:s8+$0x0]  }
0x1bb: {  	_ =	sdelay $0x3  }
0x1bc: {  	vm1 =	vgt.s32 v10, $0x0  }
0x1bd: {  	v2 =	vsel vm1, $0x1, v0  }
0x1be: {  	(xrf0) =	vadd.scan.msk.s32 $0xffff, v2;
	_ =	sdelay $0x5  }
0x1bf: {  	v2, _, _ =	vpop (xrf0)  }
0x1c0: {  	(v2sf) =	vpush v2, $0xF;
	_ =	sdelay $0xb  }
0x1c1: {  	s8 =	spop (v2sf)  }
0x1c2: {  	s9 =	sadd.s32 s7, s8  }
0x1c3: {  	p0 =	slt.s32 s9, $0xE0  }
0x1c4: {  	s9 =	simm.s32 @!p0 $0xE0;
	s23 =	spop (v2sf)  }
0x1c5: {  	s26 =	sadd.s32 s9, s23  }
0x1c6: {  	p0 =	slt.s32 s26, $0xE0;
	s7 =	smov.u32 s26  }
0x1c7: {  	s7 =	simm.s32 @!p0 $0xE0;
	p0 =	slt.s32 s26, $0x1  }
.Ltmp4:
0x1c8: {  	_ = 	snop;
	(pc) =	sbr.rel @p0 .LBB2_7-.Ltmp4, $3  }
0x1c9: {  	_ =	sdelay $0x1  }
0x1ca: {  	v2 =	vor.u32 s3, v1  }
0x1cb: {  	[tilespmem:s9+$0xCC70] =	vst.msk vm1, v2  }
0x1cc: {  	p1 =	sne.s32 s7, $0x1  }
.Ltmp5:
0x1cd: {  	_ = 	snop;
	(pc) =	sbr.rel @!p1 .LBB2_10-.Ltmp5, $3  }
0x1ce: {  	_ =	sdelay $0x1  }
0x1cf: {  	s8 =	simm.s32 $0xCC70  }
0x1d0: {  	s3 =	simm.s32 $0x0;
	s7 =	sadd.s32 $0xFFFFFFFF, s7;
	p0 =	por $0x0, $0x0;
	v10 =	vld [tilespmem:s8+$0x0]  }
0x1d1: {  	_ =	sdelay $0x3  }
0x1d2: {  	(v2sf) =	vpush v10, $0x0;
	_ =	sdelay $0xe  }
0x1d3: {  	s8 =	spop (v2sf)  }
0x1d4: {  	s8 =	sshll.u32 s8, $0x4  }
0x1d5: {  	v2 =	vld [tilespmem:s8+$0x0]  }
0x1d6: {  	v10 =	vld [tilespmem:s8+$0x2810];
	_ =	sdelay $0x1  }
0x1d7: {  	v11 =	vld [tilespmem:s8+$0x5020];
	_ =	sdelay $0x2  }
0x1d8: {  	v2 =	vsub.f32 v2, v7;
	v10 =	vsub.f32 v10, v8;
	_ =	sdelay $0x1  }
0x1d9: {  	v11 =	vsub.f32 v11, v9;
	v2 =	vmul.f32 v2, v2;
	v10 =	vmul.f32 v10, v10;
	_ =	sdelay $0x1  }
0x1da: {  	v2 =	vadd.f32 v10, v2;
	v10 =	vmul.f32 v11, v11;
	_ =	sdelay $0x1  }
0x1db: {  	v2 =	vadd.f32 v10, v2  }
0x1dc: {  	p1 =	sne.s32 s7, $0x1  }
.Ltmp6:
0x1dd: {  	v10 =	vor.u32 s8, v1;
	vm1 =	vle.f32 v2, $9.999999770e-03;
	(pc) =	sbr.rel @!p1 .LBB2_12-.Ltmp6, $4  }
0x1de: {  	[tilespmem:s3+$0xCD70] =	vst.msk vm1, v10;
	v10 =	vsel vm1, $0x1, v0  }
0x1df: {  	s8 =	simm.s32 $0xCC71;
	[tilespmem:s3+$0xCE70] =	vst.msk vm1, v2;
	(xrf0) =	vadd.scan.msk.s32 $0xffff, v10  }
0x1e0: {  	v10 =	vld [tilespmem:s8+$0x0]  }
0x1e1: {  	s9 =	sadd.s32 $0xFFFFFFFF, s7;
	p0 =	por $0x1, $0x1;
	s7 =	simm.s32 $0x0  }
.LBB2_13:
0x1e2: {  	p1 =	sne.s32 s9, $0x1;
	_ =	sdelay $0x2  }
0x1e3: {  	(v2sf) =	vpush v10, $0x0;
	v2, _, _ =	vpop (xrf0)  }
0x1e4: {  	(v2sf) =	vpush v2, $0xF;
	_ =	sdelay $0xd  }
0x1e5: {  	s10 =	spop (v2sf)  }
0x1e6: {  	s10 =	sshll.u32 s10, $0x4;
	s12 =	spop (v2sf)  }
0x1e7: {  	v2 =	vld [tilespmem:s10+$0x0];
	v10 =	vor.u32 s10, v1;
	s7 =	sadd.s32 s7, s12  }
0x1e8: {  	v11 =	vld [tilespmem:s10+$0x2810];
	p2 =	slt.s32 s7, $0xE0  }
0x1e9: {  	s7 =	simm.s32 @!p2 $0xE0  }
0x1ea: {  	v12 =	vld [tilespmem:s10+$0x5020];
	_ =	sdelay $0x2  }
0x1eb: {  	v2 =	vsub.f32 v2, v7;
	v11 =	vsub.f32 v11, v8;
	_ =	sdelay $0x1  }
0x1ec: {  	v2 =	vmul.f32 v2, v2;
	v12 =	vsub.f32 v12, v9;
	v11 =	vmul.f32 v11, v11;
	_ =	sdelay $0x1  }
0x1ed: {  	v2 =	vadd.f32 v11, v2;
	v11 =	vmul.f32 v12, v12;
	_ =	sdelay $0x1  }
0x1ee: {  	v2 =	vadd.f32 v11, v2;
	_ =	sdelay $0x1  }
.Ltmp7:
0x1ef: {  	vm1 =	vle.f32 v2, $9.999999770e-03;
	(pc) =	sbr.rel @p1 .LBB2_13-.Ltmp7, $4  }
0x1f0: {  	[tilespmem:s7+$0xCD70] =	vst.msk vm1, v10;
	v10 =	vsel vm1, $0x1, v0  }
0x1f1: {  	s8 =	sadd.s32 $0x1, s8;
	[tilespmem:s7+$0xCE70] =	vst.msk vm1, v2;
	(xrf0) =	vadd.scan.msk.s32 $0xffff, v10  }
0x1f2: {  	v10 =	vld [tilespmem:s8+$0x0]  }
0x1f3: {  	s9 =	sadd.s32 $0xFFFFFFFF, s9  }
.LBB2_14:
0x1f4: {  	_ =	sdelay $0x2  }
0x1f5: {  	(v2sf) =	vpush v10, $0x0;
	_ =	sdelay $0xe  }
0x1f6: {  	s8 =	spop (v2sf)  }
0x1f7: {  	s8 =	sshll.u32 s8, $0x4  }
0x1f8: {  	v2 =	vld [tilespmem:s8+$0x0]  }
0x1f9: {  	v63 =	vld [tilespmem:s8+$0x2810];
	_ =	sdelay $0x1  }
0x1fa: {  	v11 =	vld [tilespmem:s8+$0x5020];
	_ =	sdelay $0x2  }
0x1fb: {  	v2 =	vsub.f32 v2, v7;
	v7 =	vsub.f32 v63, v8;
	_ =	sdelay $0x1  }
0x1fc: {  	v8 =	vsub.f32 v11, v9;
	v2 =	vmul.f32 v2, v2;
	v7 =	vmul.f32 v7, v7;
	_ =	sdelay $0x1  }
0x1fd: {  	v2 =	vadd.f32 v7, v2;
	v7 =	vmul.f32 v8, v8;
	_ =	sdelay $0x1  }
0x1fe: {  	v2 =	vadd.f32 v7, v2;
	_ =	sdelay $0x1  }
0x1ff: {  	vm1 =	vle.f32 v2, $9.999999770e-03  }
0x200: {  	v7 =	vsel vm1, $0x1, v0;
	_ =	sdelay $0x1  }
0x201: {  	(xrf0) =	vadd.scan.msk.s32 $0xffff, v7  }
0x202: {  	v7, _, _ =	vpop @p0 (xrf0)  }
0x203: {  	(v2sf) =	vpush @p0 v7, $0xF;
	_ =	sdelay $0x3  }
0x204: {  	v7, _, _ =	vpop (xrf0)  }
0x205: {  	(v2sf) =	vpush v7, $0xF;
	_ =	sdelay $0x9  }
0x206: {  	s9 =	spop @p0 (v2sf)  }
0x207: {  	s7 =	sadd.s32 @p0 s7, s9  }
0x208: {  	p1 =	slt.s32 @p0 s7, $0xE0  }
0x209: {  	p1 =	por !p1, !p0  }
0x20a: {  	s7 =	simm.s32 @p1 $0xE0  }
0x20b: {  	s26 =	spop (v2sf);
	s3 =	smov.u32 @p0 s7  }
0x20c: {  	s7 =	sadd.s32 s3, s26  }
0x20d: {  	p1 =	slt.s32 s7, $0x41  }
.Ltmp8:
0x20e: {  	_ = 	snop;
	(pc) =	sbr.rel @p1 .LBB2_8-.Ltmp8, $4  }
0x20f: {  	_ = 	snop  }
0x210: {  	v7 =	vor.u32 s8, v1  }
0x211: {  	[tilespmem:s3+$0xCD70] =	vst.msk vm1, v7;
	p0 =	slt.s32 s7, $0xE0  }
0x212: {  	[tilespmem:s3+$0xCE70] =	vst.msk vm1, v2;
	s7 =	simm.s32 @!p0 $0xE0  }
0x213: {  	v7 =	vmov s7;
	s8 =	simm.s32 $0x0;
	s9 =	simm.s32 $0x0  }
.LBB2_16:
0x214: {  	s10 =	simm.s32 $0xCE70  }
0x215: {  	s19 =	simm.s32 $0xCE80;
	v2 =	vld [tilespmem:s10+$0x0]  }
0x216: {  	v8 =	vld [tilespmem:s19+$0x0];
	_ =	sdelay $0x1  }
0x217: {  	s20 =	simm.s32 $0x10;
	v9 =	vor.u32 s8, v1  }
0x218: {  	vm1 =	vlt.s32 v9, v7;
	v9 =	vor.u32 s20, v1  }
0x219: {  	v2 =	vnsel vm1, $0x7F800000, v2;
	vm1 =	vlt.s32 v9, v7  }
0x21a: {  	(xrf0) =	vmin.scan.msk.f32 $0xffff, v2;
	v2 =	vnsel vm1, $0x7F800000, v8  }
0x21b: {  	s22 =	simm.s32 $0xCE90;
	(xrf0) =	vmin.scan.msk.f32 $0xffff, v2  }
0x21c: {  	s26 =	simm.s32 $0x20;
	v2 =	vld [tilespmem:s22+$0x0]  }
0x21d: {  	s12 =	simm.s32 $0x30;
	v9 =	vor.u32 s26, v1  }
0x21e: {  	vm1 =	vlt.s32 v9, v7;
	v9 =	vor.u32 s12, v1;
	_ =	sdelay $0x1  }
0x21f: {  	v10, _, _ =	vpop (xrf0)  }
0x220: {  	v2 =	vnsel vm1, $0x7F800000, v2;
	vm1 =	vlt.s32 v9, v7;
	(v2sf) =	vpush v10, $0xF;
	v9, _, _ =	vpop (xrf0)  }
0x221: {  	(v2sf) =	vpush v9, $0xF;
	_ =	sdelay $0x2  }
0x222: {  	s23 =	simm.s32 $0xCEA0  }
0x223: {  	v8 =	vld [tilespmem:s23+$0x0];
	(xrf0) =	vmin.scan.msk.f32 $0xffff, v2;
	_ =	sdelay $0x4  }
0x224: {  	s3 =	simm.f32 $+Inf;
	s10 =	simm.s32 $0x40;
	s12 =	simm.s32 $0xCEB0;
	v8 =	vnsel vm1, $0x7F800000, v8  }
.LBB2_17:
0x225: {  	v2 =	vld [tilespmem:s12+$0x0];
	p0 =	seq.s32 s10, $0xD0;
	(xrf0) =	vmin.scan.msk.f32 $0xffff, v8;
	v8, _, _ =	vpop (xrf0);
	s14 =	smov.u32 s10;
	s10 =	sadd.s32 $0x10, s10  }
.Ltmp9:
0x226: {  	(v2sf) =	vpush v8, $0xF;
	(pc) =	sbr.rel @!p0 .LBB2_17-.Ltmp9, $4  }
0x227: {  	_ = 	snop  }
0x228: {  	v8 =	vor.u32 s14, v1  }
0x229: {  	vm1 =	vlt.s32 v8, v7;
	s14 =	spop (v2sf)  }
0x22a: {  	s12 =	sadd.s32 $0x10, s12;
	v8 =	vnsel vm1, $0x7F800000, v2;
	s3 =	smin.f32 s3, s14  }
0x22b: {  	(xrf0) =	vmin.scan.msk.f32 $0xffff, v8;
	_ =	sdelay $0x4  }
0x22c: {  	v2, _, _ =	vpop (xrf0)  }
0x22d: {  	(v2sf) =	vpush v2, $0xF;
	v2, _, _ =	vpop (xrf0)  }
0x22e: {  	(v2sf) =	vpush v2, $0xF;
	_ =	sdelay $0xb  }
0x22f: {  	s10 =	spop (v2sf);
	s12 =	simm.s32 $0xCE70  }
0x230: {  	s3 =	smin.f32 s3, s10;
	v2 =	vld [tilespmem:s12+$0x0];
	s14 =	spop (v2sf)  }
0x231: {  	s3 =	smin.f32 s3, s14;
	s15 =	spop (v2sf)  }
0x232: {  	s18 =	simm.s32 $0xCE80;
	s3 =	smin.f32 s3, s15;
	s16 =	spop (v2sf)  }
0x233: {  	s17 =	simm.s32 $0x0;
	v10 =	vld [tilespmem:s18+$0x0];
	s3 =	smin.f32 s3, s16  }
0x234: {  	s19 =	simm.s32 $0xCE90;
	v9 =	vor.u32 s17, v1;
	v8 =	vmov s3  }
0x235: {  	s20 =	simm.s32 $0x10;
	v11 =	vld [tilespmem:s19+$0x0];
	vm1 =	vlt.s32 v9, v7;
	v9 =	vor.u32 $0x80000000, v1;
	vm2 =	veq.f32 v2, v8  }
0x236: {  	v12 =	vor.u32 s17, v9;
	v2 =	vor.u32 s20, v1;
	vm1 =	vmand vm1, vm2  }
0x237: {  	vm2 =	vlt.s32 v2, v7;
	v2 =	vnsel vm1, $0x800F4240, v12  }
0x238: {  	s14 =	simm.s32 $0x20;
	vm3 =	veq.f32 v10, v8;
	(xrf0) =	vmin.scan.msk.u32 $0xffff, v2  }
0x239: {  	v10 =	vor.u32 s14, v1;
	vm1 =	vmand vm2, vm3  }
0x23a: {  	v12 =	vor.u32 s20, v9;
	vm2 =	vlt.s32 v10, v7;
	vm3 =	veq.f32 v11, v8  }
0x23b: {  	s22 =	simm.s32 $0xCEA0;
	v10 =	vnsel vm1, $0x800F4240, v12;
	vm1 =	vmand vm2, vm3;
	v2 =	vor.u32 s14, v9  }
0x23c: {  	(xrf0) =	vmin.scan.msk.u32 $0xffff, v10;
	v10 =	vld [tilespmem:s22+$0x0];
	v2 =	vnsel vm1, $0x800F4240, v2  }
0x23d: {  	(xrf0) =	vmin.scan.msk.u32 $0xffff, v2  }
0x23e: {  	s26 =	simm.s32 $0x30;
	v12, _, _ =	vpop (xrf0)  }
0x23f: {  	v11 =	vor.u32 s26, v1;
	(v2sf) =	vpush v12, $0xF  }
0x240: {  	vm1 =	vlt.s32 v11, v7;
	v11 =	vor.u32 s26, v9  }
0x241: {  	vm2 =	veq.f32 v10, v8  }
0x242: {  	v10, _, _ =	vpop (xrf0);
	vm1 =	vmand vm1, vm2  }
0x243: {  	(v2sf) =	vpush v10, $0xF;
	v10 =	vnsel vm1, $0x800F4240, v11;
	v11, _, _ =	vpop (xrf0)  }
0x244: {  	(v2sf) =	vpush v11, $0xF;
	_ =	sdelay $0x1  }
0x245: {  	s23 =	simm.s32 $0xCEB0  }
0x246: {  	v2 =	vld [tilespmem:s23+$0x0];
	_ =	sdelay $0x2  }
0x247: {  	s10 =	simm.s32 $0x40;
	(xrf0) =	vmin.scan.msk.u32 $0xffff, v10  }
0x248: {  	v12 =	vor.u32 s10, v1  }
0x249: {  	s12 =	simm.s32 $0x50;
	s3 =	simm.s32 $0xF4240;
	s14 =	simm.s32 $0xCEC0;
	vm2 =	veq.f32 v2, v8;
	vm1 =	vlt.s32 v12, v7  }
.LBB2_19:
0x24a: {  	s15 =	smov.u32 s3;
	p0 =	sne.s32 s12, $0xD0  }
0x24b: {  	vm1 =	vmand vm1, vm2;
	v12 =	vor.u32 s10, v9;
	s10 =	smov.u32 s12;
	s12 =	sadd.s32 $0x10, s12;
	v2 =	vld [tilespmem:s14+$0x0];
	s3 =	spop (v2sf)  }
.Ltmp10:
0x24c: {  	v11 =	vnsel vm1, $0x800F4240, v12;
	s3 =	sxor.u32 $0x80000000, s3;
	(pc) =	sbr.rel @p0 .LBB2_19-.Ltmp10, $4  }
0x24d: {  	(xrf0) =	vmin.scan.msk.u32 $0xffff, v11;
	v10, _, _ =	vpop (xrf0);
	p1 =	slt.s32 s15, s3  }
0x24e: {  	(v2sf) =	vpush v10, $0xF;
	s3 =	smov.u32 @p1 s15  }
0x24f: {  	v10 =	vor.u32 s10, v1  }
0x250: {  	s14 =	sadd.s32 $0x10, s14;
	vm1 =	vlt.s32 v10, v7;
	vm2 =	veq.f32 v2, v8  }
0x251: {  	vm1 =	vmand vm1, vm2;
	v2 =	vor.u32 s10, v9  }
0x252: {  	v2 =	vnsel vm1, $0x800F4240, v2  }
0x253: {  	(xrf0) =	vmin.scan.msk.u32 $0xffff, v2;
	_ =	sdelay $0x3  }
0x254: {  	v2, _, _ =	vpop (xrf0)  }
0x255: {  	(v2sf) =	vpush v2, $0xF  }
0x256: {  	v2, _, _ =	vpop (xrf0)  }
0x257: {  	(v2sf) =	vpush v2, $0xF;
	_ =	sdelay $0x6  }
0x258: {  	s20 =	spop (v2sf)  }
0x259: {  	s10 =	sxor.u32 $0x80000000, s20  }
0x25a: {  	s12 =	spop (v2sf);
	p0 =	slt.s32 s3, s10  }
0x25b: {  	s10 =	smov.u32 @p0 s3;
	s3 =	sxor.u32 $0x80000000, s12  }
0x25c: {  	p0 =	slt.s32 s10, s3;
	s22 =	spop (v2sf)  }
0x25d: {  	s3 =	smov.u32 @p0 s10;
	s10 =	sxor.u32 $0x80000000, s22  }
0x25e: {  	p0 =	slt.s32 s3, s10;
	s23 =	spop (v2sf)  }
0x25f: {  	s10 =	smov.u32 @p0 s3;
	s3 =	sxor.u32 $0x80000000, s23  }
0x260: {  	p0 =	slt.s32 s10, s3;
	s26 =	spop (v2sf)  }
0x261: {  	s3 =	smov.u32 @p0 s10;
	s10 =	sxor.u32 $0x80000000, s26  }
0x262: {  	p0 =	slt.s32 s3, s10  }
0x263: {  	s10 =	smov.u32 @p0 s3  }
0x264: {  	v2 =	vmov s9;
	s9 =	sadd.s32 $0x1, s9;
	v8 =	vld.msk [tilespmem:s10+$0xCD70 ss:$0x0], $0xffff  }
0x265: {  	p0 =	seq.s32 s9, $0x40;
	v63 =	vmov s10  }
.Ltmp11:
0x266: {  	_ = 	snop;
	(pc) =	sbr.rel @!p0 .LBB2_16-.Ltmp11, $4  }
.Ltmp12:
0x267: {  	_ = 	snop;
	(pc) =	sbr.rel @p0 .LBB2_21-.Ltmp12, $4  }
0x268: {  	_ = 	snop  }
0x269: {  	[tilespmem:v2+s28+$0x0] =	vst.idx.msk $0x1, v8  }
0x26a: {  	vm2 =	vcmask $0x3338;
	vm3 =	vcmask $0x373C;
	[tilespmem:v63+s29+$0x0] =	vst.idx.msk $0x1, v13  }
0x26b: {  	_ = 	snop  }
.LBB2_10:
.Ltmp13:
0x26c: {  	(pc) =	sbr.rel .LBB2_14-.Ltmp13, $2  }
0x26d: {  	_ =	sdelay $0x2  }
0x26e: {  	s7 =	simm.s32 $0x0  }
.LBB2_12:
.Ltmp14:
0x26f: {  	(pc) =	sbr.rel .LBB2_14-.Ltmp14, $2  }
0x270: {  	_ =	sdelay $0x2  }
0x271: {  	s7 =	simm.s32 $0x0  }
.LBB2_22:
0x272: {  	s7 =	simm.s32 $0x0;
	s8 =	simm.s32 $0x8;
	s3 =	simm.s32 $0xCFC0  }
.LBB2_23:
0x273: {  	s9 =	sshll.u32 s7, $0x9  }
0x274: {  	s9 =	sand.u32 $0x3FFFFE00, s9  }
0x275: {  	s9 =	sadd.s32 $0xCFC0, s9  }
0x276: {  	[tilespmem:s0], [sflag:$0x2] =	stream.indirect.gather [hbm4b:s2+s31], $0x20, s9, s31, $0xb8;
	[tilespmem:$0x12860] =	vst v63  }
0x277: {  	_ =	swait.ge [sflag:s4], $0x4000  }
0x278: {  	s10 =	sshll.u32 s7, $0x3;
	[sflag:s4] =	ssyncset.done $0x0  }
0x279: {  	s19 =	simm.s32 $0xE440;
	s12 =	smov.u32 s3;
	[sflag:s4] =	ssyncadd.s32 $0xFFFFC000  }
.LBB2_24:
0x27a: {  	v7 =	vld [tilespmem:s10+$0xA080]  }
0x27b: {  	v8 =	vld [tilespmem:s10+$0xA0E0]  }
0x27c: {  	v9 =	vld [tilespmem:s10+$0xA140]  }
0x27d: {  	v10 =	vld [tilespmem:s10+$0xE3D0];
	s9 =	simm.s32 $0x40;
	s14 =	simm.s32 $0x0  }
.LBB2_25:
0x27e: {  	p0 =	seq.s32 s9, $0xFC0;
	[tilespmem:s14+$0x12430] =	vst v3;
	s14 =	smov.u32 s9;
	s9 =	sadd.s32 $0x40, s9  }
.Ltmp15:
0x27f: {  	(pc) =	sbr.rel @!p0 .LBB2_25-.Ltmp15, $2  }
0x280: {  	_ =	sdelay $0x2  }
0x281: {  	s14 =	sshra.s32 s14, $0x2  }
0x282: {  	(v2sf) =	vpush v7, $0x0  }
0x283: {  	(v2sf) =	vpush v8, $0x0  }
0x284: {  	(v2sf) =	vpush v9, $0x0;
	_ =	sdelay $0x8  }
0x285: {  	[tilespmem:s14+$0x12430] =	vst v3  }
0x286: {  	v2 =	vld [tilespmem:s12+$0x0];
	_ =	sdelay $0x2  }
0x287: {  	s14 =	spop (v2sf)  }
0x288: {  	(v2sf) =	vpush v10, $0x0;
	s15 =	spop (v2sf)  }
0x289: {  	s16 =	spop (v2sf);
	(v2sf) =	vpush v2, $0x0;
	_ =	sdelay $0xd  }
0x28a: {  	s17 =	spop (v2sf)  }
0x28b: {  	s9 =	spop (v2sf)  }
0x28c: {  	v2 =	vld [tilespmem:s9+$0x0]  }
0x28d: {  	v7 =	vld [tilespmem:s9+$0x2810];
	_ =	sdelay $0x1  }
0x28e: {  	v8 =	vld [tilespmem:s9+$0x5020];
	_ =	sdelay $0x1  }
0x28f: {  	(v2sf) =	vpush v2, $0x0  }
0x290: {  	(v2sf) =	vpush v7, $0x0;
	_ =	sdelay $0x1  }
0x291: {  	(v2sf) =	vpush v8, $0x0;
	_ =	sdelay $0xb  }
0x292: {  	s22 =	spop (v2sf)  }
0x293: {  	s9 =	ssub.f32 s22, s14;
	s18 =	spop (v2sf)  }
0x294: {  	s18 =	ssub.f32 s18, s15  }
0x295: {  	s20 =	spop (v2sf)  }
0x296: {  	s20 =	ssub.f32 s20, s16;
	v2 =	vsub.f32 s9, v4;
	v7 =	vsub.f32 s18, v5;
	_ =	sdelay $0x1  }
0x297: {  	v8 =	vsub.f32 s20, v6;
	v2 =	vmul.f32 v2, v2;
	v7 =	vmul.f32 v7, v7;
	_ =	sdelay $0x1  }
0x298: {  	v8 =	vmul.f32 v8, v8;
	v2 =	vadd.f32 v7, v2;
	_ =	sdelay $0x1  }
0x299: {  	v2 =	vadd.f32 v8, v2;
	_ =	sdelay $0x1  }
0x29a: {  	(xrf0) =	vmin.scan.msk.f32 $0xffff, v2;
	_ =	sdelay $0x5  }
0x29b: {  	v8, _, _ =	vpop (xrf0)  }
0x29c: {  	v7 =	vbroadcast v8, $0xF;
	_ =	sdelay $0x1  }
0x29d: {  	vm1 =	veq.f32 v2, v7;
	v7 =	vor.u32 $0x80000000, v1  }
0x29e: {  	v2 =	vnsel vm1, $0x80000010, v7  }
0x29f: {  	(xrf0) =	vmin.scan.msk.u32 $0xffff, v2  }
0x2a0: {  	(v2sf) =	vpush v8, $0xF;
	_ =	sdelay $0x4  }
0x2a1: {  	v2, _, _ =	vpop (xrf0)  }
0x2a2: {  	(v2sf) =	vpush v2, $0xF;
	_ =	sdelay $0x8  }
0x2a3: {  	s23 =	spop (v2sf)  }
0x2a4: {  	v2 =	vld [tilespmem:s19+$0xFFFFFFF0];
	s9 =	smul.f32 $-2.250000000e+02, s23;
	_ =	sdelay $0x1  }
0x2a5: {  	s9 =	sadd.f32 $1.000000000e+00, s9;
	_ =	sdelay $0x1  }
0x2a6: {  	p0 =	sgt.s32 s17, $0x0;
	s26 =	smax.f32 s9, $0.0e+00  }
0x2a7: {  	v8 =	vunpack.i.l.bf16.f32 v2;
	s26 =	simm.s32 @!p0 $0x0;
	s25 =	spop (v2sf)  }
0x2a8: {  	v2 =	vunpack.i.u.bf16.f32 v2;
	v8 =	vmul.f32 s26, v8;
	s9 =	sshll.u32 s25, $0x8  }
0x2a9: {  	v2 =	vmul.f32 s26, v2;
	s22 =	sshra.s32 s9, $0x2  }
0x2aa: {  	[tilespmem:s22+$0x12430] =	vst.add.f32.msk $0xffff, v8  }
0x2ab: {  	[tilespmem:s22+$0x12440] =	vst.add.f32.msk $0xffff, v2  }
0x2ac: {  	v2 =	vld [tilespmem:s19+$0x0];
	_ =	sdelay $0x4  }
0x2ad: {  	s18 =	simm.s32 $0x1;
	s25 =	smov.u32 s19;
	s9 =	smov.u32 s12;
	v8 =	vunpack.i.u.bf16.f32 v2;
	v9 =	vunpack.i.l.bf16.f32 v2  }
.LBB2_27:
0x2ae: {  	p0 =	sne.s32 s18, $0x3F;
	v2 =	vmul.f32 s26, v9;
	v8 =	vmul.f32 s26, v8;
	s9 =	sadd.s32 $0x1, s9;
	s25 =	sadd.s32 $0x20, s25  }
0x2af: {  	s20 =	smov.u32 s18;
	s18 =	sadd.s32 $0x1, s18  }
0x2b0: {  	[tilespmem:s22+$0x12450] =	vst.add.f32.msk $0xffff, v2  }
0x2b1: {  	[tilespmem:s22+$0x12460] =	vst.add.f32.msk $0xffff, v8  }
0x2b2: {  	v2 =	vld [tilespmem:s9+$0x0];
	_ =	sdelay $0x4  }
0x2b3: {  	(v2sf) =	vpush v2, $0x0;
	_ =	sdelay $0xe  }
0x2b4: {  	s22 =	spop (v2sf)  }
0x2b5: {  	v2 =	vld [tilespmem:s22+$0x0]  }
0x2b6: {  	v8 =	vld [tilespmem:s22+$0x2810]  }
0x2b7: {  	v9 =	vld [tilespmem:s22+$0x5020];
	_ =	sdelay $0x2  }
0x2b8: {  	(v2sf) =	vpush v2, $0x0  }
0x2b9: {  	(v2sf) =	vpush v8, $0x0  }
0x2ba: {  	(v2sf) =	vpush v9, $0x0;
	_ =	sdelay $0xc  }
0x2bb: {  	s22 =	spop (v2sf)  }
0x2bc: {  	s22 =	ssub.f32 s22, s14;
	s26 =	spop (v2sf)  }
0x2bd: {  	s26 =	ssub.f32 s26, s15;
	s23 =	spop (v2sf)  }
0x2be: {  	s23 =	ssub.f32 s23, s16;
	v2 =	vsub.f32 s22, v4  }
0x2bf: {  	v8 =	vsub.f32 s26, v5  }
0x2c0: {  	v9 =	vsub.f32 s23, v6;
	v2 =	vmul.f32 v2, v2  }
0x2c1: {  	v8 =	vmul.f32 v8, v8  }
0x2c2: {  	v9 =	vmul.f32 v9, v9  }
0x2c3: {  	v2 =	vadd.f32 v8, v2;
	_ =	sdelay $0x1  }
0x2c4: {  	v2 =	vadd.f32 v9, v2;
	_ =	sdelay $0x1  }
0x2c5: {  	(xrf0) =	vmin.scan.msk.f32 $0xffff, v2;
	_ =	sdelay $0x5  }
0x2c6: {  	v8, _, _ =	vpop (xrf0)  }
0x2c7: {  	v9 =	vbroadcast v8, $0xF;
	(v2sf) =	vpush v8, $0xF;
	_ =	sdelay $0x1  }
0x2c8: {  	vm1 =	veq.f32 v2, v9  }
0x2c9: {  	v2 =	vnsel vm1, $0x80000010, v7  }
0x2ca: {  	(xrf0) =	vmin.scan.msk.u32 $0xffff, v2;
	_ =	sdelay $0x5  }
0x2cb: {  	v2, _, _ =	vpop (xrf0)  }
0x2cc: {  	(v2sf) =	vpush v2, $0xF;
	_ =	sdelay $0x3  }
0x2cd: {  	s22 =	spop (v2sf)  }
0x2ce: {  	s22 =	smul.f32 $-2.250000000e+02, s22;
	_ =	sdelay $0x1  }
0x2cf: {  	s22 =	sadd.f32 $1.000000000e+00, s22;
	_ =	sdelay $0x1  }
0x2d0: {  	s26 =	smax.f32 s22, $0.0e+00  }
0x2d1: {  	v2 =	vld [tilespmem:s25+$0xFFFFFFF0];
	_ =	sdelay $0x3  }
0x2d2: {  	p1 =	slt.s32 s20, s17  }
0x2d3: {  	s26 =	simm.s32 @!p1 $0x0;
	v8 =	vunpack.i.u.bf16.f32 v2;
	v2 =	vunpack.i.l.bf16.f32 v2;
	s20 =	spop (v2sf)  }
0x2d4: {  	v2 =	vmul.f32 s26, v2;
	s20 =	sshll.u32 s20, $0x8;
	v8 =	vmul.f32 s26, v8  }
0x2d5: {  	s22 =	sshra.s32 s20, $0x2  }
0x2d6: {  	[tilespmem:s22+$0x12430] =	vst.add.f32.msk $0xffff, v2  }
0x2d7: {  	[tilespmem:s22+$0x12440] =	vst.add.f32.msk $0xffff, v8  }
0x2d8: {  	v2 =	vld [tilespmem:s25+$0x0]  }
.Ltmp16:
0x2d9: {  	(pc) =	sbr.rel @p0 .LBB2_27-.Ltmp16, $2  }
0x2da: {  	_ =	sdelay $0x2  }
0x2db: {  	v8 =	vunpack.i.u.bf16.f32 v2;
	v9 =	vunpack.i.l.bf16.f32 v2  }
0x2dc: {  	v2 =	vmul.f32 s26, v9  }
0x2dd: {  	v7 =	vmul.f32 s26, v8;
	s9 =	sadd.s32 s11, s10;
	s10 =	sadd.s32 $0x1, s10  }
0x2de: {  	s9 =	sshll.u32 s9, $0x7;
	p0 =	sne.s32 s10, s8;
	[tilespmem:s22+$0x12450] =	vst.add.f32.msk $0xffff, v2  }
.Ltmp17:
0x2df: {  	[tilespmem:s22+$0x12460] =	vst.add.f32.msk $0xffff, v7;
	s9 =	sadd.s32 s13, s9;
	(pc) =	sbr.rel @p0 .LBB2_24-.Ltmp17, $4  }
0x2e0: {  	[hbm4b:s9+s5] =	stream.linear.scatter [tilespmem:s1], [sflag:$0x3], $0x400, $0x38;
	[tilespmem:$0x12860] =	vst v63  }
0x2e1: {  	_ =	swait.ge [sflag:s21], $0x400  }
0x2e2: {  	[sflag:s21] =	ssyncset.done $0x0  }
0x2e3: {  	s12 =	sadd.s32 $0x40, s12;
	s19 =	sadd.s32 $0x800, s19;
	[sflag:s21] =	ssyncadd.s32 $0xFFFFFC00  }
0x2e4: {  	s7 =	sadd.s32 $0x1, s7  }
0x2e5: {  	p0 =	sne.s32 s7, $0xA  }
.Ltmp18:
0x2e6: {  	_ = 	snop;
	(pc) =	sbr.rel @p0 .LBB2_23-.Ltmp18, $2  }
0x2e7: {  	_ =	sdelay $0x2  }
0x2e8: {  	s8 =	sadd.s32 $0x8, s8;
	s3 =	sadd.s32 $0x200, s3  }
0x2e9: {  	s6 =	sadd.s32 $0x1, s6;
	s3 =	rddreg [dreg:$0x12]  }
0x2ea: {  	p0 =	sne.s32 s6, s3  }
.Ltmp19:
0x2eb: {  	_ = 	snop;
	(pc) =	sbr.rel @p0 .LBB2_1-.Ltmp19, $1  }
0x2ec: {  	_ =	sdelay $0x3  }
0x2ed: {  	_ =	sfence.sel $0x180000  }
0x2ee: {  	[bflag:$0x0] =	sbarrier.arrive $0xFFFF  }
0x2ef: {  	_ =	strace $0x90000047  }
0x2f0: {  	s0 =	stileid.u32;
	[bflag:$0x2] =	sbarrier.arrive $0xFFFF  }
0x2f1: {  	p0 =	sne.s32 s0, $0x0;
	s0 =	rddreg [dreg:$0x5]  }
0x2f2: {  	s0 =	sadd.s32 @!p0 $0x100000, s0  }
0x2f3: {  	[sflag:s0] =	ssyncadd.tile.s32 @!p0 $0x1;
	_ =	shalt  }
.Lfunc_end2:
_tile_overlayer_lowered:
.L_overlay_start_2:
0x2f4: {  	(tag) =	ssettag $0x2  }
0x2f5: {  	s0 =	rddreg [dreg:$0x0];
	s2 =	stileid.u32  }
0x2f6: {  	s1 =	rddreg [dreg:$0x1];
	p0 =	sne.s32 s2, $0x0  }
0x2f7: {  	s3 =	rddreg [dreg:$0x2];
	[bflag:$0x3] =	sbarrier.arrive $0xFFFF;
	s2 =	simm.s32 @!p0 $0x1C03  }
0x2f8: {  	[timem:s3], [sflag:s2] =	dma.local @!p0 [hbm:s0], s1  }
0x2f9: {  	s0 =	simm.s32 @!p0 $0x3  }
0x2fa: {  	_ =	swait.ge @!p0 [sflag:s0], s1  }
0x2fb: {  	s1 =	ssub.s32 @!p0 $0x0, s1;
	[sflag:s0] =	ssyncset.done @!p0 $0x0  }
0x2fc: {  	[sflag:s0] =	ssyncadd.s32 @!p0 s1  }
0x2fd: {  	[bflag:$0x3] =	sbarrier.arrive $0xFFFF  }
0x2fe: {  	_ =	shalt  }

</sc_bundles>
